<compile_context>
chip_gen: v7x
topology: tpu7x:2x2x1
jax: 0.10.2.dev20260603
libtpu: 0.0.44.dev20260713+nightly
codegen_flags: <defaults>
</compile_context>

<pallas_src>
import functools

import jax
import jax.numpy as jnp
from jax import lax
from jax.experimental import pallas as pl
from jax.experimental.pallas import tpu as pltpu
from jax.experimental.pallas import tpu_sc as plsc

B, IN_F, C, T = 4, 64, 10000, 12
OUT_F = 64
E = 80000
K = 3

NW = 32
R = 320
C_PAD = NW * R
DC = B * OUT_F
NCHUNK = T
EBLK = 2000
NBLK = E // EBLK
GB = 64
NTOT = float(C * T)
EPS = 1e-5

_mesh = plsc.VectorSubcoreMesh(core_axis_name="c", subcore_axis_name="s")
_sc_params = pltpu.CompilerParams(needs_layout_passes=False)


@functools.partial(
    pl.kernel,
    mesh=_mesh,
    compiler_params=_sc_params,
    out_type=jax.ShapeDtypeStruct((C_PAD,), jnp.float32),
    scratch_types=[
        pltpu.VMEM((EBLK,), jnp.int32),
        pltpu.VMEM((EBLK,), jnp.float32),
        pltpu.VMEM((R * 16,), jnp.float32),
        pltpu.VMEM((R,), jnp.float32),
    ],
)
def _deg_kernel(dst_hbm, w_hbm, deg_hbm, dstS, wS, dacc, degL):
    wid = lax.axis_index("s") * 2 + lax.axis_index("c")
    lo = wid * R
    iota = lax.iota(jnp.int32, 16)

    def zero(i, carry):
        dacc[pl.ds(i * 16, 16)] = jnp.zeros((16,), jnp.float32)
        return carry

    lax.fori_loop(0, R, zero, 0)

    def blk(b, carry):
        base = b * EBLK
        pltpu.sync_copy(dst_hbm.at[pl.ds(base, EBLK)], dstS)
        pltpu.sync_copy(w_hbm.at[pl.ds(base, EBLK)], wS)

        def grp(g, c2):
            d16 = dstS[pl.ds(g * 16, 16)]
            w16 = wS[pl.ds(g * 16, 16)]
            m = (d16 >= lo) & (d16 < lo + R)
            ld = jnp.where(m, d16 - lo, 0)
            plsc.addupdate_scatter(dacc, [ld * 16 + iota], w16, mask=m)
            return c2

        return lax.fori_loop(0, EBLK // 16, grp, carry)

    lax.fori_loop(0, NBLK, blk, 0)

    def red(g, carry):
        s = jnp.zeros((16,), jnp.float32)
        for col in range(16):
            s = s + plsc.load_gather(dacc, [(g * 16 + iota) * 16 + col])
        degL[pl.ds(g * 16, 16)] = 1.0 + s
        return carry

    lax.fori_loop(0, R // 16, red, 0)
    pltpu.sync_copy(degL, deg_hbm.at[pl.ds(lo, R)])


@functools.partial(
    pl.kernel,
    mesh=_mesh,
    compiler_params=_sc_params,
    out_type=jax.ShapeDtypeStruct((NCHUNK * C_PAD, DC), jnp.float32),
    scratch_types=[
        pltpu.VMEM((R, DC), jnp.float32),
        pltpu.VMEM((EBLK,), jnp.int32),
        pltpu.VMEM((EBLK,), jnp.int32),
        pltpu.VMEM((EBLK,), jnp.float32),
        pltpu.VMEM((EBLK + GB,), jnp.int32),
        pltpu.VMEM((EBLK + GB,), jnp.int32),
        pltpu.VMEM((EBLK + GB,), jnp.float32),
        pltpu.VMEM((C_PAD,), jnp.float32),
        pltpu.VMEM((GB, DC), jnp.float32),
        pltpu.VMEM((GB,), jnp.int32),
        pltpu.SemaphoreType.DMA,
    ],
)
def _agg_kernel(src_hbm, dst_hbm, w_hbm, dinv_hbm, xw_hbm, agg_hbm,
                acc, dstS, srcS, wS, Lsrc, Lbase, Lnorm, dinvL, rows, gidx,
                sem):
    wid = lax.axis_index("s") * 2 + lax.axis_index("c")
    lo = wid * R
    iota = lax.iota(jnp.int32, 16)
    pltpu.sync_copy(dinv_hbm, dinvL)

    def do_batches(j, cnt):
        def padg(i, carry):
            z16 = jnp.zeros((16,), jnp.int32)
            Lsrc[pl.ds(cnt + i * 16, 16)] = z16
            Lbase[pl.ds(cnt + i * 16, 16)] = z16
            Lnorm[pl.ds(cnt + i * 16, 16)] = jnp.zeros((16,), jnp.float32)
            return carry

        lax.fori_loop(0, GB // 16, padg, 0)
        nb = (cnt + GB - 1) // GB

        def batch(ib, carry):
            eb = ib * GB
            for q in range(GB // 16):
                gidx[pl.ds(q * 16, 16)] = (
                    Lsrc[pl.ds(eb + q * 16, 16)] + j * C_PAD)
            pltpu.async_copy(xw_hbm.at[gidx], rows, sem).wait()

            def edge(e, c4):
                sp = jnp.full((16,), eb + e, jnp.int32)
                nsp = plsc.load_gather(Lnorm, [sp])
                bsp = plsc.load_gather(Lbase, [sp])
                for k in range(DC // 16):
                    v = rows[e, pl.ds(k * 16, 16)]
                    plsc.addupdate_scatter(
                        acc, [bsp, iota + (k * 16)], v * nsp)
                return c4

            lax.fori_loop(0, GB, edge, 0)
            return carry

        lax.fori_loop(0, nb, batch, 0)

    def chunk_body(j, carry):
        def zero(r, c2):
            for k in range(DC // 16):
                acc[r, pl.ds(k * 16, 16)] = jnp.zeros((16,), jnp.float32)
            return c2

        lax.fori_loop(0, R, zero, 0)

        def blk(b, c2):
            base = b * EBLK
            pltpu.sync_copy(dst_hbm.at[pl.ds(base, EBLK)], dstS)
            pltpu.sync_copy(src_hbm.at[pl.ds(base, EBLK)], srcS)
            pltpu.sync_copy(w_hbm.at[pl.ds(base, EBLK)], wS)

            def grp(g, cn):
                d16 = dstS[pl.ds(g * 16, 16)]
                s16 = srcS[pl.ds(g * 16, 16)]
                w16 = wS[pl.ds(g * 16, 16)]
                m = (d16 >= lo) & (d16 < lo + R)
                nrm = (plsc.load_gather(dinvL, [s16]) * w16
                       * plsc.load_gather(dinvL, [d16]))
                plsc.store_compressed(Lsrc.at[pl.ds(cn, 16)], s16, mask=m)
                plsc.store_compressed(
                    Lbase.at[pl.ds(cn, 16)], d16 - lo, mask=m)
                plsc.store_compressed(Lnorm.at[pl.ds(cn, 16)], nrm, mask=m)
                return cn + jnp.sum(m.astype(jnp.int32))

            cnt = lax.fori_loop(0, EBLK // 16, grp, 0)
            do_batches(j, cnt)
            return c2

        lax.fori_loop(0, NBLK, blk, 0)

        def slg(g, c2):
            idx16 = lo + g * 16 + iota
            dv = plsc.load_gather(dinvL, [idx16])
            Lsrc[pl.ds(g * 16, 16)] = idx16
            Lbase[pl.ds(g * 16, 16)] = g * 16 + iota
            Lnorm[pl.ds(g * 16, 16)] = dv * dv
            return c2

        lax.fori_loop(0, R // 16, slg, 0)
        do_batches(j, R)
        pltpu.sync_copy(acc, agg_hbm.at[pl.ds(j * C_PAD + lo, R)])
        return carry

    lax.fori_loop(0, NCHUNK, chunk_body, 0)


CB = 200
NCB = C // CB
CBX = 40
NCBX = C // CBX


def _tc1_body(x_ref, w_ref, deg_ref, xw_ref, dinv_ref):
    w = w_ref[...]
    for b in range(B):
        xb = x_ref[b]
        xt = jnp.transpose(xb, (2, 1, 0))
        r = jnp.dot(xt.reshape(T * CBX, IN_F), w,
                    preferred_element_type=jnp.float32)
        xw_ref[:, :, b * OUT_F:(b + 1) * OUT_F] = r.reshape(NCHUNK, CBX, OUT_F)

    @pl.when(pl.program_id(0) == 0)
    def _():
        dg = deg_ref[...]
        dinv_ref[...] = jnp.where(dg > 0, lax.rsqrt(dg), 0.0)


def _tc2_body(a_ref, s_ref):
    blk = a_ref[...]
    s = jnp.sum(blk, axis=(0, 1))
    s2 = jnp.sum(blk * blk, axis=(0, 1))

    @pl.when(pl.program_id(0) == 0)
    def _():
        s_ref[...] = jnp.zeros((2, DC), jnp.float32)

    s_ref[...] += jnp.stack([s, s2])


def _tc3_body(a_ref, s1_ref, wt_ref, h2_ref, s2_ref):
    s1 = s1_ref[...]
    mu = s1[0] / NTOT
    var = s1[1] / NTOT - mu * mu
    inv = lax.rsqrt(var + EPS)
    a = a_ref[...]
    h1 = jnp.maximum((a - mu) * inv, 0.0)
    zpad = jnp.zeros((1, CB, DC), jnp.float32)
    h1p = jnp.concatenate([zpad, h1, zpad], axis=0)
    s_parts = []
    s2_parts = []
    for b in range(B):
        out = jnp.zeros((T * CB, OUT_F), jnp.float32)
        for k in range(K):
            seg = h1p[k:k + T, :, b * OUT_F:(b + 1) * OUT_F]
            out = out + jnp.dot(seg.reshape(T * CB, OUT_F), wt_ref[k],
                                preferred_element_type=jnp.float32)
        h2b = out.reshape(NCHUNK, CB, OUT_F)
        h2_ref[:, :, b * OUT_F:(b + 1) * OUT_F] = h2b
        s_parts.append(jnp.sum(h2b, axis=(0, 1)))
        s2_parts.append(jnp.sum(h2b * h2b, axis=(0, 1)))
    s = jnp.concatenate(s_parts)
    s2 = jnp.concatenate(s2_parts)

    @pl.when(pl.program_id(0) == 0)
    def _():
        s2_ref[...] = jnp.zeros((2, DC), jnp.float32)

    s2_ref[...] += jnp.stack([s, s2])


def _tc4_body(h2_ref, s2_ref, x_ref, o_ref):
    s2 = s2_ref[...]
    mu = s2[0] / NTOT
    var = s2[1] / NTOT - mu * mu
    inv = lax.rsqrt(var + EPS)
    h = jnp.maximum((h2_ref[...] - mu) * inv, 0.0)
    for b in range(B):
        hb = h[:, :, b * OUT_F:(b + 1) * OUT_F]
        ht = jnp.transpose(hb, (2, 1, 0))
        o_ref[b] = jnp.maximum(ht + x_ref[b], 0.0)


def _tc1_call(x, w_gcn, deg):
    return pl.pallas_call(
        _tc1_body,
        grid=(NCBX,),
        in_specs=[
            pl.BlockSpec((B, IN_F, CBX, T), lambda i: (0, 0, i, 0)),
            pl.BlockSpec((IN_F, OUT_F), lambda i: (0, 0)),
            pl.BlockSpec((C_PAD,), lambda i: (0,)),
        ],
        out_specs=[
            pl.BlockSpec((NCHUNK, CBX, DC), lambda i: (0, i, 0)),
            pl.BlockSpec((C_PAD,), lambda i: (0,)),
        ],
        out_shape=[
            jax.ShapeDtypeStruct((NCHUNK, C_PAD, DC), jnp.float32),
            jax.ShapeDtypeStruct((C_PAD,), jnp.float32),
        ],
    )(x, w_gcn, deg)


def _tc2_call(agg):
    return pl.pallas_call(
        _tc2_body,
        grid=(NCB,),
        in_specs=[pl.BlockSpec((NCHUNK, CB, DC), lambda i: (0, i, 0))],
        out_specs=pl.BlockSpec((2, DC), lambda i: (0, 0)),
        out_shape=jax.ShapeDtypeStruct((2, DC), jnp.float32),
    )(agg)


def _tc3_call(agg, s1, wt):
    return pl.pallas_call(
        _tc3_body,
        grid=(NCB,),
        in_specs=[
            pl.BlockSpec((NCHUNK, CB, DC), lambda i: (0, i, 0)),
            pl.BlockSpec((2, DC), lambda i: (0, 0)),
            pl.BlockSpec((K, OUT_F, OUT_F), lambda i: (0, 0, 0)),
        ],
        out_specs=[
            pl.BlockSpec((NCHUNK, CB, DC), lambda i: (0, i, 0)),
            pl.BlockSpec((2, DC), lambda i: (0, 0)),
        ],
        out_shape=[
            jax.ShapeDtypeStruct((NCHUNK, C_PAD, DC), jnp.float32),
            jax.ShapeDtypeStruct((2, DC), jnp.float32),
        ],
    )(agg, s1, wt)


def _tc4_call(h2, s2, x):
    return pl.pallas_call(
        _tc4_body,
        grid=(NCBX,),
        in_specs=[
            pl.BlockSpec((NCHUNK, CBX, DC), lambda i: (0, i, 0)),
            pl.BlockSpec((2, DC), lambda i: (0, 0)),
            pl.BlockSpec((B, IN_F, CBX, T), lambda i: (0, 0, i, 0)),
        ],
        out_specs=pl.BlockSpec((B, IN_F, CBX, T), lambda i: (0, 0, i, 0)),
        out_shape=jax.ShapeDtypeStruct((B, IN_F, C, T), jnp.float32),
    )(h2, s2, x)


def kernel(x, edge_index, edge_weight, W_gcn, b_gcn, W_tcn, b_tcn):
    del b_gcn, b_tcn
    src = edge_index[0]
    dst = edge_index[1]
    w = edge_weight.astype(jnp.float32)

    deg = _deg_kernel(dst, w)
    xw, dinv = _tc1_call(x, W_gcn, deg)
    xw_flat = xw.reshape(NCHUNK * C_PAD, DC)
    agg_flat = _agg_kernel(src, dst, w, dinv, xw_flat)
    agg = agg_flat.reshape(NCHUNK, C_PAD, DC)
    s1 = _tc2_call(agg)
    wt = jnp.transpose(W_tcn[:, :, 0, :], (2, 1, 0))
    h2, s2 = _tc3_call(agg, s1, wt)
    return _tc4_call(h2, s2, x)

# --- scband reference (transcript-rebuilt; emitter-appended) ---
"""Pipeline reference for scband-stgcnblock-48541720379458 (READ-ONLY COPY).

The authoritative reference and input builder live on the scoring server;
editing this copy changes nothing except your own understanding.
"""

import jax, jax.numpy as jnp
import numpy as np

B, IN_F, C, T = 4, 64, 10000, 12
OUT_F = 64
E = 80000
K = 3


def setup_inputs(seed: int = 0):
    key = jax.random.key(seed)
    ks = jax.random.split(key, 7)
    x = jax.random.normal(ks[0], (B, IN_F, C, T), dtype=jnp.float32)
    edge_index = jax.random.randint(ks[1], (2, E), 0, C)
    edge_weight = jax.random.uniform(ks[2], (E,), dtype=jnp.float32)
    W_gcn = jax.random.normal(ks[3], (IN_F, OUT_F), dtype=jnp.float32) / np.sqrt(IN_F)
    b_gcn = jnp.zeros((OUT_F,), dtype=jnp.float32)
    W_tcn = jax.random.normal(ks[4], (OUT_F, OUT_F, 1, K), dtype=jnp.float32) / np.sqrt(OUT_F * K)
    b_tcn = jnp.zeros((OUT_F,), dtype=jnp.float32)
    return {"x": x, "edge_index": edge_index, "edge_weight": edge_weight,
            "W_gcn": W_gcn, "b_gcn": b_gcn, "W_tcn": W_tcn, "b_tcn": b_tcn}


def _instance_norm(z, eps=1e-5):
    # torch InstanceNorm2d default: affine=False, normalize over (H, W) per (N, C)
    mu = jnp.mean(z, axis=(2, 3), keepdims=True)
    var = jnp.mean((z - mu) ** 2, axis=(2, 3), keepdims=True)
    return (z - mu) / jnp.sqrt(var + eps)


def reference(x, edge_index, edge_weight, W_gcn, b_gcn, W_tcn, b_tcn):
    b, f_in, c, t = x.shape
    N = b * c
    # batched edge index: edges offset by i*c per batch element
    offs = (jnp.arange(b) * c).astype(edge_index.dtype)
    src = (edge_index[0][None, :] + offs[:, None]).reshape(-1)
    dst = (edge_index[1][None, :] + offs[:, None]).reshape(-1)
    w = jnp.tile(edge_weight, b)
    # PyG GCNConv: add self loops (weight 1) and symmetric normalization
    loops = jnp.arange(N, dtype=src.dtype)
    src = jnp.concatenate([src, loops])
    dst = jnp.concatenate([dst, loops])
    w = jnp.concatenate([w, jnp.ones((N,), dtype=w.dtype)])
    deg = jax.ops.segment_sum(w, dst, num_segments=N)
    dinv = jnp.where(deg > 0, 1.0 / jnp.sqrt(deg), 0.0)
    norm = dinv[src] * w * dinv[dst]
    slices = []
    for i in range(t):
        xi = x[:, :, :, i].transpose(0, 2, 1).reshape(N, f_in)
        xw = xi @ W_gcn
        msg = xw[src] * norm[:, None]
        agg = jax.ops.segment_sum(msg, dst, num_segments=N) + b_gcn[None, :]
        slices.append(agg.reshape(b, c, -1).transpose(0, 2, 1))
    y = jnp.stack(slices, axis=3)  # [b, out_f, c, t]
    # tcn: InstanceNorm -> ReLU -> Conv2d(1,K) -> InstanceNorm -> ReLU -> Dropout(eval=identity)
    h = jax.nn.relu(_instance_norm(y))
    k = W_tcn.shape[3]
    pad = (k - 1) // 2
    h = jax.lax.conv_general_dilated(h, W_tcn, window_strides=(1, 1),
                                     padding=((0, 0), (pad, pad)),
                                     dimension_numbers=("NCHW", "OIHW", "NCHW"))
    h = h + b_tcn[None, :, None, None]
    h = jax.nn.relu(_instance_norm(h))
    res = x  # residual = Identity (in_filters == out_filters, stride == 1)
    return jax.nn.relu(h + res)

if __name__ == "__main__":
    import jax
    _d = setup_inputs()
    print(jax.jit(kernel)(*tuple(_d.values())))

</pallas_src>

<mosaic_0001>
#map = affine_map<(d0, d1) -> (0)>
#map1 = affine_map<(d0, d1) -> (0, 0)>
module attributes {stable_mosaic.version = 14 : i64} {
  func.func @_agg_kernel(%arg0: i32, %arg1: i32, %arg2: memref<80000xi32, #tpu.memory_space<hbm>>, %arg3: memref<80000xi32, #tpu.memory_space<hbm>>, %arg4: memref<80000xf32, #tpu.memory_space<hbm>>, %arg5: memref<10240xf32, #tpu.memory_space<hbm>>, %arg6: memref<122880x256xf32, #tpu.memory_space<hbm>>, %arg7: memref<122880x256xf32, #tpu.memory_space<hbm>>, %arg8: memref<320x256xf32, #tpu.memory_space<vmem>>, %arg9: memref<2000xi32, #tpu.memory_space<vmem>>, %arg10: memref<2000xi32, #tpu.memory_space<vmem>>, %arg11: memref<2000xf32, #tpu.memory_space<vmem>>, %arg12: memref<2064xi32, #tpu.memory_space<vmem>>, %arg13: memref<2064xi32, #tpu.memory_space<vmem>>, %arg14: memref<2064xf32, #tpu.memory_space<vmem>>, %arg15: memref<10240xf32, #tpu.memory_space<vmem>>, %arg16: memref<64x256xf32, #tpu.memory_space<vmem>>, %arg17: memref<64xi32, #tpu.memory_space<vmem>>, %arg18: memref<!tpu.dma_semaphore, #tpu.memory_space<semaphore_mem>>) attributes {dimension_semantics = [#tpu.dimension_semantics<core_parallel>, #tpu.dimension_semantics<subcore_parallel>], iteration_bounds = array<i64: 2, 16>, scalar_prefetch = 0 : i64, scratch_operands = 11 : i64, tpu.core_type = #tpu.core_type<sc_vector_subcore>, window_params = [{transform_indices = #map}, {transform_indices = #map}, {transform_indices = #map}, {transform_indices = #map}, {transform_indices = #map1}, {transform_indices = #map1}]} {
    %mul3A = arith.constant 2 : i32
    %mul3A_0 = arith.muli %arg1, %mul3A : i32
    %add3A = arith.addi %mul3A_0, %arg0 : i32
    %mul3A_1 = arith.constant 320 : i32
    %mul3A_2 = arith.muli %add3A, %mul3A_1 : i32
    %iota3A = tpu.iota {dimensions = array<i32: 0>} : vector<16xi32>
    "tpu.region"() ({
      %run_scoped3A = tpu.sem_alloc : memref<!tpu.dma_semaphore, #tpu.memory_space<semaphore_mem>>
      tpu.enqueue_dma source(%arg5 : memref<10240xf32, #tpu.memory_space<hbm>>) target(%arg15 : memref<10240xf32, #tpu.memory_space<vmem>>) target_semaphore(%run_scoped3A : memref<!tpu.dma_semaphore, #tpu.memory_space<semaphore_mem>>)
      tpu.wait_dma2 semaphore(%run_scoped3A : memref<!tpu.dma_semaphore, #tpu.memory_space<semaphore_mem>>) src(%arg5 : memref<10240xf32, #tpu.memory_space<hbm>>) dst(%arg15 : memref<10240xf32, #tpu.memory_space<vmem>>)
      tpu.yield
    }) : () -> ()
    %scan3A = arith.constant 0 : i32
    %scan3A_3 = arith.constant 0 : i32
    %scan3A_4 = arith.constant 12 : i32
    %scan3A_5 = arith.addi %scan3A_3, %scan3A_4 : i32
    %scan3A_6 = arith.constant 1 : i32
    scf.for %scan3A_8 = %scan3A_3 to %scan3A_5 step %scan3A_6  : i32 {
      %scan3A_9 = arith.constant 0 : i32
      %scan3A_10 = arith.constant 0 : i32
      %scan3A_11 = arith.constant 320 : i32
      %scan3A_12 = arith.addi %scan3A_10, %scan3A_11 : i32
      %scan3A_13 = arith.constant 1 : i32
      scf.for %scan3A_42 = %scan3A_10 to %scan3A_12 step %scan3A_13  : i32 {
        %broadcast_in_dim3A = arith.constant 0.000000e+00 : f32
        %broadcast_in_dim3A_43 = vector.broadcast %broadcast_in_dim3A : f32 to vector<16xf32>
        %swap3A = arith.index_cast %scan3A_42 : i32 to index
        %swap3A_44 = arith.constant 0 : index
        %swap3A_45 = tpu.vector_load %arg8[%swap3A, %swap3A_44] {strides = array<i32>} : memref<320x256xf32, #tpu.memory_space<vmem>>, vector<16xf32>,
        tpu.vector_store %arg8[%swap3A, %swap3A_44], %broadcast_in_dim3A_43 {strides = array<i32>} : memref<320x256xf32, #tpu.memory_space<vmem>>, vector<16xf32>,
        %broadcast_in_dim3A_46 = arith.constant 0.000000e+00 : f32
        %broadcast_in_dim3A_47 = vector.broadcast %broadcast_in_dim3A_46 : f32 to vector<16xf32>
        %swap3A_48 = arith.index_cast %scan3A_42 : i32 to index
        %swap3A_49 = arith.constant 16 : index
        %swap3A_50 = tpu.vector_load %arg8[%swap3A_48, %swap3A_49] {strides = array<i32>} : memref<320x256xf32, #tpu.memory_space<vmem>>, vector<16xf32>,
        tpu.vector_store %arg8[%swap3A_48, %swap3A_49], %broadcast_in_dim3A_47 {strides = array<i32>} : memref<320x256xf32, #tpu.memory_space<vmem>>, vector<16xf32>,
        %broadcast_in_dim3A_51 = arith.constant 0.000000e+00 : f32
        %broadcast_in_dim3A_52 = vector.broadcast %broadcast_in_dim3A_51 : f32 to vector<16xf32>
        %swap3A_53 = arith.index_cast %scan3A_42 : i32 to index
        %swap3A_54 = arith.constant 32 : index
        %swap3A_55 = tpu.vector_load %arg8[%swap3A_53, %swap3A_54] {strides = array<i32>} : memref<320x256xf32, #tpu.memory_space<vmem>>, vector<16xf32>,
        tpu.vector_store %arg8[%swap3A_53, %swap3A_54], %broadcast_in_dim3A_52 {strides = array<i32>} : memref<320x256xf32, #tpu.memory_space<vmem>>, vector<16xf32>,
        %broadcast_in_dim3A_56 = arith.constant 0.000000e+00 : f32
        %broadcast_in_dim3A_57 = vector.broadcast %broadcast_in_dim3A_56 : f32 to vector<16xf32>
        %swap3A_58 = arith.index_cast %scan3A_42 : i32 to index
        %swap3A_59 = arith.constant 48 : index
        %swap3A_60 = tpu.vector_load %arg8[%swap3A_58, %swap3A_59] {strides = array<i32>} : memref<320x256xf32, #tpu.memory_space<vmem>>, vector<16xf32>,
        tpu.vector_store %arg8[%swap3A_58, %swap3A_59], %broadcast_in_dim3A_57 {strides = array<i32>} : memref<320x256xf32, #tpu.memory_space<vmem>>, vector<16xf32>,
        %broadcast_in_dim3A_61 = arith.constant 0.000000e+00 : f32
        %broadcast_in_dim3A_62 = vector.broadcast %broadcast_in_dim3A_61 : f32 to vector<16xf32>
        %swap3A_63 = arith.index_cast %scan3A_42 : i32 to index
        %swap3A_64 = arith.constant 64 : index
        %swap3A_65 = tpu.vector_load %arg8[%swap3A_63, %swap3A_64] {strides = array<i32>} : memref<320x256xf32, #tpu.memory_space<vmem>>, vector<16xf32>,
        tpu.vector_store %arg8[%swap3A_63, %swap3A_64], %broadcast_in_dim3A_62 {strides = array<i32>} : memref<320x256xf32, #tpu.memory_space<vmem>>, vector<16xf32>,
        %broadcast_in_dim3A_66 = arith.constant 0.000000e+00 : f32
        %broadcast_in_dim3A_67 = vector.broadcast %broadcast_in_dim3A_66 : f32 to vector<16xf32>
        %swap3A_68 = arith.index_cast %scan3A_42 : i32 to index
        %swap3A_69 = arith.constant 80 : index
        %swap3A_70 = tpu.vector_load %arg8[%swap3A_68, %swap3A_69] {strides = array<i32>} : memref<320x256xf32, #tpu.memory_space<vmem>>, vector<16xf32>,
        tpu.vector_store %arg8[%swap3A_68, %swap3A_69], %broadcast_in_dim3A_67 {strides = array<i32>} : memref<320x256xf32, #tpu.memory_space<vmem>>, vector<16xf32>,
        %broadcast_in_dim3A_71 = arith.constant 0.000000e+00 : f32
        %broadcast_in_dim3A_72 = vector.broadcast %broadcast_in_dim3A_71 : f32 to vector<16xf32>
        %swap3A_73 = arith.index_cast %scan3A_42 : i32 to index
        %swap3A_74 = arith.constant 96 : index
        %swap3A_75 = tpu.vector_load %arg8[%swap3A_73, %swap3A_74] {strides = array<i32>} : memref<320x256xf32, #tpu.memory_space<vmem>>, vector<16xf32>,
        tpu.vector_store %arg8[%swap3A_73, %swap3A_74], %broadcast_in_dim3A_72 {strides = array<i32>} : memref<320x256xf32, #tpu.memory_space<vmem>>, vector<16xf32>,
        %broadcast_in_dim3A_76 = arith.constant 0.000000e+00 : f32
        %broadcast_in_dim3A_77 = vector.broadcast %broadcast_in_dim3A_76 : f32 to vector<16xf32>
        %swap3A_78 = arith.index_cast %scan3A_42 : i32 to index
        %swap3A_79 = arith.constant 112 : index
        %swap3A_80 = tpu.vector_load %arg8[%swap3A_78, %swap3A_79] {strides = array<i32>} : memref<320x256xf32, #tpu.memory_space<vmem>>, vector<16xf32>,
        tpu.vector_store %arg8[%swap3A_78, %swap3A_79], %broadcast_in_dim3A_77 {strides = array<i32>} : memref<320x256xf32, #tpu.memory_space<vmem>>, vector<16xf32>,
        %broadcast_in_dim3A_81 = arith.constant 0.000000e+00 : f32
        %broadcast_in_dim3A_82 = vector.broadcast %broadcast_in_dim3A_81 : f32 to vector<16xf32>
        %swap3A_83 = arith.index_cast %scan3A_42 : i32 to index
        %swap3A_84 = arith.constant 128 : index
        %swap3A_85 = tpu.vector_load %arg8[%swap3A_83, %swap3A_84] {strides = array<i32>} : memref<320x256xf32, #tpu.memory_space<vmem>>, vector<16xf32>,
        tpu.vector_store %arg8[%swap3A_83, %swap3A_84], %broadcast_in_dim3A_82 {strides = array<i32>} : memref<320x256xf32, #tpu.memory_space<vmem>>, vector<16xf32>,
        %broadcast_in_dim3A_86 = arith.constant 0.000000e+00 : f32
        %broadcast_in_dim3A_87 = vector.broadcast %broadcast_in_dim3A_86 : f32 to vector<16xf32>
        %swap3A_88 = arith.index_cast %scan3A_42 : i32 to index
        %swap3A_89 = arith.constant 144 : index
        %swap3A_90 = tpu.vector_load %arg8[%swap3A_88, %swap3A_89] {strides = array<i32>} : memref<320x256xf32, #tpu.memory_space<vmem>>, vector<16xf32>,
        tpu.vector_store %arg8[%swap3A_88, %swap3A_89], %broadcast_in_dim3A_87 {strides = array<i32>} : memref<320x256xf32, #tpu.memory_space<vmem>>, vector<16xf32>,
        %broadcast_in_dim3A_91 = arith.constant 0.000000e+00 : f32
        %broadcast_in_dim3A_92 = vector.broadcast %broadcast_in_dim3A_91 : f32 to vector<16xf32>
        %swap3A_93 = arith.index_cast %scan3A_42 : i32 to index
        %swap3A_94 = arith.constant 160 : index
        %swap3A_95 = tpu.vector_load %arg8[%swap3A_93, %swap3A_94] {strides = array<i32>} : memref<320x256xf32, #tpu.memory_space<vmem>>, vector<16xf32>,
        tpu.vector_store %arg8[%swap3A_93, %swap3A_94], %broadcast_in_dim3A_92 {strides = array<i32>} : memref<320x256xf32, #tpu.memory_space<vmem>>, vector<16xf32>,
        %broadcast_in_dim3A_96 = arith.constant 0.000000e+00 : f32
        %broadcast_in_dim3A_97 = vector.broadcast %broadcast_in_dim3A_96 : f32 to vector<16xf32>
        %swap3A_98 = arith.index_cast %scan3A_42 : i32 to index
        %swap3A_99 = arith.constant 176 : index
        %swap3A_100 = tpu.vector_load %arg8[%swap3A_98, %swap3A_99] {strides = array<i32>} : memref<320x256xf32, #tpu.memory_space<vmem>>, vector<16xf32>,
        tpu.vector_store %arg8[%swap3A_98, %swap3A_99], %broadcast_in_dim3A_97 {strides = array<i32>} : memref<320x256xf32, #tpu.memory_space<vmem>>, vector<16xf32>,
        %broadcast_in_dim3A_101 = arith.constant 0.000000e+00 : f32
        %broadcast_in_dim3A_102 = vector.broadcast %broadcast_in_dim3A_101 : f32 to vector<16xf32>
        %swap3A_103 = arith.index_cast %scan3A_42 : i32 to index
        %swap3A_104 = arith.constant 192 : index
        %swap3A_105 = tpu.vector_load %arg8[%swap3A_103, %swap3A_104] {strides = array<i32>} : memref<320x256xf32, #tpu.memory_space<vmem>>, vector<16xf32>,
        tpu.vector_store %arg8[%swap3A_103, %swap3A_104], %broadcast_in_dim3A_102 {strides = array<i32>} : memref<320x256xf32, #tpu.memory_space<vmem>>, vector<16xf32>,
        %broadcast_in_dim3A_106 = arith.constant 0.000000e+00 : f32
        %broadcast_in_dim3A_107 = vector.broadcast %broadcast_in_dim3A_106 : f32 to vector<16xf32>
        %swap3A_108 = arith.index_cast %scan3A_42 : i32 to index
        %swap3A_109 = arith.constant 208 : index
        %swap3A_110 = tpu.vector_load %arg8[%swap3A_108, %swap3A_109] {strides = array<i32>} : memref<320x256xf32, #tpu.memory_space<vmem>>, vector<16xf32>,
        tpu.vector_store %arg8[%swap3A_108, %swap3A_109], %broadcast_in_dim3A_107 {strides = array<i32>} : memref<320x256xf32, #tpu.memory_space<vmem>>, vector<16xf32>,
        %broadcast_in_dim3A_111 = arith.constant 0.000000e+00 : f32
        %broadcast_in_dim3A_112 = vector.broadcast %broadcast_in_dim3A_111 : f32 to vector<16xf32>
        %swap3A_113 = arith.index_cast %scan3A_42 : i32 to index
        %swap3A_114 = arith.constant 224 : index
        %swap3A_115 = tpu.vector_load %arg8[%swap3A_113, %swap3A_114] {strides = array<i32>} : memref<320x256xf32, #tpu.memory_space<vmem>>, vector<16xf32>,
        tpu.vector_store %arg8[%swap3A_113, %swap3A_114], %broadcast_in_dim3A_112 {strides = array<i32>} : memref<320x256xf32, #tpu.memory_space<vmem>>, vector<16xf32>,
        %broadcast_in_dim3A_116 = arith.constant 0.000000e+00 : f32
        %broadcast_in_dim3A_117 = vector.broadcast %broadcast_in_dim3A_116 : f32 to vector<16xf32>
        %swap3A_118 = arith.index_cast %scan3A_42 : i32 to index
        %swap3A_119 = arith.constant 240 : index
        %swap3A_120 = tpu.vector_load %arg8[%swap3A_118, %swap3A_119] {strides = array<i32>} : memref<320x256xf32, #tpu.memory_space<vmem>>, vector<16xf32>,
        tpu.vector_store %arg8[%swap3A_118, %swap3A_119], %broadcast_in_dim3A_117 {strides = array<i32>} : memref<320x256xf32, #tpu.memory_space<vmem>>, vector<16xf32>,
      }
      %scan3A_14 = arith.constant 320 : i32
      %scan3A_15 = arith.constant 0 : i32
      %scan3A_16 = arith.constant 0 : i32
      %scan3A_17 = arith.constant 40 : i32
      %scan3A_18 = arith.addi %scan3A_16, %scan3A_17 : i32
      %scan3A_19 = arith.constant 1 : i32
      scf.for %scan3A_42 = %scan3A_16 to %scan3A_18 step %scan3A_19  : i32 {
        %mul3A_43 = arith.constant 2000 : i32
        %mul3A_44 = arith.muli %scan3A_42, %mul3A_43 : i32
        "tpu.region"() ({
          %run_scoped3A = tpu.sem_alloc : memref<!tpu.dma_semaphore, #tpu.memory_space<semaphore_mem>>
          %dma_start3A = tpu.memref_slice %arg3[%mul3A_44] : memref<80000xi32, #tpu.memory_space<hbm>> -> memref<2000xi32, #tpu.memory_space<hbm>>
          %dma_start3A_87 = tpu.memref_slice %arg3[%mul3A_44] : memref<80000xi32, #tpu.memory_space<hbm>> -> memref<2000xi32, #tpu.memory_space<hbm>>
          tpu.enqueue_dma source(%dma_start3A_87 : memref<2000xi32, #tpu.memory_space<hbm>>) target(%arg9 : memref<2000xi32, #tpu.memory_space<vmem>>) target_semaphore(%run_scoped3A : memref<!tpu.dma_semaphore, #tpu.memory_space<semaphore_mem>>)
          %dma_wait3A = tpu.memref_slice %arg3[%mul3A_44] : memref<80000xi32, #tpu.memory_space<hbm>> -> memref<2000xi32, #tpu.memory_space<hbm>>
          %dma_wait3A_88 = tpu.memref_slice %arg3[%mul3A_44] : memref<80000xi32, #tpu.memory_space<hbm>> -> memref<2000xi32, #tpu.memory_space<hbm>>
          tpu.wait_dma2 semaphore(%run_scoped3A : memref<!tpu.dma_semaphore, #tpu.memory_space<semaphore_mem>>) src(%dma_wait3A_88 : memref<2000xi32, #tpu.memory_space<hbm>>) dst(%arg9 : memref<2000xi32, #tpu.memory_space<vmem>>)
          tpu.yield
        }) : () -> ()
        "tpu.region"() ({
          %run_scoped3A = tpu.sem_alloc : memref<!tpu.dma_semaphore, #tpu.memory_space<semaphore_mem>>
          %dma_start3A = tpu.memref_slice %arg2[%mul3A_44] : memref<80000xi32, #tpu.memory_space<hbm>> -> memref<2000xi32, #tpu.memory_space<hbm>>
          %dma_start3A_87 = tpu.memref_slice %arg2[%mul3A_44] : memref<80000xi32, #tpu.memory_space<hbm>> -> memref<2000xi32, #tpu.memory_space<hbm>>
          tpu.enqueue_dma source(%dma_start3A_87 : memref<2000xi32, #tpu.memory_space<hbm>>) target(%arg10 : memref<2000xi32, #tpu.memory_space<vmem>>) target_semaphore(%run_scoped3A : memref<!tpu.dma_semaphore, #tpu.memory_space<semaphore_mem>>)
          %dma_wait3A = tpu.memref_slice %arg2[%mul3A_44] : memref<80000xi32, #tpu.memory_space<hbm>> -> memref<2000xi32, #tpu.memory_space<hbm>>
          %dma_wait3A_88 = tpu.memref_slice %arg2[%mul3A_44] : memref<80000xi32, #tpu.memory_space<hbm>> -> memref<2000xi32, #tpu.memory_space<hbm>>
          tpu.wait_dma2 semaphore(%run_scoped3A : memref<!tpu.dma_semaphore, #tpu.memory_space<semaphore_mem>>) src(%dma_wait3A_88 : memref<2000xi32, #tpu.memory_space<hbm>>) dst(%arg10 : memref<2000xi32, #tpu.memory_space<vmem>>)
          tpu.yield
        }) : () -> ()
        "tpu.region"() ({
          %run_scoped3A = tpu.sem_alloc : memref<!tpu.dma_semaphore, #tpu.memory_space<semaphore_mem>>
          %dma_start3A = tpu.memref_slice %arg4[%mul3A_44] : memref<80000xf32, #tpu.memory_space<hbm>> -> memref<2000xf32, #tpu.memory_space<hbm>>
          %dma_start3A_87 = tpu.memref_slice %arg4[%mul3A_44] : memref<80000xf32, #tpu.memory_space<hbm>> -> memref<2000xf32, #tpu.memory_space<hbm>>
          tpu.enqueue_dma source(%dma_start3A_87 : memref<2000xf32, #tpu.memory_space<hbm>>) target(%arg11 : memref<2000xf32, #tpu.memory_space<vmem>>) target_semaphore(%run_scoped3A : memref<!tpu.dma_semaphore, #tpu.memory_space<semaphore_mem>>)
          %dma_wait3A = tpu.memref_slice %arg4[%mul3A_44] : memref<80000xf32, #tpu.memory_space<hbm>> -> memref<2000xf32, #tpu.memory_space<hbm>>
          %dma_wait3A_88 = tpu.memref_slice %arg4[%mul3A_44] : memref<80000xf32, #tpu.memory_space<hbm>> -> memref<2000xf32, #tpu.memory_space<hbm>>
          tpu.wait_dma2 semaphore(%run_scoped3A : memref<!tpu.dma_semaphore, #tpu.memory_space<semaphore_mem>>) src(%dma_wait3A_88 : memref<2000xf32, #tpu.memory_space<hbm>>) dst(%arg11 : memref<2000xf32, #tpu.memory_space<vmem>>)
          tpu.yield
        }) : () -> ()
        %scan3A_45 = arith.constant 0 : i32
        %scan3A_46 = arith.constant 0 : i32
        %scan3A_47 = arith.constant 125 : i32
        %scan3A_48 = arith.addi %scan3A_46, %scan3A_47 : i32
        %scan3A_49 = arith.constant 1 : i32
        %scan3A_50 = scf.for %scan3A_87 = %scan3A_46 to %scan3A_48 step %scan3A_49 iter_args(%scan3A_88 = %scan3A_45) -> (i32)  : i32 {
          %mul3A_89 = arith.constant 16 : i32
          %mul3A_90 = arith.muli %scan3A_87, %mul3A_89 : i32
          %get3A = arith.index_cast %mul3A_90 : i32 to index
          %get3A_91 = tpu.vector_load %arg9[%get3A] {strides = array<i32>} : memref<2000xi32, #tpu.memory_space<vmem>>, vector<16xi32>,
          %mul3A_92 = arith.constant 16 : i32
          %mul3A_93 = arith.muli %scan3A_87, %mul3A_92 : i32
          %get3A_94 = arith.index_cast %mul3A_93 : i32 to index
          %get3A_95 = tpu.vector_load %arg10[%get3A_94] {strides = array<i32>} : memref<2000xi32, #tpu.memory_space<vmem>>, vector<16xi32>,
          %mul3A_96 = arith.constant 16 : i32
          %mul3A_97 = arith.muli %scan3A_87, %mul3A_96 : i32
          %get3A_98 = arith.index_cast %mul3A_97 : i32 to index
          %get3A_99 = tpu.vector_load %arg11[%get3A_98] {strides = array<i32>} : memref<2000xf32, #tpu.memory_space<vmem>>, vector<16xf32>,
          %ge3A = vector.broadcast %mul3A_2 : i32 to vector<16xi32>
          %ge3A_100 = arith.cmpi sge, %get3A_91, %ge3A : vector<16xi32>
          %add3A_101 = arith.constant 320 : i32
          %add3A_102 = arith.addi %mul3A_2, %add3A_101 : i32
          %lt3A = vector.broadcast %add3A_102 : i32 to vector<16xi32>
          %lt3A_103 = arith.cmpi slt, %get3A_91, %lt3A : vector<16xi32>
          %and3A_104 = arith.andi %ge3A_100, %lt3A_103 : vector<16xi1>
          %gather3A = tpu.vector_load_idx %arg15[%get3A_95] : memref<10240xf32, #tpu.memory_space<vmem>>[vector<16xi32>], vector<16xf32>,
          %mul3A_105 = arith.mulf %gather3A, %get3A_99 : vector<16xf32>
          %gather3A_106 = tpu.vector_load_idx %arg15[%get3A_91] : memref<10240xf32, #tpu.memory_space<vmem>>[vector<16xi32>], vector<16xf32>,
          %mul3A_107 = arith.mulf %mul3A_105, %gather3A_106 : vector<16xf32>
          %swap3A = arith.index_cast %scan3A_88 : i32 to index
          %swap3A_108 = tpu.vector_load %arg12[%swap3A] masked %and3A_104 {strides = array<i32>} : memref<2064xi32, #tpu.memory_space<vmem>>, vector<16xi32>, vector<16xi1>
          tpu.vector_store %arg12[%swap3A], %get3A_95 masked %and3A_104 {strides = array<i32>} : memref<2064xi32, #tpu.memory_space<vmem>>, vector<16xi32>, vector<16xi1>
          %sub3A_109 = vector.broadcast %mul3A_2 : i32 to vector<16xi32>
          %sub3A_110 = arith.subi %get3A_91, %sub3A_109 : vector<16xi32>
          %swap3A_111 = arith.index_cast %scan3A_88 : i32 to index
          %swap3A_112 = tpu.vector_load %arg13[%swap3A_111] masked %and3A_104 {strides = array<i32>} : memref<2064xi32, #tpu.memory_space<vmem>>, vector<16xi32>, vector<16xi1>
          tpu.vector_store %arg13[%swap3A_111], %sub3A_110 masked %and3A_104 {strides = array<i32>} : memref<2064xi32, #tpu.memory_space<vmem>>, vector<16xi32>, vector<16xi1>
          %swap3A_113 = arith.index_cast %scan3A_88 : i32 to index
          %swap3A_114 = tpu.vector_load %arg14[%swap3A_113] masked %and3A_104 {strides = array<i32>} : memref<2064xf32, #tpu.memory_space<vmem>>, vector<16xf32>, vector<16xi1>
          tpu.vector_store %arg14[%swap3A_113], %mul3A_107 masked %and3A_104 {strides = array<i32>} : memref<2064xf32, #tpu.memory_space<vmem>>, vector<16xf32>, vector<16xi1>
          %convert_element_type3A = arith.extui %and3A_104 : vector<16xi1> to vector<16xi32>
          %reduce_sum3A = arith.constant true
          %reduce_sum3A_115 = vector.broadcast %reduce_sum3A : i1 to vector<16xi1>
          %reduce_sum3A_116 = tpu.scan <sum>, %convert_element_type3A masked %reduce_sum3A_115 : vector<16xi32>, vector<16xi1> -> vector<16xi32>
          %reduce_sum3A_117 = vector.extract %reduce_sum3A_116[15] : i32 from vector<16xi32>
          %add3A_118 = arith.addi %scan3A_88, %reduce_sum3A_117 : i32
          scf.yield %add3A_118 : i32
        }
        %scan3A_51 = arith.constant 125 : i32
        %scan3A_52 = arith.constant 0 : i32
        %scan3A_53 = arith.constant 0 : i32
        %scan3A_54 = arith.constant 4 : i32
        %scan3A_55 = arith.addi %scan3A_53, %scan3A_54 : i32
        %scan3A_56 = arith.constant 1 : i32
        scf.for %scan3A_87 = %scan3A_53 to %scan3A_55 step %scan3A_56  : i32 {
          %broadcast_in_dim3A = arith.constant 0 : i32
          %broadcast_in_dim3A_88 = vector.broadcast %broadcast_in_dim3A : i32 to vector<16xi32>
          %mul3A_89 = arith.constant 16 : i32
          %mul3A_90 = arith.muli %scan3A_87, %mul3A_89 : i32
          %add3A_91 = arith.addi %scan3A_50, %mul3A_90 : i32
          %swap3A = arith.index_cast %add3A_91 : i32 to index
          %swap3A_92 = tpu.vector_load %arg12[%swap3A] {strides = array<i32>} : memref<2064xi32, #tpu.memory_space<vmem>>, vector<16xi32>,
          tpu.vector_store %arg12[%swap3A], %broadcast_in_dim3A_88 {strides = array<i32>} : memref<2064xi32, #tpu.memory_space<vmem>>, vector<16xi32>,
          %mul3A_93 = arith.constant 16 : i32
          %mul3A_94 = arith.muli %scan3A_87, %mul3A_93 : i32
          %add3A_95 = arith.addi %scan3A_50, %mul3A_94 : i32
          %swap3A_96 = arith.index_cast %add3A_95 : i32 to index
          %swap3A_97 = tpu.vector_load %arg13[%swap3A_96] {strides = array<i32>} : memref<2064xi32, #tpu.memory_space<vmem>>, vector<16xi32>,
          tpu.vector_store %arg13[%swap3A_96], %broadcast_in_dim3A_88 {strides = array<i32>} : memref<2064xi32, #tpu.memory_space<vmem>>, vector<16xi32>,
          %broadcast_in_dim3A_98 = arith.constant 0.000000e+00 : f32
          %broadcast_in_dim3A_99 = vector.broadcast %broadcast_in_dim3A_98 : f32 to vector<16xf32>
          %mul3A_100 = arith.constant 16 : i32
          %mul3A_101 = arith.muli %scan3A_87, %mul3A_100 : i32
          %add3A_102 = arith.addi %scan3A_50, %mul3A_101 : i32
          %swap3A_103 = arith.index_cast %add3A_102 : i32 to index
          %swap3A_104 = tpu.vector_load %arg14[%swap3A_103] {strides = array<i32>} : memref<2064xf32, #tpu.memory_space<vmem>>, vector<16xf32>,
          tpu.vector_store %arg14[%swap3A_103], %broadcast_in_dim3A_99 {strides = array<i32>} : memref<2064xf32, #tpu.memory_space<vmem>>, vector<16xf32>,
        }
        %scan3A_57 = arith.constant 4 : i32
        %add3A_58 = arith.constant 64 : i32
        %add3A_59 = arith.addi %scan3A_50, %add3A_58 : i32
        %sub3A = arith.constant 1 : i32
        %sub3A_60 = arith.subi %add3A_59, %sub3A : i32
        %jit3A = arith.constant 64 : i32
        %div3A = arith.divsi %sub3A_60, %jit3A : i32
        %sign3A = arith.constant 0 : i32
        %sign3A_61 = arith.cmpi sgt, %sub3A_60, %sign3A : i32
        %sign3A_62 = arith.extui %sign3A_61 : i1 to i32
        %sign3A_63 = arith.constant 0 : i32
        %sign3A_64 = arith.cmpi slt, %sub3A_60, %sign3A_63 : i32
        %sign3A_65 = arith.extui %sign3A_64 : i1 to i32
        %sign3A_66 = arith.subi %sign3A_62, %sign3A_65 : i32
        %sign3A_67 = arith.constant 0 : i32
        %sign3A_68 = arith.cmpi sgt, %jit3A, %sign3A_67 : i32
        %sign3A_69 = arith.extui %sign3A_68 : i1 to i32
        %sign3A_70 = arith.constant 0 : i32
        %sign3A_71 = arith.cmpi slt, %jit3A, %sign3A_70 : i32
        %sign3A_72 = arith.extui %sign3A_71 : i1 to i32
        %sign3A_73 = arith.subi %sign3A_69, %sign3A_72 : i32
        %ne3A = arith.cmpi ne, %sign3A_66, %sign3A_73 : i32
        %rem3A = arith.remsi %sub3A_60, %jit3A : i32
        %ne3A_74 = arith.constant 0 : i32
        %ne3A_75 = arith.cmpi ne, %rem3A, %ne3A_74 : i32
        %and3A = arith.andi %ne3A, %ne3A_75 : i1
        %sub3A_76 = arith.constant 1 : i32
        %sub3A_77 = arith.subi %div3A, %sub3A_76 : i32
        %select_n3A = arith.select %and3A, %sub3A_77, %div3A : i32
        %while3A = arith.constant 0 : i32
        %while3A_78 = arith.constant 0 : i32
        %while3A_79 = arith.subi %select_n3A, %while3A_78 : i32
        %while3A_80 = arith.addi %while3A_78, %while3A_79 : i32
        %while3A_81 = arith.constant 1 : i32
        %while3A_82 = arith.divsi %while3A_79, %while3A_81 : i32
        %while3A_83 = arith.muli %while3A_82, %while3A_81 : i32
        %while3A_84 = arith.addi %while3A_78, %while3A_83 : i32
        %while3A_85 = arith.constant 1 : i32
        scf.for %while3A_87 = %while3A_78 to %while3A_84 step %while3A_85  : i32 {
          %mul3A_88 = arith.constant 64 : i32
          %mul3A_89 = arith.muli %while3A_87, %mul3A_88 : i32
          %add3A_90 = arith.constant 0 : i32
          %add3A_91 = arith.addi %mul3A_89, %add3A_90 : i32
          %get3A = arith.index_cast %add3A_91 : i32 to index
          %get3A_92 = tpu.vector_load %arg12[%get3A] {strides = array<i32>} : memref<2064xi32, #tpu.memory_space<vmem>>, vector<16xi32>,
          %mul3A_93 = arith.constant 10240 : i32
          %mul3A_94 = arith.muli %scan3A_8, %mul3A_93 : i32
          %add3A_95 = vector.broadcast %mul3A_94 : i32 to vector<16xi32>
          %add3A_96 = arith.addi %get3A_92, %add3A_95 : vector<16xi32>
          %swap3A = arith.constant 0 : index
          %swap3A_97 = tpu.vector_load %arg17[%swap3A] {strides = array<i32>} : memref<64xi32, #tpu.memory_space<vmem>>, vector<16xi32>,
          tpu.vector_store %arg17[%swap3A], %add3A_96 {strides = array<i32>} : memref<64xi32, #tpu.memory_space<vmem>>, vector<16xi32>,
          %add3A_98 = arith.constant 16 : i32
          %add3A_99 = arith.addi %mul3A_89, %add3A_98 : i32
          %get3A_100 = arith.index_cast %add3A_99 : i32 to index
          %get3A_101 = tpu.vector_load %arg12[%get3A_100] {strides = array<i32>} : memref<2064xi32, #tpu.memory_space<vmem>>, vector<16xi32>,
          %mul3A_102 = arith.constant 10240 : i32
          %mul3A_103 = arith.muli %scan3A_8, %mul3A_102 : i32
          %add3A_104 = vector.broadcast %mul3A_103 : i32 to vector<16xi32>
          %add3A_105 = arith.addi %get3A_101, %add3A_104 : vector<16xi32>
          %swap3A_106 = arith.constant 16 : index
          %swap3A_107 = tpu.vector_load %arg17[%swap3A_106] {strides = array<i32>} : memref<64xi32, #tpu.memory_space<vmem>>, vector<16xi32>,
          tpu.vector_store %arg17[%swap3A_106], %add3A_105 {strides = array<i32>} : memref<64xi32, #tpu.memory_space<vmem>>, vector<16xi32>,
          %add3A_108 = arith.constant 32 : i32
          %add3A_109 = arith.addi %mul3A_89, %add3A_108 : i32
          %get3A_110 = arith.index_cast %add3A_109 : i32 to index
          %get3A_111 = tpu.vector_load %arg12[%get3A_110] {strides = array<i32>} : memref<2064xi32, #tpu.memory_space<vmem>>, vector<16xi32>,
          %mul3A_112 = arith.constant 10240 : i32
          %mul3A_113 = arith.muli %scan3A_8, %mul3A_112 : i32
          %add3A_114 = vector.broadcast %mul3A_113 : i32 to vector<16xi32>
          %add3A_115 = arith.addi %get3A_111, %add3A_114 : vector<16xi32>
          %swap3A_116 = arith.constant 32 : index
          %swap3A_117 = tpu.vector_load %arg17[%swap3A_116] {strides = array<i32>} : memref<64xi32, #tpu.memory_space<vmem>>, vector<16xi32>,
          tpu.vector_store %arg17[%swap3A_116], %add3A_115 {strides = array<i32>} : memref<64xi32, #tpu.memory_space<vmem>>, vector<16xi32>,
          %add3A_118 = arith.constant 48 : i32
          %add3A_119 = arith.addi %mul3A_89, %add3A_118 : i32
          %get3A_120 = arith.index_cast %add3A_119 : i32 to index
          %get3A_121 = tpu.vector_load %arg12[%get3A_120] {strides = array<i32>} : memref<2064xi32, #tpu.memory_space<vmem>>, vector<16xi32>,
          %mul3A_122 = arith.constant 10240 : i32
          %mul3A_123 = arith.muli %scan3A_8, %mul3A_122 : i32
          %add3A_124 = vector.broadcast %mul3A_123 : i32 to vector<16xi32>
          %add3A_125 = arith.addi %get3A_121, %add3A_124 : vector<16xi32>
          %swap3A_126 = arith.constant 48 : index
          %swap3A_127 = tpu.vector_load %arg17[%swap3A_126] {strides = array<i32>} : memref<64xi32, #tpu.memory_space<vmem>>, vector<16xi32>,
          tpu.vector_store %arg17[%swap3A_126], %add3A_125 {strides = array<i32>} : memref<64xi32, #tpu.memory_space<vmem>>, vector<16xi32>,
          %dma_start3A = arith.constant 0 : i32
          %dma_start3A_128 = arith.constant 0 : i32
          %dma_start3A_129 = tpu.memref_slice %arg6[%dma_start3A, %dma_start3A_128] : memref<122880x256xf32, #tpu.memory_space<hbm>> -> memref<122880x256xf32, #tpu.memory_space<hbm>>
          tpu.enqueue_indirect_dma source(%dma_start3A_129 : memref<122880x256xf32, #tpu.memory_space<hbm>>) target(%arg16 : memref<64x256xf32, #tpu.memory_space<vmem>>) offsets(%arg17 : memref<64xi32, #tpu.memory_space<vmem>>) semaphore(%arg18 : memref<!tpu.dma_semaphore, #tpu.memory_space<semaphore_mem>>)
          %dma_wait3A = arith.constant 0 : i32
          %dma_wait3A_130 = arith.constant 0 : i32
          %dma_wait3A_131 = tpu.memref_slice %arg6[%dma_wait3A, %dma_wait3A_130] : memref<122880x256xf32, #tpu.memory_space<hbm>> -> memref<122880x256xf32, #tpu.memory_space<hbm>>
          tpu.wait_indirect_dma semaphore(%arg18 : memref<!tpu.dma_semaphore, #tpu.memory_space<semaphore_mem>>) src(%dma_wait3A_131 : memref<122880x256xf32, #tpu.memory_space<hbm>>) dst(%arg16 : memref<64x256xf32, #tpu.memory_space<vmem>>)
          %scan3A_132 = arith.constant 0 : i32
          %scan3A_133 = arith.constant 0 : i32
          %scan3A_134 = arith.constant 64 : i32
          %scan3A_135 = arith.addi %scan3A_133, %scan3A_134 : i32
          %scan3A_136 = arith.constant 1 : i32
          scf.for %scan3A_138 = %scan3A_133 to %scan3A_135 step %scan3A_136  : i32 {
            %add3A_139 = arith.addi %mul3A_89, %scan3A_138 : i32
            %broadcast_in_dim3A = vector.broadcast %add3A_139 : i32 to vector<16xi32>
            %gather3A = tpu.vector_load_idx %arg14[%broadcast_in_dim3A] : memref<2064xf32, #tpu.memory_space<vmem>>[vector<16xi32>], vector<16xf32>,
            %gather3A_140 = tpu.vector_load_idx %arg13[%broadcast_in_dim3A] : memref<2064xi32, #tpu.memory_space<vmem>>[vector<16xi32>], vector<16xi32>,
            %get3A_141 = arith.index_cast %scan3A_138 : i32 to index
            %get3A_142 = arith.constant 0 : index
            %get3A_143 = tpu.vector_load %arg16[%get3A_141, %get3A_142] {strides = array<i32>} : memref<64x256xf32, #tpu.memory_space<vmem>>, vector<16xf32>,
            %add3A_144 = arith.constant 0 : i32
            %add3A_145 = vector.broadcast %add3A_144 : i32 to vector<16xi32>
            %add3A_146 = arith.addi %iota3A, %add3A_145 : vector<16xi32>
            %mul3A_147 = arith.mulf %get3A_143, %gather3A : vector<16xf32>
            tpu.vector_store_idx %arg8[%gather3A_140, %add3A_146], %mul3A_147 {add = true} : memref<320x256xf32, #tpu.memory_space<vmem>>[vector<16xi32>, vector<16xi32>], vector<16xf32>,
            %get3A_148 = arith.index_cast %scan3A_138 : i32 to index
            %get3A_149 = arith.constant 16 : index
            %get3A_150 = tpu.vector_load %arg16[%get3A_148, %get3A_149] {strides = array<i32>} : memref<64x256xf32, #tpu.memory_space<vmem>>, vector<16xf32>,
            %add3A_151 = arith.constant 16 : i32
            %add3A_152 = vector.broadcast %add3A_151 : i32 to vector<16xi32>
            %add3A_153 = arith.addi %iota3A, %add3A_152 : vector<16xi32>
            %mul3A_154 = arith.mulf %get3A_150, %gather3A : vector<16xf32>
            tpu.vector_store_idx %arg8[%gather3A_140, %add3A_153], %mul3A_154 {add = true} : memref<320x256xf32, #tpu.memory_space<vmem>>[vector<16xi32>, vector<16xi32>], vector<16xf32>,
            %get3A_155 = arith.index_cast %scan3A_138 : i32 to index
            %get3A_156 = arith.constant 32 : index
            %get3A_157 = tpu.vector_load %arg16[%get3A_155, %get3A_156] {strides = array<i32>} : memref<64x256xf32, #tpu.memory_space<vmem>>, vector<16xf32>,
            %add3A_158 = arith.constant 32 : i32
            %add3A_159 = vector.broadcast %add3A_158 : i32 to vector<16xi32>
            %add3A_160 = arith.addi %iota3A, %add3A_159 : vector<16xi32>
            %mul3A_161 = arith.mulf %get3A_157, %gather3A : vector<16xf32>
            tpu.vector_store_idx %arg8[%gather3A_140, %add3A_160], %mul3A_161 {add = true} : memref<320x256xf32, #tpu.memory_space<vmem>>[vector<16xi32>, vector<16xi32>], vector<16xf32>,
            %get3A_162 = arith.index_cast %scan3A_138 : i32 to index
            %get3A_163 = arith.constant 48 : index
            %get3A_164 = tpu.vector_load %arg16[%get3A_162, %get3A_163] {strides = array<i32>} : memref<64x256xf32, #tpu.memory_space<vmem>>, vector<16xf32>,
            %add3A_165 = arith.constant 48 : i32
            %add3A_166 = vector.broadcast %add3A_165 : i32 to vector<16xi32>
            %add3A_167 = arith.addi %iota3A, %add3A_166 : vector<16xi32>
            %mul3A_168 = arith.mulf %get3A_164, %gather3A : vector<16xf32>
            tpu.vector_store_idx %arg8[%gather3A_140, %add3A_167], %mul3A_168 {add = true} : memref<320x256xf32, #tpu.memory_space<vmem>>[vector<16xi32>, vector<16xi32>], vector<16xf32>,
            %get3A_169 = arith.index_cast %scan3A_138 : i32 to index
            %get3A_170 = arith.constant 64 : index
            %get3A_171 = tpu.vector_load %arg16[%get3A_169, %get3A_170] {strides = array<i32>} : memref<64x256xf32, #tpu.memory_space<vmem>>, vector<16xf32>,
            %add3A_172 = arith.constant 64 : i32
            %add3A_173 = vector.broadcast %add3A_172 : i32 to vector<16xi32>
            %add3A_174 = arith.addi %iota3A, %add3A_173 : vector<16xi32>
            %mul3A_175 = arith.mulf %get3A_171, %gather3A : vector<16xf32>
            tpu.vector_store_idx %arg8[%gather3A_140, %add3A_174], %mul3A_175 {add = true} : memref<320x256xf32, #tpu.memory_space<vmem>>[vector<16xi32>, vector<16xi32>], vector<16xf32>,
            %get3A_176 = arith.index_cast %scan3A_138 : i32 to index
            %get3A_177 = arith.constant 80 : index
            %get3A_178 = tpu.vector_load %arg16[%get3A_176, %get3A_177] {strides = array<i32>} : memref<64x256xf32, #tpu.memory_space<vmem>>, vector<16xf32>,
            %add3A_179 = arith.constant 80 : i32
            %add3A_180 = vector.broadcast %add3A_179 : i32 to vector<16xi32>
            %add3A_181 = arith.addi %iota3A, %add3A_180 : vector<16xi32>
            %mul3A_182 = arith.mulf %get3A_178, %gather3A : vector<16xf32>
            tpu.vector_store_idx %arg8[%gather3A_140, %add3A_181], %mul3A_182 {add = true} : memref<320x256xf32, #tpu.memory_space<vmem>>[vector<16xi32>, vector<16xi32>], vector<16xf32>,
            %get3A_183 = arith.index_cast %scan3A_138 : i32 to index
            %get3A_184 = arith.constant 96 : index
            %get3A_185 = tpu.vector_load %arg16[%get3A_183, %get3A_184] {strides = array<i32>} : memref<64x256xf32, #tpu.memory_space<vmem>>, vector<16xf32>,
            %add3A_186 = arith.constant 96 : i32
            %add3A_187 = vector.broadcast %add3A_186 : i32 to vector<16xi32>
            %add3A_188 = arith.addi %iota3A, %add3A_187 : vector<16xi32>
            %mul3A_189 = arith.mulf %get3A_185, %gather3A : vector<16xf32>
            tpu.vector_store_idx %arg8[%gather3A_140, %add3A_188], %mul3A_189 {add = true} : memref<320x256xf32, #tpu.memory_space<vmem>>[vector<16xi32>, vector<16xi32>], vector<16xf32>,
            %get3A_190 = arith.index_cast %scan3A_138 : i32 to index
            %get3A_191 = arith.constant 112 : index
            %get3A_192 = tpu.vector_load %arg16[%get3A_190, %get3A_191] {strides = array<i32>} : memref<64x256xf32, #tpu.memory_space<vmem>>, vector<16xf32>,
            %add3A_193 = arith.constant 112 : i32
            %add3A_194 = vector.broadcast %add3A_193 : i32 to vector<16xi32>
            %add3A_195 = arith.addi %iota3A, %add3A_194 : vector<16xi32>
            %mul3A_196 = arith.mulf %get3A_192, %gather3A : vector<16xf32>
            tpu.vector_store_idx %arg8[%gather3A_140, %add3A_195], %mul3A_196 {add = true} : memref<320x256xf32, #tpu.memory_space<vmem>>[vector<16xi32>, vector<16xi32>], vector<16xf32>,
            %get3A_197 = arith.index_cast %scan3A_138 : i32 to index
            %get3A_198 = arith.constant 128 : index
            %get3A_199 = tpu.vector_load %arg16[%get3A_197, %get3A_198] {strides = array<i32>} : memref<64x256xf32, #tpu.memory_space<vmem>>, vector<16xf32>,
            %add3A_200 = arith.constant 128 : i32
            %add3A_201 = vector.broadcast %add3A_200 : i32 to vector<16xi32>
            %add3A_202 = arith.addi %iota3A, %add3A_201 : vector<16xi32>
            %mul3A_203 = arith.mulf %get3A_199, %gather3A : vector<16xf32>
            tpu.vector_store_idx %arg8[%gather3A_140, %add3A_202], %mul3A_203 {add = true} : memref<320x256xf32, #tpu.memory_space<vmem>>[vector<16xi32>, vector<16xi32>], vector<16xf32>,
            %get3A_204 = arith.index_cast %scan3A_138 : i32 to index
            %get3A_205 = arith.constant 144 : index
            %get3A_206 = tpu.vector_load %arg16[%get3A_204, %get3A_205] {strides = array<i32>} : memref<64x256xf32, #tpu.memory_space<vmem>>, vector<16xf32>,
            %add3A_207 = arith.constant 144 : i32
            %add3A_208 = vector.broadcast %add3A_207 : i32 to vector<16xi32>
            %add3A_209 = arith.addi %iota3A, %add3A_208 : vector<16xi32>
            %mul3A_210 = arith.mulf %get3A_206, %gather3A : vector<16xf32>
            tpu.vector_store_idx %arg8[%gather3A_140, %add3A_209], %mul3A_210 {add = true} : memref<320x256xf32, #tpu.memory_space<vmem>>[vector<16xi32>, vector<16xi32>], vector<16xf32>,
            %get3A_211 = arith.index_cast %scan3A_138 : i32 to index
            %get3A_212 = arith.constant 160 : index
            %get3A_213 = tpu.vector_load %arg16[%get3A_211, %get3A_212] {strides = array<i32>} : memref<64x256xf32, #tpu.memory_space<vmem>>, vector<16xf32>,
            %add3A_214 = arith.constant 160 : i32
            %add3A_215 = vector.broadcast %add3A_214 : i32 to vector<16xi32>
            %add3A_216 = arith.addi %iota3A, %add3A_215 : vector<16xi32>
            %mul3A_217 = arith.mulf %get3A_213, %gather3A : vector<16xf32>
            tpu.vector_store_idx %arg8[%gather3A_140, %add3A_216], %mul3A_217 {add = true} : memref<320x256xf32, #tpu.memory_space<vmem>>[vector<16xi32>, vector<16xi32>], vector<16xf32>,
            %get3A_218 = arith.index_cast %scan3A_138 : i32 to index
            %get3A_219 = arith.constant 176 : index
            %get3A_220 = tpu.vector_load %arg16[%get3A_218, %get3A_219] {strides = array<i32>} : memref<64x256xf32, #tpu.memory_space<vmem>>, vector<16xf32>,
            %add3A_221 = arith.constant 176 : i32
            %add3A_222 = vector.broadcast %add3A_221 : i32 to vector<16xi32>
            %add3A_223 = arith.addi %iota3A, %add3A_222 : vector<16xi32>
            %mul3A_224 = arith.mulf %get3A_220, %gather3A : vector<16xf32>
            tpu.vector_store_idx %arg8[%gather3A_140, %add3A_223], %mul3A_224 {add = true} : memref<320x256xf32, #tpu.memory_space<vmem>>[vector<16xi32>, vector<16xi32>], vector<16xf32>,
            %get3A_225 = arith.index_cast %scan3A_138 : i32 to index
            %get3A_226 = arith.constant 192 : index
            %get3A_227 = tpu.vector_load %arg16[%get3A_225, %get3A_226] {strides = array<i32>} : memref<64x256xf32, #tpu.memory_space<vmem>>, vector<16xf32>,
            %add3A_228 = arith.constant 192 : i32
            %add3A_229 = vector.broadcast %add3A_228 : i32 to vector<16xi32>
            %add3A_230 = arith.addi %iota3A, %add3A_229 : vector<16xi32>
            %mul3A_231 = arith.mulf %get3A_227, %gather3A : vector<16xf32>
            tpu.vector_store_idx %arg8[%gather3A_140, %add3A_230], %mul3A_231 {add = true} : memref<320x256xf32, #tpu.memory_space<vmem>>[vector<16xi32>, vector<16xi32>], vector<16xf32>,
            %get3A_232 = arith.index_cast %scan3A_138 : i32 to index
            %get3A_233 = arith.constant 208 : index
            %get3A_234 = tpu.vector_load %arg16[%get3A_232, %get3A_233] {strides = array<i32>} : memref<64x256xf32, #tpu.memory_space<vmem>>, vector<16xf32>,
            %add3A_235 = arith.constant 208 : i32
            %add3A_236 = vector.broadcast %add3A_235 : i32 to vector<16xi32>
            %add3A_237 = arith.addi %iota3A, %add3A_236 : vector<16xi32>
            %mul3A_238 = arith.mulf %get3A_234, %gather3A : vector<16xf32>
            tpu.vector_store_idx %arg8[%gather3A_140, %add3A_237], %mul3A_238 {add = true} : memref<320x256xf32, #tpu.memory_space<vmem>>[vector<16xi32>, vector<16xi32>], vector<16xf32>,
            %get3A_239 = arith.index_cast %scan3A_138 : i32 to index
            %get3A_240 = arith.constant 224 : index
            %get3A_241 = tpu.vector_load %arg16[%get3A_239, %get3A_240] {strides = array<i32>} : memref<64x256xf32, #tpu.memory_space<vmem>>, vector<16xf32>,
            %add3A_242 = arith.constant 224 : i32
            %add3A_243 = vector.broadcast %add3A_242 : i32 to vector<16xi32>
            %add3A_244 = arith.addi %iota3A, %add3A_243 : vector<16xi32>
            %mul3A_245 = arith.mulf %get3A_241, %gather3A : vector<16xf32>
            tpu.vector_store_idx %arg8[%gather3A_140, %add3A_244], %mul3A_245 {add = true} : memref<320x256xf32, #tpu.memory_space<vmem>>[vector<16xi32>, vector<16xi32>], vector<16xf32>,
            %get3A_246 = arith.index_cast %scan3A_138 : i32 to index
            %get3A_247 = arith.constant 240 : index
            %get3A_248 = tpu.vector_load %arg16[%get3A_246, %get3A_247] {strides = array<i32>} : memref<64x256xf32, #tpu.memory_space<vmem>>, vector<16xf32>,
            %add3A_249 = arith.constant 240 : i32
            %add3A_250 = vector.broadcast %add3A_249 : i32 to vector<16xi32>
            %add3A_251 = arith.addi %iota3A, %add3A_250 : vector<16xi32>
            %mul3A_252 = arith.mulf %get3A_248, %gather3A : vector<16xf32>
            tpu.vector_store_idx %arg8[%gather3A_140, %add3A_251], %mul3A_252 {add = true} : memref<320x256xf32, #tpu.memory_space<vmem>>[vector<16xi32>, vector<16xi32>], vector<16xf32>,
          }
          %scan3A_137 = arith.constant 64 : i32
        }
        %while3A_86 = arith.constant 1 : i32
        scf.for %while3A_87 = %while3A_84 to %while3A_80 step %while3A_86  : i32 {
          %mul3A_88 = arith.constant 64 : i32
          %mul3A_89 = arith.muli %while3A_87, %mul3A_88 : i32
          %add3A_90 = arith.constant 0 : i32
          %add3A_91 = arith.addi %mul3A_89, %add3A_90 : i32
          %get3A = arith.index_cast %add3A_91 : i32 to index
          %get3A_92 = tpu.vector_load %arg12[%get3A] {strides = array<i32>} : memref<2064xi32, #tpu.memory_space<vmem>>, vector<16xi32>,
          %mul3A_93 = arith.constant 10240 : i32
          %mul3A_94 = arith.muli %scan3A_8, %mul3A_93 : i32
          %add3A_95 = vector.broadcast %mul3A_94 : i32 to vector<16xi32>
          %add3A_96 = arith.addi %get3A_92, %add3A_95 : vector<16xi32>
          %swap3A = arith.constant 0 : index
          %swap3A_97 = tpu.vector_load %arg17[%swap3A] {strides = array<i32>} : memref<64xi32, #tpu.memory_space<vmem>>, vector<16xi32>,
          tpu.vector_store %arg17[%swap3A], %add3A_96 {strides = array<i32>} : memref<64xi32, #tpu.memory_space<vmem>>, vector<16xi32>,
          %add3A_98 = arith.constant 16 : i32
          %add3A_99 = arith.addi %mul3A_89, %add3A_98 : i32
          %get3A_100 = arith.index_cast %add3A_99 : i32 to index
          %get3A_101 = tpu.vector_load %arg12[%get3A_100] {strides = array<i32>} : memref<2064xi32, #tpu.memory_space<vmem>>, vector<16xi32>,
          %mul3A_102 = arith.constant 10240 : i32
          %mul3A_103 = arith.muli %scan3A_8, %mul3A_102 : i32
          %add3A_104 = vector.broadcast %mul3A_103 : i32 to vector<16xi32>
          %add3A_105 = arith.addi %get3A_101, %add3A_104 : vector<16xi32>
          %swap3A_106 = arith.constant 16 : index
          %swap3A_107 = tpu.vector_load %arg17[%swap3A_106] {strides = array<i32>} : memref<64xi32, #tpu.memory_space<vmem>>, vector<16xi32>,
          tpu.vector_store %arg17[%swap3A_106], %add3A_105 {strides = array<i32>} : memref<64xi32, #tpu.memory_space<vmem>>, vector<16xi32>,
          %add3A_108 = arith.constant 32 : i32
          %add3A_109 = arith.addi %mul3A_89, %add3A_108 : i32
          %get3A_110 = arith.index_cast %add3A_109 : i32 to index
          %get3A_111 = tpu.vector_load %arg12[%get3A_110] {strides = array<i32>} : memref<2064xi32, #tpu.memory_space<vmem>>, vector<16xi32>,
          %mul3A_112 = arith.constant 10240 : i32
          %mul3A_113 = arith.muli %scan3A_8, %mul3A_112 : i32
          %add3A_114 = vector.broadcast %mul3A_113 : i32 to vector<16xi32>
          %add3A_115 = arith.addi %get3A_111, %add3A_114 : vector<16xi32>
          %swap3A_116 = arith.constant 32 : index
          %swap3A_117 = tpu.vector_load %arg17[%swap3A_116] {strides = array<i32>} : memref<64xi32, #tpu.memory_space<vmem>>, vector<16xi32>,
          tpu.vector_store %arg17[%swap3A_116], %add3A_115 {strides = array<i32>} : memref<64xi32, #tpu.memory_space<vmem>>, vector<16xi32>,
          %add3A_118 = arith.constant 48 : i32
          %add3A_119 = arith.addi %mul3A_89, %add3A_118 : i32
          %get3A_120 = arith.index_cast %add3A_119 : i32 to index
          %get3A_121 = tpu.vector_load %arg12[%get3A_120] {strides = array<i32>} : memref<2064xi32, #tpu.memory_space<vmem>>, vector<16xi32>,
          %mul3A_122 = arith.constant 10240 : i32
          %mul3A_123 = arith.muli %scan3A_8, %mul3A_122 : i32
          %add3A_124 = vector.broadcast %mul3A_123 : i32 to vector<16xi32>
          %add3A_125 = arith.addi %get3A_121, %add3A_124 : vector<16xi32>
          %swap3A_126 = arith.constant 48 : index
          %swap3A_127 = tpu.vector_load %arg17[%swap3A_126] {strides = array<i32>} : memref<64xi32, #tpu.memory_space<vmem>>, vector<16xi32>,
          tpu.vector_store %arg17[%swap3A_126], %add3A_125 {strides = array<i32>} : memref<64xi32, #tpu.memory_space<vmem>>, vector<16xi32>,
          %dma_start3A = arith.constant 0 : i32
          %dma_start3A_128 = arith.constant 0 : i32
          %dma_start3A_129 = tpu.memref_slice %arg6[%dma_start3A, %dma_start3A_128] : memref<122880x256xf32, #tpu.memory_space<hbm>> -> memref<122880x256xf32, #tpu.memory_space<hbm>>
          tpu.enqueue_indirect_dma source(%dma_start3A_129 : memref<122880x256xf32, #tpu.memory_space<hbm>>) target(%arg16 : memref<64x256xf32, #tpu.memory_space<vmem>>) offsets(%arg17 : memref<64xi32, #tpu.memory_space<vmem>>) semaphore(%arg18 : memref<!tpu.dma_semaphore, #tpu.memory_space<semaphore_mem>>)
          %dma_wait3A = arith.constant 0 : i32
          %dma_wait3A_130 = arith.constant 0 : i32
          %dma_wait3A_131 = tpu.memref_slice %arg6[%dma_wait3A, %dma_wait3A_130] : memref<122880x256xf32, #tpu.memory_space<hbm>> -> memref<122880x256xf32, #tpu.memory_space<hbm>>
          tpu.wait_indirect_dma semaphore(%arg18 : memref<!tpu.dma_semaphore, #tpu.memory_space<semaphore_mem>>) src(%dma_wait3A_131 : memref<122880x256xf32, #tpu.memory_space<hbm>>) dst(%arg16 : memref<64x256xf32, #tpu.memory_space<vmem>>)
          %scan3A_132 = arith.constant 0 : i32
          %scan3A_133 = arith.constant 0 : i32
          %scan3A_134 = arith.constant 64 : i32
          %scan3A_135 = arith.addi %scan3A_133, %scan3A_134 : i32
          %scan3A_136 = arith.constant 1 : i32
          scf.for %scan3A_138 = %scan3A_133 to %scan3A_135 step %scan3A_136  : i32 {
            %add3A_139 = arith.addi %mul3A_89, %scan3A_138 : i32
            %broadcast_in_dim3A = vector.broadcast %add3A_139 : i32 to vector<16xi32>
            %gather3A = tpu.vector_load_idx %arg14[%broadcast_in_dim3A] : memref<2064xf32, #tpu.memory_space<vmem>>[vector<16xi32>], vector<16xf32>,
            %gather3A_140 = tpu.vector_load_idx %arg13[%broadcast_in_dim3A] : memref<2064xi32, #tpu.memory_space<vmem>>[vector<16xi32>], vector<16xi32>,
            %get3A_141 = arith.index_cast %scan3A_138 : i32 to index
            %get3A_142 = arith.constant 0 : index
            %get3A_143 = tpu.vector_load %arg16[%get3A_141, %get3A_142] {strides = array<i32>} : memref<64x256xf32, #tpu.memory_space<vmem>>, vector<16xf32>,
            %add3A_144 = arith.constant 0 : i32
            %add3A_145 = vector.broadcast %add3A_144 : i32 to vector<16xi32>
            %add3A_146 = arith.addi %iota3A, %add3A_145 : vector<16xi32>
            %mul3A_147 = arith.mulf %get3A_143, %gather3A : vector<16xf32>
            tpu.vector_store_idx %arg8[%gather3A_140, %add3A_146], %mul3A_147 {add = true} : memref<320x256xf32, #tpu.memory_space<vmem>>[vector<16xi32>, vector<16xi32>], vector<16xf32>,
            %get3A_148 = arith.index_cast %scan3A_138 : i32 to index
            %get3A_149 = arith.constant 16 : index
            %get3A_150 = tpu.vector_load %arg16[%get3A_148, %get3A_149] {strides = array<i32>} : memref<64x256xf32, #tpu.memory_space<vmem>>, vector<16xf32>,
            %add3A_151 = arith.constant 16 : i32
            %add3A_152 = vector.broadcast %add3A_151 : i32 to vector<16xi32>
            %add3A_153 = arith.addi %iota3A, %add3A_152 : vector<16xi32>
            %mul3A_154 = arith.mulf %get3A_150, %gather3A : vector<16xf32>
            tpu.vector_store_idx %arg8[%gather3A_140, %add3A_153], %mul3A_154 {add = true} : memref<320x256xf32, #tpu.memory_space<vmem>>[vector<16xi32>, vector<16xi32>], vector<16xf32>,
            %get3A_155 = arith.index_cast %scan3A_138 : i32 to index
            %get3A_156 = arith.constant 32 : index
            %get3A_157 = tpu.vector_load %arg16[%get3A_155, %get3A_156] {strides = array<i32>} : memref<64x256xf32, #tpu.memory_space<vmem>>, vector<16xf32>,
            %add3A_158 = arith.constant 32 : i32
            %add3A_159 = vector.broadcast %add3A_158 : i32 to vector<16xi32>
            %add3A_160 = arith.addi %iota3A, %add3A_159 : vector<16xi32>
            %mul3A_161 = arith.mulf %get3A_157, %gather3A : vector<16xf32>
            tpu.vector_store_idx %arg8[%gather3A_140, %add3A_160], %mul3A_161 {add = true} : memref<320x256xf32, #tpu.memory_space<vmem>>[vector<16xi32>, vector<16xi32>], vector<16xf32>,
            %get3A_162 = arith.index_cast %scan3A_138 : i32 to index
            %get3A_163 = arith.constant 48 : index
            %get3A_164 = tpu.vector_load %arg16[%get3A_162, %get3A_163] {strides = array<i32>} : memref<64x256xf32, #tpu.memory_space<vmem>>, vector<16xf32>,
            %add3A_165 = arith.constant 48 : i32
            %add3A_166 = vector.broadcast %add3A_165 : i32 to vector<16xi32>
            %add3A_167 = arith.addi %iota3A, %add3A_166 : vector<16xi32>
            %mul3A_168 = arith.mulf %get3A_164, %gather3A : vector<16xf32>
            tpu.vector_store_idx %arg8[%gather3A_140, %add3A_167], %mul3A_168 {add = true} : memref<320x256xf32, #tpu.memory_space<vmem>>[vector<16xi32>, vector<16xi32>], vector<16xf32>,
            %get3A_169 = arith.index_cast %scan3A_138 : i32 to index
            %get3A_170 = arith.constant 64 : index
            %get3A_171 = tpu.vector_load %arg16[%get3A_169, %get3A_170] {strides = array<i32>} : memref<64x256xf32, #tpu.memory_space<vmem>>, vector<16xf32>,
            %add3A_172 = arith.constant 64 : i32
            %add3A_173 = vector.broadcast %add3A_172 : i32 to vector<16xi32>
            %add3A_174 = arith.addi %iota3A, %add3A_173 : vector<16xi32>
            %mul3A_175 = arith.mulf %get3A_171, %gather3A : vector<16xf32>
            tpu.vector_store_idx %arg8[%gather3A_140, %add3A_174], %mul3A_175 {add = true} : memref<320x256xf32, #tpu.memory_space<vmem>>[vector<16xi32>, vector<16xi32>], vector<16xf32>,
            %get3A_176 = arith.index_cast %scan3A_138 : i32 to index
            %get3A_177 = arith.constant 80 : index
            %get3A_178 = tpu.vector_load %arg16[%get3A_176, %get3A_177] {strides = array<i32>} : memref<64x256xf32, #tpu.memory_space<vmem>>, vector<16xf32>,
            %add3A_179 = arith.constant 80 : i32
            %add3A_180 = vector.broadcast %add3A_179 : i32 to vector<16xi32>
            %add3A_181 = arith.addi %iota3A, %add3A_180 : vector<16xi32>
            %mul3A_182 = arith.mulf %get3A_178, %gather3A : vector<16xf32>
            tpu.vector_store_idx %arg8[%gather3A_140, %add3A_181], %mul3A_182 {add = true} : memref<320x256xf32, #tpu.memory_space<vmem>>[vector<16xi32>, vector<16xi32>], vector<16xf32>,
            %get3A_183 = arith.index_cast %scan3A_138 : i32 to index
            %get3A_184 = arith.constant 96 : index
            %get3A_185 = tpu.vector_load %arg16[%get3A_183, %get3A_184] {strides = array<i32>} : memref<64x256xf32, #tpu.memory_space<vmem>>, vector<16xf32>,
            %add3A_186 = arith.constant 96 : i32
            %add3A_187 = vector.broadcast %add3A_186 : i32 to vector<16xi32>
            %add3A_188 = arith.addi %iota3A, %add3A_187 : vector<16xi32>
            %mul3A_189 = arith.mulf %get3A_185, %gather3A : vector<16xf32>
            tpu.vector_store_idx %arg8[%gather3A_140, %add3A_188], %mul3A_189 {add = true} : memref<320x256xf32, #tpu.memory_space<vmem>>[vector<16xi32>, vector<16xi32>], vector<16xf32>,
            %get3A_190 = arith.index_cast %scan3A_138 : i32 to index
            %get3A_191 = arith.constant 112 : index
            %get3A_192 = tpu.vector_load %arg16[%get3A_190, %get3A_191] {strides = array<i32>} : memref<64x256xf32, #tpu.memory_space<vmem>>, vector<16xf32>,
            %add3A_193 = arith.constant 112 : i32
            %add3A_194 = vector.broadcast %add3A_193 : i32 to vector<16xi32>
            %add3A_195 = arith.addi %iota3A, %add3A_194 : vector<16xi32>
            %mul3A_196 = arith.mulf %get3A_192, %gather3A : vector<16xf32>
            tpu.vector_store_idx %arg8[%gather3A_140, %add3A_195], %mul3A_196 {add = true} : memref<320x256xf32, #tpu.memory_space<vmem>>[vector<16xi32>, vector<16xi32>], vector<16xf32>,
            %get3A_197 = arith.index_cast %scan3A_138 : i32 to index
            %get3A_198 = arith.constant 128 : index
            %get3A_199 = tpu.vector_load %arg16[%get3A_197, %get3A_198] {strides = array<i32>} : memref<64x256xf32, #tpu.memory_space<vmem>>, vector<16xf32>,
            %add3A_200 = arith.constant 128 : i32
            %add3A_201 = vector.broadcast %add3A_200 : i32 to vector<16xi32>
            %add3A_202 = arith.addi %iota3A, %add3A_201 : vector<16xi32>
            %mul3A_203 = arith.mulf %get3A_199, %gather3A : vector<16xf32>
            tpu.vector_store_idx %arg8[%gather3A_140, %add3A_202], %mul3A_203 {add = true} : memref<320x256xf32, #tpu.memory_space<vmem>>[vector<16xi32>, vector<16xi32>], vector<16xf32>,
            %get3A_204 = arith.index_cast %scan3A_138 : i32 to index
            %get3A_205 = arith.constant 144 : index
            %get3A_206 = tpu.vector_load %arg16[%get3A_204, %get3A_205] {strides = array<i32>} : memref<64x256xf32, #tpu.memory_space<vmem>>, vector<16xf32>,
            %add3A_207 = arith.constant 144 : i32
            %add3A_208 = vector.broadcast %add3A_207 : i32 to vector<16xi32>
            %add3A_209 = arith.addi %iota3A, %add3A_208 : vector<16xi32>
            %mul3A_210 = arith.mulf %get3A_206, %gather3A : vector<16xf32>
            tpu.vector_store_idx %arg8[%gather3A_140, %add3A_209], %mul3A_210 {add = true} : memref<320x256xf32, #tpu.memory_space<vmem>>[vector<16xi32>, vector<16xi32>], vector<16xf32>,
            %get3A_211 = arith.index_cast %scan3A_138 : i32 to index
            %get3A_212 = arith.constant 160 : index
            %get3A_213 = tpu.vector_load %arg16[%get3A_211, %get3A_212] {strides = array<i32>} : memref<64x256xf32, #tpu.memory_space<vmem>>, vector<16xf32>,
            %add3A_214 = arith.constant 160 : i32
            %add3A_215 = vector.broadcast %add3A_214 : i32 to vector<16xi32>
            %add3A_216 = arith.addi %iota3A, %add3A_215 : vector<16xi32>
            %mul3A_217 = arith.mulf %get3A_213, %gather3A : vector<16xf32>
            tpu.vector_store_idx %arg8[%gather3A_140, %add3A_216], %mul3A_217 {add = true} : memref<320x256xf32, #tpu.memory_space<vmem>>[vector<16xi32>, vector<16xi32>], vector<16xf32>,
            %get3A_218 = arith.index_cast %scan3A_138 : i32 to index
            %get3A_219 = arith.constant 176 : index
            %get3A_220 = tpu.vector_load %arg16[%get3A_218, %get3A_219] {strides = array<i32>} : memref<64x256xf32, #tpu.memory_space<vmem>>, vector<16xf32>,
            %add3A_221 = arith.constant 176 : i32
            %add3A_222 = vector.broadcast %add3A_221 : i32 to vector<16xi32>
            %add3A_223 = arith.addi %iota3A, %add3A_222 : vector<16xi32>
            %mul3A_224 = arith.mulf %get3A_220, %gather3A : vector<16xf32>
            tpu.vector_store_idx %arg8[%gather3A_140, %add3A_223], %mul3A_224 {add = true} : memref<320x256xf32, #tpu.memory_space<vmem>>[vector<16xi32>, vector<16xi32>], vector<16xf32>,
            %get3A_225 = arith.index_cast %scan3A_138 : i32 to index
            %get3A_226 = arith.constant 192 : index
            %get3A_227 = tpu.vector_load %arg16[%get3A_225, %get3A_226] {strides = array<i32>} : memref<64x256xf32, #tpu.memory_space<vmem>>, vector<16xf32>,
            %add3A_228 = arith.constant 192 : i32
            %add3A_229 = vector.broadcast %add3A_228 : i32 to vector<16xi32>
            %add3A_230 = arith.addi %iota3A, %add3A_229 : vector<16xi32>
            %mul3A_231 = arith.mulf %get3A_227, %gather3A : vector<16xf32>
            tpu.vector_store_idx %arg8[%gather3A_140, %add3A_230], %mul3A_231 {add = true} : memref<320x256xf32, #tpu.memory_space<vmem>>[vector<16xi32>, vector<16xi32>], vector<16xf32>,
            %get3A_232 = arith.index_cast %scan3A_138 : i32 to index
            %get3A_233 = arith.constant 208 : index
            %get3A_234 = tpu.vector_load %arg16[%get3A_232, %get3A_233] {strides = array<i32>} : memref<64x256xf32, #tpu.memory_space<vmem>>, vector<16xf32>,
            %add3A_235 = arith.constant 208 : i32
            %add3A_236 = vector.broadcast %add3A_235 : i32 to vector<16xi32>
            %add3A_237 = arith.addi %iota3A, %add3A_236 : vector<16xi32>
            %mul3A_238 = arith.mulf %get3A_234, %gather3A : vector<16xf32>
            tpu.vector_store_idx %arg8[%gather3A_140, %add3A_237], %mul3A_238 {add = true} : memref<320x256xf32, #tpu.memory_space<vmem>>[vector<16xi32>, vector<16xi32>], vector<16xf32>,
            %get3A_239 = arith.index_cast %scan3A_138 : i32 to index
            %get3A_240 = arith.constant 224 : index
            %get3A_241 = tpu.vector_load %arg16[%get3A_239, %get3A_240] {strides = array<i32>} : memref<64x256xf32, #tpu.memory_space<vmem>>, vector<16xf32>,
            %add3A_242 = arith.constant 224 : i32
            %add3A_243 = vector.broadcast %add3A_242 : i32 to vector<16xi32>
            %add3A_244 = arith.addi %iota3A, %add3A_243 : vector<16xi32>
            %mul3A_245 = arith.mulf %get3A_241, %gather3A : vector<16xf32>
            tpu.vector_store_idx %arg8[%gather3A_140, %add3A_244], %mul3A_245 {add = true} : memref<320x256xf32, #tpu.memory_space<vmem>>[vector<16xi32>, vector<16xi32>], vector<16xf32>,
            %get3A_246 = arith.index_cast %scan3A_138 : i32 to index
            %get3A_247 = arith.constant 240 : index
            %get3A_248 = tpu.vector_load %arg16[%get3A_246, %get3A_247] {strides = array<i32>} : memref<64x256xf32, #tpu.memory_space<vmem>>, vector<16xf32>,
            %add3A_249 = arith.constant 240 : i32
            %add3A_250 = vector.broadcast %add3A_249 : i32 to vector<16xi32>
            %add3A_251 = arith.addi %iota3A, %add3A_250 : vector<16xi32>
            %mul3A_252 = arith.mulf %get3A_248, %gather3A : vector<16xf32>
            tpu.vector_store_idx %arg8[%gather3A_140, %add3A_251], %mul3A_252 {add = true} : memref<320x256xf32, #tpu.memory_space<vmem>>[vector<16xi32>, vector<16xi32>], vector<16xf32>,
          }
          %scan3A_137 = arith.constant 64 : i32
        }
      }
      %scan3A_20 = arith.constant 40 : i32
      %scan3A_21 = arith.constant 0 : i32
      %scan3A_22 = arith.constant 0 : i32
      %scan3A_23 = arith.constant 20 : i32
      %scan3A_24 = arith.addi %scan3A_22, %scan3A_23 : i32
      %scan3A_25 = arith.constant 1 : i32
      scf.for %scan3A_42 = %scan3A_22 to %scan3A_24 step %scan3A_25  : i32 {
        %mul3A_43 = arith.constant 16 : i32
        %mul3A_44 = arith.muli %scan3A_42, %mul3A_43 : i32
        %add3A_45 = arith.addi %mul3A_2, %mul3A_44 : i32
        %add3A_46 = vector.broadcast %add3A_45 : i32 to vector<16xi32>
        %add3A_47 = arith.addi %add3A_46, %iota3A : vector<16xi32>
        %gather3A = tpu.vector_load_idx %arg15[%add3A_47] : memref<10240xf32, #tpu.memory_space<vmem>>[vector<16xi32>], vector<16xf32>,
        %mul3A_48 = arith.constant 16 : i32
        %mul3A_49 = arith.muli %scan3A_42, %mul3A_48 : i32
        %swap3A = arith.index_cast %mul3A_49 : i32 to index
        %swap3A_50 = tpu.vector_load %arg12[%swap3A] {strides = array<i32>} : memref<2064xi32, #tpu.memory_space<vmem>>, vector<16xi32>,
        tpu.vector_store %arg12[%swap3A], %add3A_47 {strides = array<i32>} : memref<2064xi32, #tpu.memory_space<vmem>>, vector<16xi32>,
        %mul3A_51 = arith.constant 16 : i32
        %mul3A_52 = arith.muli %scan3A_42, %mul3A_51 : i32
        %add3A_53 = vector.broadcast %mul3A_52 : i32 to vector<16xi32>
        %add3A_54 = arith.addi %add3A_53, %iota3A : vector<16xi32>
        %mul3A_55 = arith.constant 16 : i32
        %mul3A_56 = arith.muli %scan3A_42, %mul3A_55 : i32
        %swap3A_57 = arith.index_cast %mul3A_56 : i32 to index
        %swap3A_58 = tpu.vector_load %arg13[%swap3A_57] {strides = array<i32>} : memref<2064xi32, #tpu.memory_space<vmem>>, vector<16xi32>,
        tpu.vector_store %arg13[%swap3A_57], %add3A_54 {strides = array<i32>} : memref<2064xi32, #tpu.memory_space<vmem>>, vector<16xi32>,
        %mul3A_59 = arith.mulf %gather3A, %gather3A : vector<16xf32>
        %mul3A_60 = arith.constant 16 : i32
        %mul3A_61 = arith.muli %scan3A_42, %mul3A_60 : i32
        %swap3A_62 = arith.index_cast %mul3A_61 : i32 to index
        %swap3A_63 = tpu.vector_load %arg14[%swap3A_62] {strides = array<i32>} : memref<2064xf32, #tpu.memory_space<vmem>>, vector<16xf32>,
        tpu.vector_store %arg14[%swap3A_62], %mul3A_59 {strides = array<i32>} : memref<2064xf32, #tpu.memory_space<vmem>>, vector<16xf32>,
      }
      %scan3A_26 = arith.constant 20 : i32
      %scan3A_27 = arith.constant 0 : i32
      %scan3A_28 = arith.constant 0 : i32
      %scan3A_29 = arith.constant 4 : i32
      %scan3A_30 = arith.addi %scan3A_28, %scan3A_29 : i32
      %scan3A_31 = arith.constant 1 : i32
      scf.for %scan3A_42 = %scan3A_28 to %scan3A_30 step %scan3A_31  : i32 {
        %broadcast_in_dim3A = arith.constant 0 : i32
        %broadcast_in_dim3A_43 = vector.broadcast %broadcast_in_dim3A : i32 to vector<16xi32>
        %mul3A_44 = arith.constant 16 : i32
        %mul3A_45 = arith.muli %scan3A_42, %mul3A_44 : i32
        %add3A_46 = arith.constant 320 : i32
        %add3A_47 = arith.addi %add3A_46, %mul3A_45 : i32
        %swap3A = arith.index_cast %add3A_47 : i32 to index
        %swap3A_48 = tpu.vector_load %arg12[%swap3A] {strides = array<i32>} : memref<2064xi32, #tpu.memory_space<vmem>>, vector<16xi32>,
        tpu.vector_store %arg12[%swap3A], %broadcast_in_dim3A_43 {strides = array<i32>} : memref<2064xi32, #tpu.memory_space<vmem>>, vector<16xi32>,
        %mul3A_49 = arith.constant 16 : i32
        %mul3A_50 = arith.muli %scan3A_42, %mul3A_49 : i32
        %add3A_51 = arith.constant 320 : i32
        %add3A_52 = arith.addi %add3A_51, %mul3A_50 : i32
        %swap3A_53 = arith.index_cast %add3A_52 : i32 to index
        %swap3A_54 = tpu.vector_load %arg13[%swap3A_53] {strides = array<i32>} : memref<2064xi32, #tpu.memory_space<vmem>>, vector<16xi32>,
        tpu.vector_store %arg13[%swap3A_53], %broadcast_in_dim3A_43 {strides = array<i32>} : memref<2064xi32, #tpu.memory_space<vmem>>, vector<16xi32>,
        %broadcast_in_dim3A_55 = arith.constant 0.000000e+00 : f32
        %broadcast_in_dim3A_56 = vector.broadcast %broadcast_in_dim3A_55 : f32 to vector<16xf32>
        %mul3A_57 = arith.constant 16 : i32
        %mul3A_58 = arith.muli %scan3A_42, %mul3A_57 : i32
        %add3A_59 = arith.constant 320 : i32
        %add3A_60 = arith.addi %add3A_59, %mul3A_58 : i32
        %swap3A_61 = arith.index_cast %add3A_60 : i32 to index
        %swap3A_62 = tpu.vector_load %arg14[%swap3A_61] {strides = array<i32>} : memref<2064xf32, #tpu.memory_space<vmem>>, vector<16xf32>,
        tpu.vector_store %arg14[%swap3A_61], %broadcast_in_dim3A_56 {strides = array<i32>} : memref<2064xf32, #tpu.memory_space<vmem>>, vector<16xf32>,
      }
      %scan3A_32 = arith.constant 4 : i32
      %scan3A_33 = arith.constant 0 : i32
      %scan3A_34 = arith.constant 0 : i32
      %scan3A_35 = arith.constant 5 : i32
      %scan3A_36 = arith.addi %scan3A_34, %scan3A_35 : i32
      %scan3A_37 = arith.constant 1 : i32
      scf.for %scan3A_42 = %scan3A_34 to %scan3A_36 step %scan3A_37  : i32 {
        %mul3A_43 = arith.constant 64 : i32
        %mul3A_44 = arith.muli %scan3A_42, %mul3A_43 : i32
        %add3A_45 = arith.constant 0 : i32
        %add3A_46 = arith.addi %mul3A_44, %add3A_45 : i32
        %get3A = arith.index_cast %add3A_46 : i32 to index
        %get3A_47 = tpu.vector_load %arg12[%get3A] {strides = array<i32>} : memref<2064xi32, #tpu.memory_space<vmem>>, vector<16xi32>,
        %mul3A_48 = arith.constant 10240 : i32
        %mul3A_49 = arith.muli %scan3A_8, %mul3A_48 : i32
        %add3A_50 = vector.broadcast %mul3A_49 : i32 to vector<16xi32>
        %add3A_51 = arith.addi %get3A_47, %add3A_50 : vector<16xi32>
        %swap3A = arith.constant 0 : index
        %swap3A_52 = tpu.vector_load %arg17[%swap3A] {strides = array<i32>} : memref<64xi32, #tpu.memory_space<vmem>>, vector<16xi32>,
        tpu.vector_store %arg17[%swap3A], %add3A_51 {strides = array<i32>} : memref<64xi32, #tpu.memory_space<vmem>>, vector<16xi32>,
        %add3A_53 = arith.constant 16 : i32
        %add3A_54 = arith.addi %mul3A_44, %add3A_53 : i32
        %get3A_55 = arith.index_cast %add3A_54 : i32 to index
        %get3A_56 = tpu.vector_load %arg12[%get3A_55] {strides = array<i32>} : memref<2064xi32, #tpu.memory_space<vmem>>, vector<16xi32>,
        %mul3A_57 = arith.constant 10240 : i32
        %mul3A_58 = arith.muli %scan3A_8, %mul3A_57 : i32
        %add3A_59 = vector.broadcast %mul3A_58 : i32 to vector<16xi32>
        %add3A_60 = arith.addi %get3A_56, %add3A_59 : vector<16xi32>
        %swap3A_61 = arith.constant 16 : index
        %swap3A_62 = tpu.vector_load %arg17[%swap3A_61] {strides = array<i32>} : memref<64xi32, #tpu.memory_space<vmem>>, vector<16xi32>,
        tpu.vector_store %arg17[%swap3A_61], %add3A_60 {strides = array<i32>} : memref<64xi32, #tpu.memory_space<vmem>>, vector<16xi32>,
        %add3A_63 = arith.constant 32 : i32
        %add3A_64 = arith.addi %mul3A_44, %add3A_63 : i32
        %get3A_65 = arith.index_cast %add3A_64 : i32 to index
        %get3A_66 = tpu.vector_load %arg12[%get3A_65] {strides = array<i32>} : memref<2064xi32, #tpu.memory_space<vmem>>, vector<16xi32>,
        %mul3A_67 = arith.constant 10240 : i32
        %mul3A_68 = arith.muli %scan3A_8, %mul3A_67 : i32
        %add3A_69 = vector.broadcast %mul3A_68 : i32 to vector<16xi32>
        %add3A_70 = arith.addi %get3A_66, %add3A_69 : vector<16xi32>
        %swap3A_71 = arith.constant 32 : index
        %swap3A_72 = tpu.vector_load %arg17[%swap3A_71] {strides = array<i32>} : memref<64xi32, #tpu.memory_space<vmem>>, vector<16xi32>,
        tpu.vector_store %arg17[%swap3A_71], %add3A_70 {strides = array<i32>} : memref<64xi32, #tpu.memory_space<vmem>>, vector<16xi32>,
        %add3A_73 = arith.constant 48 : i32
        %add3A_74 = arith.addi %mul3A_44, %add3A_73 : i32
        %get3A_75 = arith.index_cast %add3A_74 : i32 to index
        %get3A_76 = tpu.vector_load %arg12[%get3A_75] {strides = array<i32>} : memref<2064xi32, #tpu.memory_space<vmem>>, vector<16xi32>,
        %mul3A_77 = arith.constant 10240 : i32
        %mul3A_78 = arith.muli %scan3A_8, %mul3A_77 : i32
        %add3A_79 = vector.broadcast %mul3A_78 : i32 to vector<16xi32>
        %add3A_80 = arith.addi %get3A_76, %add3A_79 : vector<16xi32>
        %swap3A_81 = arith.constant 48 : index
        %swap3A_82 = tpu.vector_load %arg17[%swap3A_81] {strides = array<i32>} : memref<64xi32, #tpu.memory_space<vmem>>, vector<16xi32>,
        tpu.vector_store %arg17[%swap3A_81], %add3A_80 {strides = array<i32>} : memref<64xi32, #tpu.memory_space<vmem>>, vector<16xi32>,
        %dma_start3A = arith.constant 0 : i32
        %dma_start3A_83 = arith.constant 0 : i32
        %dma_start3A_84 = tpu.memref_slice %arg6[%dma_start3A, %dma_start3A_83] : memref<122880x256xf32, #tpu.memory_space<hbm>> -> memref<122880x256xf32, #tpu.memory_space<hbm>>
        tpu.enqueue_indirect_dma source(%dma_start3A_84 : memref<122880x256xf32, #tpu.memory_space<hbm>>) target(%arg16 : memref<64x256xf32, #tpu.memory_space<vmem>>) offsets(%arg17 : memref<64xi32, #tpu.memory_space<vmem>>) semaphore(%arg18 : memref<!tpu.dma_semaphore, #tpu.memory_space<semaphore_mem>>)
        %dma_wait3A = arith.constant 0 : i32
        %dma_wait3A_85 = arith.constant 0 : i32
        %dma_wait3A_86 = tpu.memref_slice %arg6[%dma_wait3A, %dma_wait3A_85] : memref<122880x256xf32, #tpu.memory_space<hbm>> -> memref<122880x256xf32, #tpu.memory_space<hbm>>
        tpu.wait_indirect_dma semaphore(%arg18 : memref<!tpu.dma_semaphore, #tpu.memory_space<semaphore_mem>>) src(%dma_wait3A_86 : memref<122880x256xf32, #tpu.memory_space<hbm>>) dst(%arg16 : memref<64x256xf32, #tpu.memory_space<vmem>>)
        %scan3A_87 = arith.constant 0 : i32
        %scan3A_88 = arith.constant 0 : i32
        %scan3A_89 = arith.constant 64 : i32
        %scan3A_90 = arith.addi %scan3A_88, %scan3A_89 : i32
        %scan3A_91 = arith.constant 1 : i32
        scf.for %scan3A_93 = %scan3A_88 to %scan3A_90 step %scan3A_91  : i32 {
          %add3A_94 = arith.addi %mul3A_44, %scan3A_93 : i32
          %broadcast_in_dim3A = vector.broadcast %add3A_94 : i32 to vector<16xi32>
          %gather3A = tpu.vector_load_idx %arg14[%broadcast_in_dim3A] : memref<2064xf32, #tpu.memory_space<vmem>>[vector<16xi32>], vector<16xf32>,
          %gather3A_95 = tpu.vector_load_idx %arg13[%broadcast_in_dim3A] : memref<2064xi32, #tpu.memory_space<vmem>>[vector<16xi32>], vector<16xi32>,
          %get3A_96 = arith.index_cast %scan3A_93 : i32 to index
          %get3A_97 = arith.constant 0 : index
          %get3A_98 = tpu.vector_load %arg16[%get3A_96, %get3A_97] {strides = array<i32>} : memref<64x256xf32, #tpu.memory_space<vmem>>, vector<16xf32>,
          %add3A_99 = arith.constant 0 : i32
          %add3A_100 = vector.broadcast %add3A_99 : i32 to vector<16xi32>
          %add3A_101 = arith.addi %iota3A, %add3A_100 : vector<16xi32>
          %mul3A_102 = arith.mulf %get3A_98, %gather3A : vector<16xf32>
          tpu.vector_store_idx %arg8[%gather3A_95, %add3A_101], %mul3A_102 {add = true} : memref<320x256xf32, #tpu.memory_space<vmem>>[vector<16xi32>, vector<16xi32>], vector<16xf32>,
          %get3A_103 = arith.index_cast %scan3A_93 : i32 to index
          %get3A_104 = arith.constant 16 : index
          %get3A_105 = tpu.vector_load %arg16[%get3A_103, %get3A_104] {strides = array<i32>} : memref<64x256xf32, #tpu.memory_space<vmem>>, vector<16xf32>,
          %add3A_106 = arith.constant 16 : i32
          %add3A_107 = vector.broadcast %add3A_106 : i32 to vector<16xi32>
          %add3A_108 = arith.addi %iota3A, %add3A_107 : vector<16xi32>
          %mul3A_109 = arith.mulf %get3A_105, %gather3A : vector<16xf32>
          tpu.vector_store_idx %arg8[%gather3A_95, %add3A_108], %mul3A_109 {add = true} : memref<320x256xf32, #tpu.memory_space<vmem>>[vector<16xi32>, vector<16xi32>], vector<16xf32>,
          %get3A_110 = arith.index_cast %scan3A_93 : i32 to index
          %get3A_111 = arith.constant 32 : index
          %get3A_112 = tpu.vector_load %arg16[%get3A_110, %get3A_111] {strides = array<i32>} : memref<64x256xf32, #tpu.memory_space<vmem>>, vector<16xf32>,
          %add3A_113 = arith.constant 32 : i32
          %add3A_114 = vector.broadcast %add3A_113 : i32 to vector<16xi32>
          %add3A_115 = arith.addi %iota3A, %add3A_114 : vector<16xi32>
          %mul3A_116 = arith.mulf %get3A_112, %gather3A : vector<16xf32>
          tpu.vector_store_idx %arg8[%gather3A_95, %add3A_115], %mul3A_116 {add = true} : memref<320x256xf32, #tpu.memory_space<vmem>>[vector<16xi32>, vector<16xi32>], vector<16xf32>,
          %get3A_117 = arith.index_cast %scan3A_93 : i32 to index
          %get3A_118 = arith.constant 48 : index
          %get3A_119 = tpu.vector_load %arg16[%get3A_117, %get3A_118] {strides = array<i32>} : memref<64x256xf32, #tpu.memory_space<vmem>>, vector<16xf32>,
          %add3A_120 = arith.constant 48 : i32
          %add3A_121 = vector.broadcast %add3A_120 : i32 to vector<16xi32>
          %add3A_122 = arith.addi %iota3A, %add3A_121 : vector<16xi32>
          %mul3A_123 = arith.mulf %get3A_119, %gather3A : vector<16xf32>
          tpu.vector_store_idx %arg8[%gather3A_95, %add3A_122], %mul3A_123 {add = true} : memref<320x256xf32, #tpu.memory_space<vmem>>[vector<16xi32>, vector<16xi32>], vector<16xf32>,
          %get3A_124 = arith.index_cast %scan3A_93 : i32 to index
          %get3A_125 = arith.constant 64 : index
          %get3A_126 = tpu.vector_load %arg16[%get3A_124, %get3A_125] {strides = array<i32>} : memref<64x256xf32, #tpu.memory_space<vmem>>, vector<16xf32>,
          %add3A_127 = arith.constant 64 : i32
          %add3A_128 = vector.broadcast %add3A_127 : i32 to vector<16xi32>
          %add3A_129 = arith.addi %iota3A, %add3A_128 : vector<16xi32>
          %mul3A_130 = arith.mulf %get3A_126, %gather3A : vector<16xf32>
          tpu.vector_store_idx %arg8[%gather3A_95, %add3A_129], %mul3A_130 {add = true} : memref<320x256xf32, #tpu.memory_space<vmem>>[vector<16xi32>, vector<16xi32>], vector<16xf32>,
          %get3A_131 = arith.index_cast %scan3A_93 : i32 to index
          %get3A_132 = arith.constant 80 : index
          %get3A_133 = tpu.vector_load %arg16[%get3A_131, %get3A_132] {strides = array<i32>} : memref<64x256xf32, #tpu.memory_space<vmem>>, vector<16xf32>,
          %add3A_134 = arith.constant 80 : i32
          %add3A_135 = vector.broadcast %add3A_134 : i32 to vector<16xi32>
          %add3A_136 = arith.addi %iota3A, %add3A_135 : vector<16xi32>
          %mul3A_137 = arith.mulf %get3A_133, %gather3A : vector<16xf32>
          tpu.vector_store_idx %arg8[%gather3A_95, %add3A_136], %mul3A_137 {add = true} : memref<320x256xf32, #tpu.memory_space<vmem>>[vector<16xi32>, vector<16xi32>], vector<16xf32>,
          %get3A_138 = arith.index_cast %scan3A_93 : i32 to index
          %get3A_139 = arith.constant 96 : index
          %get3A_140 = tpu.vector_load %arg16[%get3A_138, %get3A_139] {strides = array<i32>} : memref<64x256xf32, #tpu.memory_space<vmem>>, vector<16xf32>,
          %add3A_141 = arith.constant 96 : i32
          %add3A_142 = vector.broadcast %add3A_141 : i32 to vector<16xi32>
          %add3A_143 = arith.addi %iota3A, %add3A_142 : vector<16xi32>
          %mul3A_144 = arith.mulf %get3A_140, %gather3A : vector<16xf32>
          tpu.vector_store_idx %arg8[%gather3A_95, %add3A_143], %mul3A_144 {add = true} : memref<320x256xf32, #tpu.memory_space<vmem>>[vector<16xi32>, vector<16xi32>], vector<16xf32>,
          %get3A_145 = arith.index_cast %scan3A_93 : i32 to index
          %get3A_146 = arith.constant 112 : index
          %get3A_147 = tpu.vector_load %arg16[%get3A_145, %get3A_146] {strides = array<i32>} : memref<64x256xf32, #tpu.memory_space<vmem>>, vector<16xf32>,
          %add3A_148 = arith.constant 112 : i32
          %add3A_149 = vector.broadcast %add3A_148 : i32 to vector<16xi32>
          %add3A_150 = arith.addi %iota3A, %add3A_149 : vector<16xi32>
          %mul3A_151 = arith.mulf %get3A_147, %gather3A : vector<16xf32>
          tpu.vector_store_idx %arg8[%gather3A_95, %add3A_150], %mul3A_151 {add = true} : memref<320x256xf32, #tpu.memory_space<vmem>>[vector<16xi32>, vector<16xi32>], vector<16xf32>,
          %get3A_152 = arith.index_cast %scan3A_93 : i32 to index
          %get3A_153 = arith.constant 128 : index
          %get3A_154 = tpu.vector_load %arg16[%get3A_152, %get3A_153] {strides = array<i32>} : memref<64x256xf32, #tpu.memory_space<vmem>>, vector<16xf32>,
          %add3A_155 = arith.constant 128 : i32
          %add3A_156 = vector.broadcast %add3A_155 : i32 to vector<16xi32>
          %add3A_157 = arith.addi %iota3A, %add3A_156 : vector<16xi32>
          %mul3A_158 = arith.mulf %get3A_154, %gather3A : vector<16xf32>
          tpu.vector_store_idx %arg8[%gather3A_95, %add3A_157], %mul3A_158 {add = true} : memref<320x256xf32, #tpu.memory_space<vmem>>[vector<16xi32>, vector<16xi32>], vector<16xf32>,
          %get3A_159 = arith.index_cast %scan3A_93 : i32 to index
          %get3A_160 = arith.constant 144 : index
          %get3A_161 = tpu.vector_load %arg16[%get3A_159, %get3A_160] {strides = array<i32>} : memref<64x256xf32, #tpu.memory_space<vmem>>, vector<16xf32>,
          %add3A_162 = arith.constant 144 : i32
          %add3A_163 = vector.broadcast %add3A_162 : i32 to vector<16xi32>
          %add3A_164 = arith.addi %iota3A, %add3A_163 : vector<16xi32>
          %mul3A_165 = arith.mulf %get3A_161, %gather3A : vector<16xf32>
          tpu.vector_store_idx %arg8[%gather3A_95, %add3A_164], %mul3A_165 {add = true} : memref<320x256xf32, #tpu.memory_space<vmem>>[vector<16xi32>, vector<16xi32>], vector<16xf32>,
          %get3A_166 = arith.index_cast %scan3A_93 : i32 to index
          %get3A_167 = arith.constant 160 : index
          %get3A_168 = tpu.vector_load %arg16[%get3A_166, %get3A_167] {strides = array<i32>} : memref<64x256xf32, #tpu.memory_space<vmem>>, vector<16xf32>,
          %add3A_169 = arith.constant 160 : i32
          %add3A_170 = vector.broadcast %add3A_169 : i32 to vector<16xi32>
          %add3A_171 = arith.addi %iota3A, %add3A_170 : vector<16xi32>
          %mul3A_172 = arith.mulf %get3A_168, %gather3A : vector<16xf32>
          tpu.vector_store_idx %arg8[%gather3A_95, %add3A_171], %mul3A_172 {add = true} : memref<320x256xf32, #tpu.memory_space<vmem>>[vector<16xi32>, vector<16xi32>], vector<16xf32>,
          %get3A_173 = arith.index_cast %scan3A_93 : i32 to index
          %get3A_174 = arith.constant 176 : index
          %get3A_175 = tpu.vector_load %arg16[%get3A_173, %get3A_174] {strides = array<i32>} : memref<64x256xf32, #tpu.memory_space<vmem>>, vector<16xf32>,
          %add3A_176 = arith.constant 176 : i32
          %add3A_177 = vector.broadcast %add3A_176 : i32 to vector<16xi32>
          %add3A_178 = arith.addi %iota3A, %add3A_177 : vector<16xi32>
          %mul3A_179 = arith.mulf %get3A_175, %gather3A : vector<16xf32>
          tpu.vector_store_idx %arg8[%gather3A_95, %add3A_178], %mul3A_179 {add = true} : memref<320x256xf32, #tpu.memory_space<vmem>>[vector<16xi32>, vector<16xi32>], vector<16xf32>,
          %get3A_180 = arith.index_cast %scan3A_93 : i32 to index
          %get3A_181 = arith.constant 192 : index
          %get3A_182 = tpu.vector_load %arg16[%get3A_180, %get3A_181] {strides = array<i32>} : memref<64x256xf32, #tpu.memory_space<vmem>>, vector<16xf32>,
          %add3A_183 = arith.constant 192 : i32
          %add3A_184 = vector.broadcast %add3A_183 : i32 to vector<16xi32>
          %add3A_185 = arith.addi %iota3A, %add3A_184 : vector<16xi32>
          %mul3A_186 = arith.mulf %get3A_182, %gather3A : vector<16xf32>
          tpu.vector_store_idx %arg8[%gather3A_95, %add3A_185], %mul3A_186 {add = true} : memref<320x256xf32, #tpu.memory_space<vmem>>[vector<16xi32>, vector<16xi32>], vector<16xf32>,
          %get3A_187 = arith.index_cast %scan3A_93 : i32 to index
          %get3A_188 = arith.constant 208 : index
          %get3A_189 = tpu.vector_load %arg16[%get3A_187, %get3A_188] {strides = array<i32>} : memref<64x256xf32, #tpu.memory_space<vmem>>, vector<16xf32>,
          %add3A_190 = arith.constant 208 : i32
          %add3A_191 = vector.broadcast %add3A_190 : i32 to vector<16xi32>
          %add3A_192 = arith.addi %iota3A, %add3A_191 : vector<16xi32>
          %mul3A_193 = arith.mulf %get3A_189, %gather3A : vector<16xf32>
          tpu.vector_store_idx %arg8[%gather3A_95, %add3A_192], %mul3A_193 {add = true} : memref<320x256xf32, #tpu.memory_space<vmem>>[vector<16xi32>, vector<16xi32>], vector<16xf32>,
          %get3A_194 = arith.index_cast %scan3A_93 : i32 to index
          %get3A_195 = arith.constant 224 : index
          %get3A_196 = tpu.vector_load %arg16[%get3A_194, %get3A_195] {strides = array<i32>} : memref<64x256xf32, #tpu.memory_space<vmem>>, vector<16xf32>,
          %add3A_197 = arith.constant 224 : i32
          %add3A_198 = vector.broadcast %add3A_197 : i32 to vector<16xi32>
          %add3A_199 = arith.addi %iota3A, %add3A_198 : vector<16xi32>
          %mul3A_200 = arith.mulf %get3A_196, %gather3A : vector<16xf32>
          tpu.vector_store_idx %arg8[%gather3A_95, %add3A_199], %mul3A_200 {add = true} : memref<320x256xf32, #tpu.memory_space<vmem>>[vector<16xi32>, vector<16xi32>], vector<16xf32>,
          %get3A_201 = arith.index_cast %scan3A_93 : i32 to index
          %get3A_202 = arith.constant 240 : index
          %get3A_203 = tpu.vector_load %arg16[%get3A_201, %get3A_202] {strides = array<i32>} : memref<64x256xf32, #tpu.memory_space<vmem>>, vector<16xf32>,
          %add3A_204 = arith.constant 240 : i32
          %add3A_205 = vector.broadcast %add3A_204 : i32 to vector<16xi32>
          %add3A_206 = arith.addi %iota3A, %add3A_205 : vector<16xi32>
          %mul3A_207 = arith.mulf %get3A_203, %gather3A : vector<16xf32>
          tpu.vector_store_idx %arg8[%gather3A_95, %add3A_206], %mul3A_207 {add = true} : memref<320x256xf32, #tpu.memory_space<vmem>>[vector<16xi32>, vector<16xi32>], vector<16xf32>,
        }
        %scan3A_92 = arith.constant 64 : i32
      }
      %scan3A_38 = arith.constant 5 : i32
      %mul3A_39 = arith.constant 10240 : i32
      %mul3A_40 = arith.muli %scan3A_8, %mul3A_39 : i32
      %add3A_41 = arith.addi %mul3A_40, %mul3A_2 : i32
      "tpu.region"() ({
        %run_scoped3A = tpu.sem_alloc : memref<!tpu.dma_semaphore, #tpu.memory_space<semaphore_mem>>
        %dma_start3A = arith.constant 0 : i32
        %dma_start3A_42 = tpu.memref_slice %arg7[%add3A_41, %dma_start3A] : memref<122880x256xf32, #tpu.memory_space<hbm>> -> memref<320x256xf32, #tpu.memory_space<hbm>>
        %dma_start3A_43 = arith.constant 0 : i32
        %dma_start3A_44 = tpu.memref_slice %arg7[%add3A_41, %dma_start3A_43] : memref<122880x256xf32, #tpu.memory_space<hbm>> -> memref<320x256xf32, #tpu.memory_space<hbm>>
        tpu.enqueue_dma source(%arg8 : memref<320x256xf32, #tpu.memory_space<vmem>>) target(%dma_start3A_44 : memref<320x256xf32, #tpu.memory_space<hbm>>) target_semaphore(%run_scoped3A : memref<!tpu.dma_semaphore, #tpu.memory_space<semaphore_mem>>)
        %dma_wait3A = arith.constant 0 : i32
        %dma_wait3A_45 = tpu.memref_slice %arg7[%add3A_41, %dma_wait3A] : memref<122880x256xf32, #tpu.memory_space<hbm>> -> memref<320x256xf32, #tpu.memory_space<hbm>>
        %dma_wait3A_46 = arith.constant 0 : i32
        %dma_wait3A_47 = tpu.memref_slice %arg7[%add3A_41, %dma_wait3A_46] : memref<122880x256xf32, #tpu.memory_space<hbm>> -> memref<320x256xf32, #tpu.memory_space<hbm>>
        tpu.wait_dma2 semaphore(%run_scoped3A : memref<!tpu.dma_semaphore, #tpu.memory_space<semaphore_mem>>) src(%arg8 : memref<320x256xf32, #tpu.memory_space<vmem>>) dst(%dma_wait3A_47 : memref<320x256xf32, #tpu.memory_space<hbm>>)
        tpu.yield
      }) : () -> ()
    }
    %scan3A_7 = arith.constant 12 : i32
    return
  }
}

#map = affine_map<(d0, d1) -> (0)>
module attributes {stable_mosaic.version = 14 : i64} {
  func.func @_deg_kernel(%arg0: i32, %arg1: i32, %arg2: memref<80000xi32, #tpu.memory_space<hbm>>, %arg3: memref<80000xf32, #tpu.memory_space<hbm>>, %arg4: memref<10240xf32, #tpu.memory_space<hbm>>, %arg5: memref<2000xi32, #tpu.memory_space<vmem>>, %arg6: memref<2000xf32, #tpu.memory_space<vmem>>, %arg7: memref<5120xf32, #tpu.memory_space<vmem>>, %arg8: memref<320xf32, #tpu.memory_space<vmem>>) attributes {dimension_semantics = [#tpu.dimension_semantics<core_parallel>, #tpu.dimension_semantics<subcore_parallel>], iteration_bounds = array<i64: 2, 16>, scalar_prefetch = 0 : i64, scratch_operands = 4 : i64, tpu.core_type = #tpu.core_type<sc_vector_subcore>, window_params = [{transform_indices = #map}, {transform_indices = #map}, {transform_indices = #map}]} {
    %mul3A = arith.constant 2 : i32
    %mul3A_0 = arith.muli %arg1, %mul3A : i32
    %add3A = arith.addi %mul3A_0, %arg0 : i32
    %mul3A_1 = arith.constant 320 : i32
    %mul3A_2 = arith.muli %add3A, %mul3A_1 : i32
    %iota3A = tpu.iota {dimensions = array<i32: 0>} : vector<16xi32>
    %scan3A = arith.constant 0 : i32
    %scan3A_3 = arith.constant 0 : i32
    %scan3A_4 = arith.constant 320 : i32
    %scan3A_5 = arith.addi %scan3A_3, %scan3A_4 : i32
    %scan3A_6 = arith.constant 1 : i32
    scf.for %scan3A_20 = %scan3A_3 to %scan3A_5 step %scan3A_6  : i32 {
      %broadcast_in_dim3A = arith.constant 0.000000e+00 : f32
      %broadcast_in_dim3A_21 = vector.broadcast %broadcast_in_dim3A : f32 to vector<16xf32>
      %mul3A_22 = arith.constant 16 : i32
      %mul3A_23 = arith.muli %scan3A_20, %mul3A_22 : i32
      %swap3A = arith.index_cast %mul3A_23 : i32 to index
      %swap3A_24 = tpu.vector_load %arg7[%swap3A] {strides = array<i32>} : memref<5120xf32, #tpu.memory_space<vmem>>, vector<16xf32>,
      tpu.vector_store %arg7[%swap3A], %broadcast_in_dim3A_21 {strides = array<i32>} : memref<5120xf32, #tpu.memory_space<vmem>>, vector<16xf32>,
    }
    %scan3A_7 = arith.constant 320 : i32
    %scan3A_8 = arith.constant 0 : i32
    %scan3A_9 = arith.constant 0 : i32
    %scan3A_10 = arith.constant 40 : i32
    %scan3A_11 = arith.addi %scan3A_9, %scan3A_10 : i32
    %scan3A_12 = arith.constant 1 : i32
    scf.for %scan3A_20 = %scan3A_9 to %scan3A_11 step %scan3A_12  : i32 {
      %mul3A_21 = arith.constant 2000 : i32
      %mul3A_22 = arith.muli %scan3A_20, %mul3A_21 : i32
      "tpu.region"() ({
        %run_scoped3A = tpu.sem_alloc : memref<!tpu.dma_semaphore, #tpu.memory_space<semaphore_mem>>
        %dma_start3A = tpu.memref_slice %arg2[%mul3A_22] : memref<80000xi32, #tpu.memory_space<hbm>> -> memref<2000xi32, #tpu.memory_space<hbm>>
        %dma_start3A_28 = tpu.memref_slice %arg2[%mul3A_22] : memref<80000xi32, #tpu.memory_space<hbm>> -> memref<2000xi32, #tpu.memory_space<hbm>>
        tpu.enqueue_dma source(%dma_start3A_28 : memref<2000xi32, #tpu.memory_space<hbm>>) target(%arg5 : memref<2000xi32, #tpu.memory_space<vmem>>) target_semaphore(%run_scoped3A : memref<!tpu.dma_semaphore, #tpu.memory_space<semaphore_mem>>)
        %dma_wait3A = tpu.memref_slice %arg2[%mul3A_22] : memref<80000xi32, #tpu.memory_space<hbm>> -> memref<2000xi32, #tpu.memory_space<hbm>>
        %dma_wait3A_29 = tpu.memref_slice %arg2[%mul3A_22] : memref<80000xi32, #tpu.memory_space<hbm>> -> memref<2000xi32, #tpu.memory_space<hbm>>
        tpu.wait_dma2 semaphore(%run_scoped3A : memref<!tpu.dma_semaphore, #tpu.memory_space<semaphore_mem>>) src(%dma_wait3A_29 : memref<2000xi32, #tpu.memory_space<hbm>>) dst(%arg5 : memref<2000xi32, #tpu.memory_space<vmem>>)
        tpu.yield
      }) : () -> ()
      "tpu.region"() ({
        %run_scoped3A = tpu.sem_alloc : memref<!tpu.dma_semaphore, #tpu.memory_space<semaphore_mem>>
        %dma_start3A = tpu.memref_slice %arg3[%mul3A_22] : memref<80000xf32, #tpu.memory_space<hbm>> -> memref<2000xf32, #tpu.memory_space<hbm>>
        %dma_start3A_28 = tpu.memref_slice %arg3[%mul3A_22] : memref<80000xf32, #tpu.memory_space<hbm>> -> memref<2000xf32, #tpu.memory_space<hbm>>
        tpu.enqueue_dma source(%dma_start3A_28 : memref<2000xf32, #tpu.memory_space<hbm>>) target(%arg6 : memref<2000xf32, #tpu.memory_space<vmem>>) target_semaphore(%run_scoped3A : memref<!tpu.dma_semaphore, #tpu.memory_space<semaphore_mem>>)
        %dma_wait3A = tpu.memref_slice %arg3[%mul3A_22] : memref<80000xf32, #tpu.memory_space<hbm>> -> memref<2000xf32, #tpu.memory_space<hbm>>
        %dma_wait3A_29 = tpu.memref_slice %arg3[%mul3A_22] : memref<80000xf32, #tpu.memory_space<hbm>> -> memref<2000xf32, #tpu.memory_space<hbm>>
        tpu.wait_dma2 semaphore(%run_scoped3A : memref<!tpu.dma_semaphore, #tpu.memory_space<semaphore_mem>>) src(%dma_wait3A_29 : memref<2000xf32, #tpu.memory_space<hbm>>) dst(%arg6 : memref<2000xf32, #tpu.memory_space<vmem>>)
        tpu.yield
      }) : () -> ()
      %scan3A_23 = arith.constant 0 : i32
      %scan3A_24 = arith.constant 125 : i32
      %scan3A_25 = arith.addi %scan3A_23, %scan3A_24 : i32
      %scan3A_26 = arith.constant 1 : i32
      scf.for %scan3A_28 = %scan3A_23 to %scan3A_25 step %scan3A_26  : i32 {
        %mul3A_29 = arith.constant 16 : i32
        %mul3A_30 = arith.muli %scan3A_28, %mul3A_29 : i32
        %get3A = arith.index_cast %mul3A_30 : i32 to index
        %get3A_31 = tpu.vector_load %arg5[%get3A] {strides = array<i32>} : memref<2000xi32, #tpu.memory_space<vmem>>, vector<16xi32>,
        %mul3A_32 = arith.constant 16 : i32
        %mul3A_33 = arith.muli %scan3A_28, %mul3A_32 : i32
        %get3A_34 = arith.index_cast %mul3A_33 : i32 to index
        %get3A_35 = tpu.vector_load %arg6[%get3A_34] {strides = array<i32>} : memref<2000xf32, #tpu.memory_space<vmem>>, vector<16xf32>,
        %ge3A = vector.broadcast %mul3A_2 : i32 to vector<16xi32>
        %ge3A_36 = arith.cmpi sge, %get3A_31, %ge3A : vector<16xi32>
        %add3A_37 = arith.constant 320 : i32
        %add3A_38 = arith.addi %mul3A_2, %add3A_37 : i32
        %lt3A = vector.broadcast %add3A_38 : i32 to vector<16xi32>
        %lt3A_39 = arith.cmpi slt, %get3A_31, %lt3A : vector<16xi32>
        %and3A = arith.andi %ge3A_36, %lt3A_39 : vector<16xi1>
        %sub3A = vector.broadcast %mul3A_2 : i32 to vector<16xi32>
        %sub3A_40 = arith.subi %get3A_31, %sub3A : vector<16xi32>
        %jit3A = arith.constant 0 : i32
        %broadcast_in_dim3A = vector.broadcast %jit3A : i32 to vector<16xi32>
        %select_n3A = arith.select %and3A, %sub3A_40, %broadcast_in_dim3A : vector<16xi1>, vector<16xi32>
        %mul3A_41 = arith.constant 16 : i32
        %mul3A_42 = vector.broadcast %mul3A_41 : i32 to vector<16xi32>
        %mul3A_43 = arith.muli %select_n3A, %mul3A_42 : vector<16xi32>
        %add3A_44 = arith.addi %mul3A_43, %iota3A : vector<16xi32>
        tpu.vector_store_idx %arg7[%add3A_44], %get3A_35 masked %and3A {add = true} : memref<5120xf32, #tpu.memory_space<vmem>>[vector<16xi32>], vector<16xf32>, vector<16xi1>
      }
      %scan3A_27 = arith.constant 125 : i32
    }
    %scan3A_13 = arith.constant 40 : i32
    %scan3A_14 = arith.constant 0 : i32
    %scan3A_15 = arith.constant 0 : i32
    %scan3A_16 = arith.constant 20 : i32
    %scan3A_17 = arith.addi %scan3A_15, %scan3A_16 : i32
    %scan3A_18 = arith.constant 1 : i32
    scf.for %scan3A_20 = %scan3A_15 to %scan3A_17 step %scan3A_18  : i32 {
      %broadcast_in_dim3A = arith.constant 0.000000e+00 : f32
      %broadcast_in_dim3A_21 = vector.broadcast %broadcast_in_dim3A : f32 to vector<16xf32>
      %mul3A_22 = arith.constant 16 : i32
      %mul3A_23 = arith.muli %scan3A_20, %mul3A_22 : i32
      %add3A_24 = vector.broadcast %mul3A_23 : i32 to vector<16xi32>
      %add3A_25 = arith.addi %add3A_24, %iota3A : vector<16xi32>
      %mul3A_26 = arith.constant 16 : i32
      %mul3A_27 = vector.broadcast %mul3A_26 : i32 to vector<16xi32>
      %mul3A_28 = arith.muli %add3A_25, %mul3A_27 : vector<16xi32>
      %add3A_29 = arith.constant 0 : i32
      %add3A_30 = vector.broadcast %add3A_29 : i32 to vector<16xi32>
      %add3A_31 = arith.addi %mul3A_28, %add3A_30 : vector<16xi32>
      %gather3A = tpu.vector_load_idx %arg7[%add3A_31] : memref<5120xf32, #tpu.memory_space<vmem>>[vector<16xi32>], vector<16xf32>,
      %add3A_32 = arith.addf %broadcast_in_dim3A_21, %gather3A : vector<16xf32>
      %mul3A_33 = arith.constant 16 : i32
      %mul3A_34 = arith.muli %scan3A_20, %mul3A_33 : i32
      %add3A_35 = vector.broadcast %mul3A_34 : i32 to vector<16xi32>
      %add3A_36 = arith.addi %add3A_35, %iota3A : vector<16xi32>
      %mul3A_37 = arith.constant 16 : i32
      %mul3A_38 = vector.broadcast %mul3A_37 : i32 to vector<16xi32>
      %mul3A_39 = arith.muli %add3A_36, %mul3A_38 : vector<16xi32>
      %add3A_40 = arith.constant 1 : i32
      %add3A_41 = vector.broadcast %add3A_40 : i32 to vector<16xi32>
      %add3A_42 = arith.addi %mul3A_39, %add3A_41 : vector<16xi32>
      %gather3A_43 = tpu.vector_load_idx %arg7[%add3A_42] : memref<5120xf32, #tpu.memory_space<vmem>>[vector<16xi32>], vector<16xf32>,
      %add3A_44 = arith.addf %add3A_32, %gather3A_43 : vector<16xf32>
      %mul3A_45 = arith.constant 16 : i32
      %mul3A_46 = arith.muli %scan3A_20, %mul3A_45 : i32
      %add3A_47 = vector.broadcast %mul3A_46 : i32 to vector<16xi32>
      %add3A_48 = arith.addi %add3A_47, %iota3A : vector<16xi32>
      %mul3A_49 = arith.constant 16 : i32
      %mul3A_50 = vector.broadcast %mul3A_49 : i32 to vector<16xi32>
      %mul3A_51 = arith.muli %add3A_48, %mul3A_50 : vector<16xi32>
      %add3A_52 = arith.constant 2 : i32
      %add3A_53 = vector.broadcast %add3A_52 : i32 to vector<16xi32>
      %add3A_54 = arith.addi %mul3A_51, %add3A_53 : vector<16xi32>
      %gather3A_55 = tpu.vector_load_idx %arg7[%add3A_54] : memref<5120xf32, #tpu.memory_space<vmem>>[vector<16xi32>], vector<16xf32>,
      %add3A_56 = arith.addf %add3A_44, %gather3A_55 : vector<16xf32>
      %mul3A_57 = arith.constant 16 : i32
      %mul3A_58 = arith.muli %scan3A_20, %mul3A_57 : i32
      %add3A_59 = vector.broadcast %mul3A_58 : i32 to vector<16xi32>
      %add3A_60 = arith.addi %add3A_59, %iota3A : vector<16xi32>
      %mul3A_61 = arith.constant 16 : i32
      %mul3A_62 = vector.broadcast %mul3A_61 : i32 to vector<16xi32>
      %mul3A_63 = arith.muli %add3A_60, %mul3A_62 : vector<16xi32>
      %add3A_64 = arith.constant 3 : i32
      %add3A_65 = vector.broadcast %add3A_64 : i32 to vector<16xi32>
      %add3A_66 = arith.addi %mul3A_63, %add3A_65 : vector<16xi32>
      %gather3A_67 = tpu.vector_load_idx %arg7[%add3A_66] : memref<5120xf32, #tpu.memory_space<vmem>>[vector<16xi32>], vector<16xf32>,
      %add3A_68 = arith.addf %add3A_56, %gather3A_67 : vector<16xf32>
      %mul3A_69 = arith.constant 16 : i32
      %mul3A_70 = arith.muli %scan3A_20, %mul3A_69 : i32
      %add3A_71 = vector.broadcast %mul3A_70 : i32 to vector<16xi32>
      %add3A_72 = arith.addi %add3A_71, %iota3A : vector<16xi32>
      %mul3A_73 = arith.constant 16 : i32
      %mul3A_74 = vector.broadcast %mul3A_73 : i32 to vector<16xi32>
      %mul3A_75 = arith.muli %add3A_72, %mul3A_74 : vector<16xi32>
      %add3A_76 = arith.constant 4 : i32
      %add3A_77 = vector.broadcast %add3A_76 : i32 to vector<16xi32>
      %add3A_78 = arith.addi %mul3A_75, %add3A_77 : vector<16xi32>
      %gather3A_79 = tpu.vector_load_idx %arg7[%add3A_78] : memref<5120xf32, #tpu.memory_space<vmem>>[vector<16xi32>], vector<16xf32>,
      %add3A_80 = arith.addf %add3A_68, %gather3A_79 : vector<16xf32>
      %mul3A_81 = arith.constant 16 : i32
      %mul3A_82 = arith.muli %scan3A_20, %mul3A_81 : i32
      %add3A_83 = vector.broadcast %mul3A_82 : i32 to vector<16xi32>
      %add3A_84 = arith.addi %add3A_83, %iota3A : vector<16xi32>
      %mul3A_85 = arith.constant 16 : i32
      %mul3A_86 = vector.broadcast %mul3A_85 : i32 to vector<16xi32>
      %mul3A_87 = arith.muli %add3A_84, %mul3A_86 : vector<16xi32>
      %add3A_88 = arith.constant 5 : i32
      %add3A_89 = vector.broadcast %add3A_88 : i32 to vector<16xi32>
      %add3A_90 = arith.addi %mul3A_87, %add3A_89 : vector<16xi32>
      %gather3A_91 = tpu.vector_load_idx %arg7[%add3A_90] : memref<5120xf32, #tpu.memory_space<vmem>>[vector<16xi32>], vector<16xf32>,
      %add3A_92 = arith.addf %add3A_80, %gather3A_91 : vector<16xf32>
      %mul3A_93 = arith.constant 16 : i32
      %mul3A_94 = arith.muli %scan3A_20, %mul3A_93 : i32
      %add3A_95 = vector.broadcast %mul3A_94 : i32 to vector<16xi32>
      %add3A_96 = arith.addi %add3A_95, %iota3A : vector<16xi32>
      %mul3A_97 = arith.constant 16 : i32
      %mul3A_98 = vector.broadcast %mul3A_97 : i32 to vector<16xi32>
      %mul3A_99 = arith.muli %add3A_96, %mul3A_98 : vector<16xi32>
      %add3A_100 = arith.constant 6 : i32
      %add3A_101 = vector.broadcast %add3A_100 : i32 to vector<16xi32>
      %add3A_102 = arith.addi %mul3A_99, %add3A_101 : vector<16xi32>
      %gather3A_103 = tpu.vector_load_idx %arg7[%add3A_102] : memref<5120xf32, #tpu.memory_space<vmem>>[vector<16xi32>], vector<16xf32>,
      %add3A_104 = arith.addf %add3A_92, %gather3A_103 : vector<16xf32>
      %mul3A_105 = arith.constant 16 : i32
      %mul3A_106 = arith.muli %scan3A_20, %mul3A_105 : i32
      %add3A_107 = vector.broadcast %mul3A_106 : i32 to vector<16xi32>
      %add3A_108 = arith.addi %add3A_107, %iota3A : vector<16xi32>
      %mul3A_109 = arith.constant 16 : i32
      %mul3A_110 = vector.broadcast %mul3A_109 : i32 to vector<16xi32>
      %mul3A_111 = arith.muli %add3A_108, %mul3A_110 : vector<16xi32>
      %add3A_112 = arith.constant 7 : i32
      %add3A_113 = vector.broadcast %add3A_112 : i32 to vector<16xi32>
      %add3A_114 = arith.addi %mul3A_111, %add3A_113 : vector<16xi32>
      %gather3A_115 = tpu.vector_load_idx %arg7[%add3A_114] : memref<5120xf32, #tpu.memory_space<vmem>>[vector<16xi32>], vector<16xf32>,
      %add3A_116 = arith.addf %add3A_104, %gather3A_115 : vector<16xf32>
      %mul3A_117 = arith.constant 16 : i32
      %mul3A_118 = arith.muli %scan3A_20, %mul3A_117 : i32
      %add3A_119 = vector.broadcast %mul3A_118 : i32 to vector<16xi32>
      %add3A_120 = arith.addi %add3A_119, %iota3A : vector<16xi32>
      %mul3A_121 = arith.constant 16 : i32
      %mul3A_122 = vector.broadcast %mul3A_121 : i32 to vector<16xi32>
      %mul3A_123 = arith.muli %add3A_120, %mul3A_122 : vector<16xi32>
      %add3A_124 = arith.constant 8 : i32
      %add3A_125 = vector.broadcast %add3A_124 : i32 to vector<16xi32>
      %add3A_126 = arith.addi %mul3A_123, %add3A_125 : vector<16xi32>
      %gather3A_127 = tpu.vector_load_idx %arg7[%add3A_126] : memref<5120xf32, #tpu.memory_space<vmem>>[vector<16xi32>], vector<16xf32>,
      %add3A_128 = arith.addf %add3A_116, %gather3A_127 : vector<16xf32>
      %mul3A_129 = arith.constant 16 : i32
      %mul3A_130 = arith.muli %scan3A_20, %mul3A_129 : i32
      %add3A_131 = vector.broadcast %mul3A_130 : i32 to vector<16xi32>
      %add3A_132 = arith.addi %add3A_131, %iota3A : vector<16xi32>
      %mul3A_133 = arith.constant 16 : i32
      %mul3A_134 = vector.broadcast %mul3A_133 : i32 to vector<16xi32>
      %mul3A_135 = arith.muli %add3A_132, %mul3A_134 : vector<16xi32>
      %add3A_136 = arith.constant 9 : i32
      %add3A_137 = vector.broadcast %add3A_136 : i32 to vector<16xi32>
      %add3A_138 = arith.addi %mul3A_135, %add3A_137 : vector<16xi32>
      %gather3A_139 = tpu.vector_load_idx %arg7[%add3A_138] : memref<5120xf32, #tpu.memory_space<vmem>>[vector<16xi32>], vector<16xf32>,
      %add3A_140 = arith.addf %add3A_128, %gather3A_139 : vector<16xf32>
      %mul3A_141 = arith.constant 16 : i32
      %mul3A_142 = arith.muli %scan3A_20, %mul3A_141 : i32
      %add3A_143 = vector.broadcast %mul3A_142 : i32 to vector<16xi32>
      %add3A_144 = arith.addi %add3A_143, %iota3A : vector<16xi32>
      %mul3A_145 = arith.constant 16 : i32
      %mul3A_146 = vector.broadcast %mul3A_145 : i32 to vector<16xi32>
      %mul3A_147 = arith.muli %add3A_144, %mul3A_146 : vector<16xi32>
      %add3A_148 = arith.constant 10 : i32
      %add3A_149 = vector.broadcast %add3A_148 : i32 to vector<16xi32>
      %add3A_150 = arith.addi %mul3A_147, %add3A_149 : vector<16xi32>
      %gather3A_151 = tpu.vector_load_idx %arg7[%add3A_150] : memref<5120xf32, #tpu.memory_space<vmem>>[vector<16xi32>], vector<16xf32>,
      %add3A_152 = arith.addf %add3A_140, %gather3A_151 : vector<16xf32>
      %mul3A_153 = arith.constant 16 : i32
      %mul3A_154 = arith.muli %scan3A_20, %mul3A_153 : i32
      %add3A_155 = vector.broadcast %mul3A_154 : i32 to vector<16xi32>
      %add3A_156 = arith.addi %add3A_155, %iota3A : vector<16xi32>
      %mul3A_157 = arith.constant 16 : i32
      %mul3A_158 = vector.broadcast %mul3A_157 : i32 to vector<16xi32>
      %mul3A_159 = arith.muli %add3A_156, %mul3A_158 : vector<16xi32>
      %add3A_160 = arith.constant 11 : i32
      %add3A_161 = vector.broadcast %add3A_160 : i32 to vector<16xi32>
      %add3A_162 = arith.addi %mul3A_159, %add3A_161 : vector<16xi32>
      %gather3A_163 = tpu.vector_load_idx %arg7[%add3A_162] : memref<5120xf32, #tpu.memory_space<vmem>>[vector<16xi32>], vector<16xf32>,
      %add3A_164 = arith.addf %add3A_152, %gather3A_163 : vector<16xf32>
      %mul3A_165 = arith.constant 16 : i32
      %mul3A_166 = arith.muli %scan3A_20, %mul3A_165 : i32
      %add3A_167 = vector.broadcast %mul3A_166 : i32 to vector<16xi32>
      %add3A_168 = arith.addi %add3A_167, %iota3A : vector<16xi32>
      %mul3A_169 = arith.constant 16 : i32
      %mul3A_170 = vector.broadcast %mul3A_169 : i32 to vector<16xi32>
      %mul3A_171 = arith.muli %add3A_168, %mul3A_170 : vector<16xi32>
      %add3A_172 = arith.constant 12 : i32
      %add3A_173 = vector.broadcast %add3A_172 : i32 to vector<16xi32>
      %add3A_174 = arith.addi %mul3A_171, %add3A_173 : vector<16xi32>
      %gather3A_175 = tpu.vector_load_idx %arg7[%add3A_174] : memref<5120xf32, #tpu.memory_space<vmem>>[vector<16xi32>], vector<16xf32>,
      %add3A_176 = arith.addf %add3A_164, %gather3A_175 : vector<16xf32>
      %mul3A_177 = arith.constant 16 : i32
      %mul3A_178 = arith.muli %scan3A_20, %mul3A_177 : i32
      %add3A_179 = vector.broadcast %mul3A_178 : i32 to vector<16xi32>
      %add3A_180 = arith.addi %add3A_179, %iota3A : vector<16xi32>
      %mul3A_181 = arith.constant 16 : i32
      %mul3A_182 = vector.broadcast %mul3A_181 : i32 to vector<16xi32>
      %mul3A_183 = arith.muli %add3A_180, %mul3A_182 : vector<16xi32>
      %add3A_184 = arith.constant 13 : i32
      %add3A_185 = vector.broadcast %add3A_184 : i32 to vector<16xi32>
      %add3A_186 = arith.addi %mul3A_183, %add3A_185 : vector<16xi32>
      %gather3A_187 = tpu.vector_load_idx %arg7[%add3A_186] : memref<5120xf32, #tpu.memory_space<vmem>>[vector<16xi32>], vector<16xf32>,
      %add3A_188 = arith.addf %add3A_176, %gather3A_187 : vector<16xf32>
      %mul3A_189 = arith.constant 16 : i32
      %mul3A_190 = arith.muli %scan3A_20, %mul3A_189 : i32
      %add3A_191 = vector.broadcast %mul3A_190 : i32 to vector<16xi32>
      %add3A_192 = arith.addi %add3A_191, %iota3A : vector<16xi32>
      %mul3A_193 = arith.constant 16 : i32
      %mul3A_194 = vector.broadcast %mul3A_193 : i32 to vector<16xi32>
      %mul3A_195 = arith.muli %add3A_192, %mul3A_194 : vector<16xi32>
      %add3A_196 = arith.constant 14 : i32
      %add3A_197 = vector.broadcast %add3A_196 : i32 to vector<16xi32>
      %add3A_198 = arith.addi %mul3A_195, %add3A_197 : vector<16xi32>
      %gather3A_199 = tpu.vector_load_idx %arg7[%add3A_198] : memref<5120xf32, #tpu.memory_space<vmem>>[vector<16xi32>], vector<16xf32>,
      %add3A_200 = arith.addf %add3A_188, %gather3A_199 : vector<16xf32>
      %mul3A_201 = arith.constant 16 : i32
      %mul3A_202 = arith.muli %scan3A_20, %mul3A_201 : i32
      %add3A_203 = vector.broadcast %mul3A_202 : i32 to vector<16xi32>
      %add3A_204 = arith.addi %add3A_203, %iota3A : vector<16xi32>
      %mul3A_205 = arith.constant 16 : i32
      %mul3A_206 = vector.broadcast %mul3A_205 : i32 to vector<16xi32>
      %mul3A_207 = arith.muli %add3A_204, %mul3A_206 : vector<16xi32>
      %add3A_208 = arith.constant 15 : i32
      %add3A_209 = vector.broadcast %add3A_208 : i32 to vector<16xi32>
      %add3A_210 = arith.addi %mul3A_207, %add3A_209 : vector<16xi32>
      %gather3A_211 = tpu.vector_load_idx %arg7[%add3A_210] : memref<5120xf32, #tpu.memory_space<vmem>>[vector<16xi32>], vector<16xf32>,
      %add3A_212 = arith.addf %add3A_200, %gather3A_211 : vector<16xf32>
      %add3A_213 = arith.constant 1.000000e+00 : f32
      %add3A_214 = vector.broadcast %add3A_213 : f32 to vector<16xf32>
      %add3A_215 = arith.addf %add3A_214, %add3A_212 : vector<16xf32>
      %mul3A_216 = arith.constant 16 : i32
      %mul3A_217 = arith.muli %scan3A_20, %mul3A_216 : i32
      %swap3A = arith.index_cast %mul3A_217 : i32 to index
      %swap3A_218 = tpu.vector_load %arg8[%swap3A] {strides = array<i32>} : memref<320xf32, #tpu.memory_space<vmem>>, vector<16xf32>,
      tpu.vector_store %arg8[%swap3A], %add3A_215 {strides = array<i32>} : memref<320xf32, #tpu.memory_space<vmem>>, vector<16xf32>,
    }
    %scan3A_19 = arith.constant 20 : i32
    "tpu.region"() ({
      %run_scoped3A = tpu.sem_alloc : memref<!tpu.dma_semaphore, #tpu.memory_space<semaphore_mem>>
      %dma_start3A = tpu.memref_slice %arg4[%mul3A_2] : memref<10240xf32, #tpu.memory_space<hbm>> -> memref<320xf32, #tpu.memory_space<hbm>>
      %dma_start3A_20 = tpu.memref_slice %arg4[%mul3A_2] : memref<10240xf32, #tpu.memory_space<hbm>> -> memref<320xf32, #tpu.memory_space<hbm>>
      tpu.enqueue_dma source(%arg8 : memref<320xf32, #tpu.memory_space<vmem>>) target(%dma_start3A_20 : memref<320xf32, #tpu.memory_space<hbm>>) target_semaphore(%run_scoped3A : memref<!tpu.dma_semaphore, #tpu.memory_space<semaphore_mem>>)
      %dma_wait3A = tpu.memref_slice %arg4[%mul3A_2] : memref<10240xf32, #tpu.memory_space<hbm>> -> memref<320xf32, #tpu.memory_space<hbm>>
      %dma_wait3A_21 = tpu.memref_slice %arg4[%mul3A_2] : memref<10240xf32, #tpu.memory_space<hbm>> -> memref<320xf32, #tpu.memory_space<hbm>>
      tpu.wait_dma2 semaphore(%run_scoped3A : memref<!tpu.dma_semaphore, #tpu.memory_space<semaphore_mem>>) src(%arg8 : memref<320xf32, #tpu.memory_space<vmem>>) dst(%dma_wait3A_21 : memref<320xf32, #tpu.memory_space<hbm>>)
      tpu.yield
    }) : () -> ()
    return
  }
}

module attributes {stable_mosaic.version = 14 : i64} {
  func.func @_tc1_body(%arg0: i32, %arg1: memref<4x64x40x12xf32, #tpu.memory_space<vmem>>, %arg2: memref<64x64xf32, #tpu.memory_space<vmem>>, %arg3: memref<10240xf32, #tpu.memory_space<vmem>>, %arg4: memref<12x40x256xf32, #tpu.memory_space<vmem>>, %arg5: memref<10240xf32, #tpu.memory_space<vmem>>) attributes {dimension_semantics = [#tpu.dimension_semantics<arbitrary>], iteration_bounds = array<i64: 250>, scalar_prefetch = 0 : i64, scratch_operands = 0 : i64, tpu.core_type = #tpu.core_type<tc>, window_params = [{transform_indices = @transform_0, window_bounds = array<i64: 4, 64, 40, 12>}, {pipeline_mode = #tpu.pipeline_mode<synchronous>, transform_indices = @transform_1, window_bounds = array<i64: 64, 64>}, {pipeline_mode = #tpu.pipeline_mode<synchronous>, transform_indices = @transform_2, window_bounds = array<i64: 10240>}, {transform_indices = @transform_3, window_bounds = array<i64: 12, 40, 256>}, {pipeline_mode = #tpu.pipeline_mode<synchronous>, transform_indices = @transform_4, window_bounds = array<i64: 10240>}]} {
    %get3A = arith.constant 0 : index
    %get3A_0 = arith.constant 0 : index
    %get3A_1 = vector.load %arg2[%get3A, %get3A_0] : memref<64x64xf32, #tpu.memory_space<vmem>>, vector<64x64xf32>
    %get3A_2 = arith.constant 0 : index
    %get3A_3 = arith.constant 0 : index
    %get3A_4 = arith.constant 0 : index
    %get3A_5 = arith.constant 0 : index
    %get3A_6 = vector.load %arg1[%get3A_2, %get3A_3, %get3A_4, %get3A_5] : memref<4x64x40x12xf32, #tpu.memory_space<vmem>>, vector<1x64x40x12xf32>
    %get3A_7 = vector.shape_cast %get3A_6 : vector<1x64x40x12xf32> to vector<64x40x12xf32>
    %transpose3A = tpu.transpose %get3A_7, [2, 1, 0] : vector<64x40x12xf32> -> vector<12x40x64xf32>
    %reshape3A = vector.shape_cast %transpose3A : vector<12x40x64xf32> to vector<480x64xf32>
    %dot_general3A = arith.constant dense<0.000000e+00> : vector<480x64xf32>
    %dot_general3A_8 = tpu.matmul %reshape3A, %get3A_1, %dot_general3A {dimension_numbers = #tpu.dot_dimension_numbers<[1], [0], [0], [1], [0, 0, 1, 1], [], []>, transpose_lhs_hint = false} : vector<480x64xf32>, vector<64x64xf32>, vector<480x64xf32> -> vector<480x64xf32>
    %reshape3A_9 = vector.shape_cast %dot_general3A_8 : vector<480x64xf32> to vector<12x40x64xf32>
    %swap3A = arith.constant 0 : index
    %swap3A_10 = arith.constant 0 : index
    %swap3A_11 = arith.constant 0 : index
    %swap3A_12 = vector.load %arg4[%swap3A, %swap3A_10, %swap3A_11] : memref<12x40x256xf32, #tpu.memory_space<vmem>>, vector<12x40x64xf32>
    tpu.vector_store %arg4[%swap3A, %swap3A_10, %swap3A_11], %reshape3A_9 {strides = array<i32>} : memref<12x40x256xf32, #tpu.memory_space<vmem>>, vector<12x40x64xf32>,
    %get3A_13 = arith.constant 1 : index
    %get3A_14 = arith.constant 0 : index
    %get3A_15 = arith.constant 0 : index
    %get3A_16 = arith.constant 0 : index
    %get3A_17 = vector.load %arg1[%get3A_13, %get3A_14, %get3A_15, %get3A_16] : memref<4x64x40x12xf32, #tpu.memory_space<vmem>>, vector<1x64x40x12xf32>
    %get3A_18 = vector.shape_cast %get3A_17 : vector<1x64x40x12xf32> to vector<64x40x12xf32>
    %transpose3A_19 = tpu.transpose %get3A_18, [2, 1, 0] : vector<64x40x12xf32> -> vector<12x40x64xf32>
    %reshape3A_20 = vector.shape_cast %transpose3A_19 : vector<12x40x64xf32> to vector<480x64xf32>
    %dot_general3A_21 = arith.constant dense<0.000000e+00> : vector<480x64xf32>
    %dot_general3A_22 = tpu.matmul %reshape3A_20, %get3A_1, %dot_general3A_21 {dimension_numbers = #tpu.dot_dimension_numbers<[1], [0], [0], [1], [0, 0, 1, 1], [], []>, transpose_lhs_hint = false} : vector<480x64xf32>, vector<64x64xf32>, vector<480x64xf32> -> vector<480x64xf32>
    %reshape3A_23 = vector.shape_cast %dot_general3A_22 : vector<480x64xf32> to vector<12x40x64xf32>
    %swap3A_24 = arith.constant 0 : index
    %swap3A_25 = arith.constant 0 : index
    %swap3A_26 = arith.constant 64 : index
    %swap3A_27 = vector.load %arg4[%swap3A_24, %swap3A_25, %swap3A_26] : memref<12x40x256xf32, #tpu.memory_space<vmem>>, vector<12x40x64xf32>
    tpu.vector_store %arg4[%swap3A_24, %swap3A_25, %swap3A_26], %reshape3A_23 {strides = array<i32>} : memref<12x40x256xf32, #tpu.memory_space<vmem>>, vector<12x40x64xf32>,
    %get3A_28 = arith.constant 2 : index
    %get3A_29 = arith.constant 0 : index
    %get3A_30 = arith.constant 0 : index
    %get3A_31 = arith.constant 0 : index
    %get3A_32 = vector.load %arg1[%get3A_28, %get3A_29, %get3A_30, %get3A_31] : memref<4x64x40x12xf32, #tpu.memory_space<vmem>>, vector<1x64x40x12xf32>
    %get3A_33 = vector.shape_cast %get3A_32 : vector<1x64x40x12xf32> to vector<64x40x12xf32>
    %transpose3A_34 = tpu.transpose %get3A_33, [2, 1, 0] : vector<64x40x12xf32> -> vector<12x40x64xf32>
    %reshape3A_35 = vector.shape_cast %transpose3A_34 : vector<12x40x64xf32> to vector<480x64xf32>
    %dot_general3A_36 = arith.constant dense<0.000000e+00> : vector<480x64xf32>
    %dot_general3A_37 = tpu.matmul %reshape3A_35, %get3A_1, %dot_general3A_36 {dimension_numbers = #tpu.dot_dimension_numbers<[1], [0], [0], [1], [0, 0, 1, 1], [], []>, transpose_lhs_hint = false} : vector<480x64xf32>, vector<64x64xf32>, vector<480x64xf32> -> vector<480x64xf32>
    %reshape3A_38 = vector.shape_cast %dot_general3A_37 : vector<480x64xf32> to vector<12x40x64xf32>
    %swap3A_39 = arith.constant 0 : index
    %swap3A_40 = arith.constant 0 : index
    %swap3A_41 = arith.constant 128 : index
    %swap3A_42 = vector.load %arg4[%swap3A_39, %swap3A_40, %swap3A_41] : memref<12x40x256xf32, #tpu.memory_space<vmem>>, vector<12x40x64xf32>
    tpu.vector_store %arg4[%swap3A_39, %swap3A_40, %swap3A_41], %reshape3A_38 {strides = array<i32>} : memref<12x40x256xf32, #tpu.memory_space<vmem>>, vector<12x40x64xf32>,
    %get3A_43 = arith.constant 3 : index
    %get3A_44 = arith.constant 0 : index
    %get3A_45 = arith.constant 0 : index
    %get3A_46 = arith.constant 0 : index
    %get3A_47 = vector.load %arg1[%get3A_43, %get3A_44, %get3A_45, %get3A_46] : memref<4x64x40x12xf32, #tpu.memory_space<vmem>>, vector<1x64x40x12xf32>
    %get3A_48 = vector.shape_cast %get3A_47 : vector<1x64x40x12xf32> to vector<64x40x12xf32>
    %transpose3A_49 = tpu.transpose %get3A_48, [2, 1, 0] : vector<64x40x12xf32> -> vector<12x40x64xf32>
    %reshape3A_50 = vector.shape_cast %transpose3A_49 : vector<12x40x64xf32> to vector<480x64xf32>
    %dot_general3A_51 = arith.constant dense<0.000000e+00> : vector<480x64xf32>
    %dot_general3A_52 = tpu.matmul %reshape3A_50, %get3A_1, %dot_general3A_51 {dimension_numbers = #tpu.dot_dimension_numbers<[1], [0], [0], [1], [0, 0, 1, 1], [], []>, transpose_lhs_hint = false} : vector<480x64xf32>, vector<64x64xf32>, vector<480x64xf32> -> vector<480x64xf32>
    %reshape3A_53 = vector.shape_cast %dot_general3A_52 : vector<480x64xf32> to vector<12x40x64xf32>
    %swap3A_54 = arith.constant 0 : index
    %swap3A_55 = arith.constant 0 : index
    %swap3A_56 = arith.constant 192 : index
    %swap3A_57 = vector.load %arg4[%swap3A_54, %swap3A_55, %swap3A_56] : memref<12x40x256xf32, #tpu.memory_space<vmem>>, vector<12x40x64xf32>
    tpu.vector_store %arg4[%swap3A_54, %swap3A_55, %swap3A_56], %reshape3A_53 {strides = array<i32>} : memref<12x40x256xf32, #tpu.memory_space<vmem>>, vector<12x40x64xf32>,
    %eq3A = arith.constant 0 : i32
    %eq3A_58 = arith.cmpi eq, %arg0, %eq3A : i32
    %convert_element_type3A = arith.extui %eq3A_58 : i1 to i32
    %cond3A = arith.constant 0 : i32
    %cond3A_59 = arith.cmpi ne, %convert_element_type3A, %cond3A : i32
    scf.if %cond3A_59 {
      %get3A_60 = arith.constant 0 : index
      %get3A_61 = vector.load %arg3[%get3A_60] : memref<10240xf32, #tpu.memory_space<vmem>>, vector<10240xf32>
      %gt3A = arith.constant 0.000000e+00 : f32
      %gt3A_62 = vector.broadcast %gt3A : f32 to vector<10240xf32>
      %gt3A_63 = arith.cmpf ogt, %get3A_61, %gt3A_62 : vector<10240xf32>
      %rsqrt3A = math.rsqrt %get3A_61 : vector<10240xf32>
      %jit3A = arith.constant 0.000000e+00 : f32
      %broadcast_in_dim3A = vector.broadcast %jit3A : f32 to vector<10240xf32>
      %select_n3A = arith.select %gt3A_63, %rsqrt3A, %broadcast_in_dim3A : vector<10240xi1>, vector<10240xf32>
      %swap3A_64 = arith.constant 0 : index
      %swap3A_65 = vector.load %arg5[%swap3A_64] : memref<10240xf32, #tpu.memory_space<vmem>>, vector<10240xf32>
      tpu.vector_store %arg5[%swap3A_64], %select_n3A {strides = array<i32>} : memref<10240xf32, #tpu.memory_space<vmem>>, vector<10240xf32>,
    } else {
    }
    return
  }
  func.func @transform_0(%arg0: i32) -> (i32, i32, i32, i32) {
    %c0_i32 = arith.constant 0 : i32
    %c0_i32_0 = arith.constant 0 : i32
    %c0_i32_1 = arith.constant 0 : i32
    %c0_i32_2 = arith.constant 0 : i32
    return %c0_i32, %c0_i32_0, %arg0, %c0_i32_1 : i32, i32, i32, i32
  }
  func.func @transform_1(%arg0: i32) -> (i32, i32) {
    %c0_i32 = arith.constant 0 : i32
    %c0_i32_0 = arith.constant 0 : i32
    %c0_i32_1 = arith.constant 0 : i32
    return %c0_i32, %c0_i32_0 : i32, i32
  }
  func.func @transform_2(%arg0: i32) -> i32 {
    %c0_i32 = arith.constant 0 : i32
    %c0_i32_0 = arith.constant 0 : i32
    return %c0_i32 : i32
  }
  func.func @transform_3(%arg0: i32) -> (i32, i32, i32) {
    %c0_i32 = arith.constant 0 : i32
    %c0_i32_0 = arith.constant 0 : i32
    %c0_i32_1 = arith.constant 0 : i32
    return %c0_i32, %arg0, %c0_i32_0 : i32, i32, i32
  }
  func.func @transform_4(%arg0: i32) -> i32 {
    %c0_i32 = arith.constant 0 : i32
    %c0_i32_0 = arith.constant 0 : i32
    return %c0_i32 : i32
  }
}

module attributes {stable_mosaic.version = 14 : i64} {
  func.func @_tc2_body(%arg0: i32, %arg1: memref<12x200x256xf32, #tpu.memory_space<vmem>>, %arg2: memref<2x256xf32, #tpu.memory_space<vmem>>) attributes {dimension_semantics = [#tpu.dimension_semantics<arbitrary>], iteration_bounds = array<i64: 50>, scalar_prefetch = 0 : i64, scratch_operands = 0 : i64, tpu.core_type = #tpu.core_type<tc>, window_params = [{transform_indices = @transform_0, window_bounds = array<i64: 12, 200, 256>}, {pipeline_mode = #tpu.pipeline_mode<synchronous>, transform_indices = @transform_1, window_bounds = array<i64: 2, 256>}]} {
    %get3A = arith.constant 0 : index
    %get3A_0 = arith.constant 0 : index
    %get3A_1 = arith.constant 0 : index
    %get3A_2 = vector.load %arg1[%get3A, %get3A_0, %get3A_1] : memref<12x200x256xf32, #tpu.memory_space<vmem>>, vector<12x200x256xf32>
    %reduce_sum3A = arith.constant dense<0.000000e+00> : vector<256xf32>
    %reduce_sum3A_3 = vector.multi_reduction <add>, %get3A_2, %reduce_sum3A [0, 1] : vector<12x200x256xf32> to vector<256xf32>
    %mul3A = arith.mulf %get3A_2, %get3A_2 : vector<12x200x256xf32>
    %reduce_sum3A_4 = arith.constant dense<0.000000e+00> : vector<256xf32>
    %reduce_sum3A_5 = vector.multi_reduction <add>, %mul3A, %reduce_sum3A_4 [0, 1] : vector<12x200x256xf32> to vector<256xf32>
    %eq3A = arith.constant 0 : i32
    %eq3A_6 = arith.cmpi eq, %arg0, %eq3A : i32
    %convert_element_type3A = arith.extui %eq3A_6 : i1 to i32
    %cond3A = arith.constant 0 : i32
    %cond3A_7 = arith.cmpi ne, %convert_element_type3A, %cond3A : i32
    scf.if %cond3A_7 {
      %broadcast_in_dim3A = arith.constant 0.000000e+00 : f32
      %broadcast_in_dim3A_15 = vector.broadcast %broadcast_in_dim3A : f32 to vector<2x256xf32>
      %swap3A_16 = arith.constant 0 : index
      %swap3A_17 = arith.constant 0 : index
      %swap3A_18 = vector.load %arg2[%swap3A_16, %swap3A_17] : memref<2x256xf32, #tpu.memory_space<vmem>>, vector<2x256xf32>
      tpu.vector_store %arg2[%swap3A_16, %swap3A_17], %broadcast_in_dim3A_15 {strides = array<i32>} : memref<2x256xf32, #tpu.memory_space<vmem>>, vector<2x256xf32>,
    } else {
    }
    %get3A_8 = arith.constant 0 : index
    %get3A_9 = arith.constant 0 : index
    %get3A_10 = vector.load %arg2[%get3A_8, %get3A_9] : memref<2x256xf32, #tpu.memory_space<vmem>>, vector<2x256xf32>
    %stack3A = vector.shape_cast %reduce_sum3A_3 : vector<256xf32> to vector<1x256xf32>
    %stack3A_11 = vector.shape_cast %reduce_sum3A_5 : vector<256xf32> to vector<1x256xf32>
    %stack3A_12 = tpu.concatenate %stack3A, %stack3A_11 in 0 : vector<1x256xf32>, vector<1x256xf32> -> vector<2x256xf32>
    %add3A = arith.addf %get3A_10, %stack3A_12 : vector<2x256xf32>
    %swap3A = arith.constant 0 : index
    %swap3A_13 = arith.constant 0 : index
    %swap3A_14 = vector.load %arg2[%swap3A, %swap3A_13] : memref<2x256xf32, #tpu.memory_space<vmem>>, vector<2x256xf32>
    tpu.vector_store %arg2[%swap3A, %swap3A_13], %add3A {strides = array<i32>} : memref<2x256xf32, #tpu.memory_space<vmem>>, vector<2x256xf32>,
    return
  }
  func.func @transform_0(%arg0: i32) -> (i32, i32, i32) {
    %c0_i32 = arith.constant 0 : i32
    %c0_i32_0 = arith.constant 0 : i32
    %c0_i32_1 = arith.constant 0 : i32
    return %c0_i32, %arg0, %c0_i32_0 : i32, i32, i32
  }
  func.func @transform_1(%arg0: i32) -> (i32, i32) {
    %c0_i32 = arith.constant 0 : i32
    %c0_i32_0 = arith.constant 0 : i32
    %c0_i32_1 = arith.constant 0 : i32
    return %c0_i32, %c0_i32_0 : i32, i32
  }
}

module attributes {stable_mosaic.version = 14 : i64} {
  func.func @_tc3_body(%arg0: i32, %arg1: memref<12x200x256xf32, #tpu.memory_space<vmem>>, %arg2: memref<2x256xf32, #tpu.memory_space<vmem>>, %arg3: memref<3x64x64xf32, #tpu.memory_space<vmem>>, %arg4: memref<12x200x256xf32, #tpu.memory_space<vmem>>, %arg5: memref<2x256xf32, #tpu.memory_space<vmem>>) attributes {dimension_semantics = [#tpu.dimension_semantics<arbitrary>], iteration_bounds = array<i64: 50>, scalar_prefetch = 0 : i64, scratch_operands = 0 : i64, tpu.core_type = #tpu.core_type<tc>, window_params = [{transform_indices = @transform_0, window_bounds = array<i64: 12, 200, 256>}, {pipeline_mode = #tpu.pipeline_mode<synchronous>, transform_indices = @transform_1, window_bounds = array<i64: 2, 256>}, {pipeline_mode = #tpu.pipeline_mode<synchronous>, transform_indices = @transform_2, window_bounds = array<i64: 3, 64, 64>}, {transform_indices = @transform_3, window_bounds = array<i64: 12, 200, 256>}, {pipeline_mode = #tpu.pipeline_mode<synchronous>, transform_indices = @transform_4, window_bounds = array<i64: 2, 256>}]} {
    %get3A = arith.constant 0 : index
    %get3A_0 = arith.constant 0 : index
    %get3A_1 = vector.load %arg2[%get3A, %get3A_0] : memref<2x256xf32, #tpu.memory_space<vmem>>, vector<2x256xf32>
    %slice3A = vector.extract_strided_slice %get3A_1 {offsets = [0, 0], sizes = [1, 256], strides = [1, 1]} : vector<2x256xf32> to vector<1x256xf32>
    %squeeze3A = vector.shape_cast %slice3A : vector<1x256xf32> to vector<256xf32>
    %div3A = arith.constant 1.200000e+05 : f32
    %div3A_2 = vector.broadcast %div3A : f32 to vector<256xf32>
    %div3A_3 = arith.divf %squeeze3A, %div3A_2 : vector<256xf32>
    %slice3A_4 = vector.extract_strided_slice %get3A_1 {offsets = [1, 0], sizes = [1, 256], strides = [1, 1]} : vector<2x256xf32> to vector<1x256xf32>
    %squeeze3A_5 = vector.shape_cast %slice3A_4 : vector<1x256xf32> to vector<256xf32>
    %div3A_6 = arith.constant 1.200000e+05 : f32
    %div3A_7 = vector.broadcast %div3A_6 : f32 to vector<256xf32>
    %div3A_8 = arith.divf %squeeze3A_5, %div3A_7 : vector<256xf32>
    %mul3A = arith.mulf %div3A_3, %div3A_3 : vector<256xf32>
    %sub3A = arith.subf %div3A_8, %mul3A : vector<256xf32>
    %add3A = arith.constant 9.99999974E-6 : f32
    %add3A_9 = vector.broadcast %add3A : f32 to vector<256xf32>
    %add3A_10 = arith.addf %sub3A, %add3A_9 : vector<256xf32>
    %rsqrt3A = math.rsqrt %add3A_10 : vector<256xf32>
    %get3A_11 = arith.constant 0 : index
    %get3A_12 = arith.constant 0 : index
    %get3A_13 = arith.constant 0 : index
    %get3A_14 = vector.load %arg1[%get3A_11, %get3A_12, %get3A_13] : memref<12x200x256xf32, #tpu.memory_space<vmem>>, vector<12x200x256xf32>
    %broadcast_in_dim3A = vector.shape_cast %div3A_3 : vector<256xf32> to vector<1x1x256xf32>
    %sub3A_15 = vector.broadcast %broadcast_in_dim3A : vector<1x1x256xf32> to vector<12x200x256xf32>
    %sub3A_16 = arith.subf %get3A_14, %sub3A_15 : vector<12x200x256xf32>
    %broadcast_in_dim3A_17 = vector.shape_cast %rsqrt3A : vector<256xf32> to vector<1x1x256xf32>
    %mul3A_18 = vector.broadcast %broadcast_in_dim3A_17 : vector<1x1x256xf32> to vector<12x200x256xf32>
    %mul3A_19 = arith.mulf %sub3A_16, %mul3A_18 : vector<12x200x256xf32>
    %max3A = arith.constant 0.000000e+00 : f32
    %max3A_20 = vector.broadcast %max3A : f32 to vector<12x200x256xf32>
    %max3A_21 = arith.maximumf %mul3A_19, %max3A_20 : vector<12x200x256xf32>
    %broadcast_in_dim3A_22 = arith.constant 0.000000e+00 : f32
    %broadcast_in_dim3A_23 = vector.broadcast %broadcast_in_dim3A_22 : f32 to vector<1x200x256xf32>
    %concatenate3A = tpu.concatenate %broadcast_in_dim3A_23, %max3A_21, %broadcast_in_dim3A_23 in 0 : vector<1x200x256xf32>, vector<12x200x256xf32>, vector<1x200x256xf32> -> vector<14x200x256xf32>
    %broadcast_in_dim3A_24 = arith.constant 0.000000e+00 : f32
    %broadcast_in_dim3A_25 = vector.broadcast %broadcast_in_dim3A_24 : f32 to vector<2400x64xf32>
    %slice3A_26 = vector.extract_strided_slice %concatenate3A {offsets = [0, 0, 0], sizes = [12, 200, 64], strides = [1, 1, 1]} : vector<14x200x256xf32> to vector<12x200x64xf32>
    %reshape3A = vector.shape_cast %slice3A_26 : vector<12x200x64xf32> to vector<2400x64xf32>
    %get3A_27 = arith.constant 0 : index
    %get3A_28 = arith.constant 0 : index
    %get3A_29 = arith.constant 0 : index
    %get3A_30 = vector.load %arg3[%get3A_27, %get3A_28, %get3A_29] : memref<3x64x64xf32, #tpu.memory_space<vmem>>, vector<1x64x64xf32>
    %get3A_31 = vector.shape_cast %get3A_30 : vector<1x64x64xf32> to vector<64x64xf32>
    %dot_general3A = arith.constant dense<0.000000e+00> : vector<2400x64xf32>
    %dot_general3A_32 = tpu.matmul %reshape3A, %get3A_31, %dot_general3A {dimension_numbers = #tpu.dot_dimension_numbers<[1], [0], [0], [1], [0, 0, 1, 1], [], []>, transpose_lhs_hint = false} : vector<2400x64xf32>, vector<64x64xf32>, vector<2400x64xf32> -> vector<2400x64xf32>
    %add3A_33 = arith.addf %broadcast_in_dim3A_25, %dot_general3A_32 : vector<2400x64xf32>
    %slice3A_34 = vector.extract_strided_slice %concatenate3A {offsets = [1, 0, 0], sizes = [12, 200, 64], strides = [1, 1, 1]} : vector<14x200x256xf32> to vector<12x200x64xf32>
    %reshape3A_35 = vector.shape_cast %slice3A_34 : vector<12x200x64xf32> to vector<2400x64xf32>
    %get3A_36 = arith.constant 1 : index
    %get3A_37 = arith.constant 0 : index
    %get3A_38 = arith.constant 0 : index
    %get3A_39 = vector.load %arg3[%get3A_36, %get3A_37, %get3A_38] : memref<3x64x64xf32, #tpu.memory_space<vmem>>, vector<1x64x64xf32>
    %get3A_40 = vector.shape_cast %get3A_39 : vector<1x64x64xf32> to vector<64x64xf32>
    %dot_general3A_41 = arith.constant dense<0.000000e+00> : vector<2400x64xf32>
    %dot_general3A_42 = tpu.matmul %reshape3A_35, %get3A_40, %dot_general3A_41 {dimension_numbers = #tpu.dot_dimension_numbers<[1], [0], [0], [1], [0, 0, 1, 1], [], []>, transpose_lhs_hint = false} : vector<2400x64xf32>, vector<64x64xf32>, vector<2400x64xf32> -> vector<2400x64xf32>
    %add3A_43 = arith.addf %add3A_33, %dot_general3A_42 : vector<2400x64xf32>
    %slice3A_44 = vector.extract_strided_slice %concatenate3A {offsets = [2, 0, 0], sizes = [12, 200, 64], strides = [1, 1, 1]} : vector<14x200x256xf32> to vector<12x200x64xf32>
    %reshape3A_45 = vector.shape_cast %slice3A_44 : vector<12x200x64xf32> to vector<2400x64xf32>
    %get3A_46 = arith.constant 2 : index
    %get3A_47 = arith.constant 0 : index
    %get3A_48 = arith.constant 0 : index
    %get3A_49 = vector.load %arg3[%get3A_46, %get3A_47, %get3A_48] : memref<3x64x64xf32, #tpu.memory_space<vmem>>, vector<1x64x64xf32>
    %get3A_50 = vector.shape_cast %get3A_49 : vector<1x64x64xf32> to vector<64x64xf32>
    %dot_general3A_51 = arith.constant dense<0.000000e+00> : vector<2400x64xf32>
    %dot_general3A_52 = tpu.matmul %reshape3A_45, %get3A_50, %dot_general3A_51 {dimension_numbers = #tpu.dot_dimension_numbers<[1], [0], [0], [1], [0, 0, 1, 1], [], []>, transpose_lhs_hint = false} : vector<2400x64xf32>, vector<64x64xf32>, vector<2400x64xf32> -> vector<2400x64xf32>
    %add3A_53 = arith.addf %add3A_43, %dot_general3A_52 : vector<2400x64xf32>
    %reshape3A_54 = vector.shape_cast %add3A_53 : vector<2400x64xf32> to vector<12x200x64xf32>
    %swap3A = arith.constant 0 : index
    %swap3A_55 = arith.constant 0 : index
    %swap3A_56 = arith.constant 0 : index
    %swap3A_57 = vector.load %arg4[%swap3A, %swap3A_55, %swap3A_56] : memref<12x200x256xf32, #tpu.memory_space<vmem>>, vector<12x200x64xf32>
    tpu.vector_store %arg4[%swap3A, %swap3A_55, %swap3A_56], %reshape3A_54 {strides = array<i32>} : memref<12x200x256xf32, #tpu.memory_space<vmem>>, vector<12x200x64xf32>,
    %reduce_sum3A = arith.constant dense<0.000000e+00> : vector<64xf32>
    %reduce_sum3A_58 = vector.multi_reduction <add>, %reshape3A_54, %reduce_sum3A [0, 1] : vector<12x200x64xf32> to vector<64xf32>
    %mul3A_59 = arith.mulf %reshape3A_54, %reshape3A_54 : vector<12x200x64xf32>
    %reduce_sum3A_60 = arith.constant dense<0.000000e+00> : vector<64xf32>
    %reduce_sum3A_61 = vector.multi_reduction <add>, %mul3A_59, %reduce_sum3A_60 [0, 1] : vector<12x200x64xf32> to vector<64xf32>
    %broadcast_in_dim3A_62 = arith.constant 0.000000e+00 : f32
    %broadcast_in_dim3A_63 = vector.broadcast %broadcast_in_dim3A_62 : f32 to vector<2400x64xf32>
    %slice3A_64 = vector.extract_strided_slice %concatenate3A {offsets = [0, 0, 64], sizes = [12, 200, 64], strides = [1, 1, 1]} : vector<14x200x256xf32> to vector<12x200x64xf32>
    %reshape3A_65 = vector.shape_cast %slice3A_64 : vector<12x200x64xf32> to vector<2400x64xf32>
    %get3A_66 = arith.constant 0 : index
    %get3A_67 = arith.constant 0 : index
    %get3A_68 = arith.constant 0 : index
    %get3A_69 = vector.load %arg3[%get3A_66, %get3A_67, %get3A_68] : memref<3x64x64xf32, #tpu.memory_space<vmem>>, vector<1x64x64xf32>
    %get3A_70 = vector.shape_cast %get3A_69 : vector<1x64x64xf32> to vector<64x64xf32>
    %dot_general3A_71 = arith.constant dense<0.000000e+00> : vector<2400x64xf32>
    %dot_general3A_72 = tpu.matmul %reshape3A_65, %get3A_70, %dot_general3A_71 {dimension_numbers = #tpu.dot_dimension_numbers<[1], [0], [0], [1], [0, 0, 1, 1], [], []>, transpose_lhs_hint = false} : vector<2400x64xf32>, vector<64x64xf32>, vector<2400x64xf32> -> vector<2400x64xf32>
    %add3A_73 = arith.addf %broadcast_in_dim3A_63, %dot_general3A_72 : vector<2400x64xf32>
    %slice3A_74 = vector.extract_strided_slice %concatenate3A {offsets = [1, 0, 64], sizes = [12, 200, 64], strides = [1, 1, 1]} : vector<14x200x256xf32> to vector<12x200x64xf32>
    %reshape3A_75 = vector.shape_cast %slice3A_74 : vector<12x200x64xf32> to vector<2400x64xf32>
    %get3A_76 = arith.constant 1 : index
    %get3A_77 = arith.constant 0 : index
    %get3A_78 = arith.constant 0 : index
    %get3A_79 = vector.load %arg3[%get3A_76, %get3A_77, %get3A_78] : memref<3x64x64xf32, #tpu.memory_space<vmem>>, vector<1x64x64xf32>
    %get3A_80 = vector.shape_cast %get3A_79 : vector<1x64x64xf32> to vector<64x64xf32>
    %dot_general3A_81 = arith.constant dense<0.000000e+00> : vector<2400x64xf32>
    %dot_general3A_82 = tpu.matmul %reshape3A_75, %get3A_80, %dot_general3A_81 {dimension_numbers = #tpu.dot_dimension_numbers<[1], [0], [0], [1], [0, 0, 1, 1], [], []>, transpose_lhs_hint = false} : vector<2400x64xf32>, vector<64x64xf32>, vector<2400x64xf32> -> vector<2400x64xf32>
    %add3A_83 = arith.addf %add3A_73, %dot_general3A_82 : vector<2400x64xf32>
    %slice3A_84 = vector.extract_strided_slice %concatenate3A {offsets = [2, 0, 64], sizes = [12, 200, 64], strides = [1, 1, 1]} : vector<14x200x256xf32> to vector<12x200x64xf32>
    %reshape3A_85 = vector.shape_cast %slice3A_84 : vector<12x200x64xf32> to vector<2400x64xf32>
    %get3A_86 = arith.constant 2 : index
    %get3A_87 = arith.constant 0 : index
    %get3A_88 = arith.constant 0 : index
    %get3A_89 = vector.load %arg3[%get3A_86, %get3A_87, %get3A_88] : memref<3x64x64xf32, #tpu.memory_space<vmem>>, vector<1x64x64xf32>
    %get3A_90 = vector.shape_cast %get3A_89 : vector<1x64x64xf32> to vector<64x64xf32>
    %dot_general3A_91 = arith.constant dense<0.000000e+00> : vector<2400x64xf32>
    %dot_general3A_92 = tpu.matmul %reshape3A_85, %get3A_90, %dot_general3A_91 {dimension_numbers = #tpu.dot_dimension_numbers<[1], [0], [0], [1], [0, 0, 1, 1], [], []>, transpose_lhs_hint = false} : vector<2400x64xf32>, vector<64x64xf32>, vector<2400x64xf32> -> vector<2400x64xf32>
    %add3A_93 = arith.addf %add3A_83, %dot_general3A_92 : vector<2400x64xf32>
    %reshape3A_94 = vector.shape_cast %add3A_93 : vector<2400x64xf32> to vector<12x200x64xf32>
    %swap3A_95 = arith.constant 0 : index
    %swap3A_96 = arith.constant 0 : index
    %swap3A_97 = arith.constant 64 : index
    %swap3A_98 = vector.load %arg4[%swap3A_95, %swap3A_96, %swap3A_97] : memref<12x200x256xf32, #tpu.memory_space<vmem>>, vector<12x200x64xf32>
    tpu.vector_store %arg4[%swap3A_95, %swap3A_96, %swap3A_97], %reshape3A_94 {strides = array<i32>} : memref<12x200x256xf32, #tpu.memory_space<vmem>>, vector<12x200x64xf32>,
    %reduce_sum3A_99 = arith.constant dense<0.000000e+00> : vector<64xf32>
    %reduce_sum3A_100 = vector.multi_reduction <add>, %reshape3A_94, %reduce_sum3A_99 [0, 1] : vector<12x200x64xf32> to vector<64xf32>
    %mul3A_101 = arith.mulf %reshape3A_94, %reshape3A_94 : vector<12x200x64xf32>
    %reduce_sum3A_102 = arith.constant dense<0.000000e+00> : vector<64xf32>
    %reduce_sum3A_103 = vector.multi_reduction <add>, %mul3A_101, %reduce_sum3A_102 [0, 1] : vector<12x200x64xf32> to vector<64xf32>
    %broadcast_in_dim3A_104 = arith.constant 0.000000e+00 : f32
    %broadcast_in_dim3A_105 = vector.broadcast %broadcast_in_dim3A_104 : f32 to vector<2400x64xf32>
    %slice3A_106 = vector.extract_strided_slice %concatenate3A {offsets = [0, 0, 128], sizes = [12, 200, 64], strides = [1, 1, 1]} : vector<14x200x256xf32> to vector<12x200x64xf32>
    %reshape3A_107 = vector.shape_cast %slice3A_106 : vector<12x200x64xf32> to vector<2400x64xf32>
    %get3A_108 = arith.constant 0 : index
    %get3A_109 = arith.constant 0 : index
    %get3A_110 = arith.constant 0 : index
    %get3A_111 = vector.load %arg3[%get3A_108, %get3A_109, %get3A_110] : memref<3x64x64xf32, #tpu.memory_space<vmem>>, vector<1x64x64xf32>
    %get3A_112 = vector.shape_cast %get3A_111 : vector<1x64x64xf32> to vector<64x64xf32>
    %dot_general3A_113 = arith.constant dense<0.000000e+00> : vector<2400x64xf32>
    %dot_general3A_114 = tpu.matmul %reshape3A_107, %get3A_112, %dot_general3A_113 {dimension_numbers = #tpu.dot_dimension_numbers<[1], [0], [0], [1], [0, 0, 1, 1], [], []>, transpose_lhs_hint = false} : vector<2400x64xf32>, vector<64x64xf32>, vector<2400x64xf32> -> vector<2400x64xf32>
    %add3A_115 = arith.addf %broadcast_in_dim3A_105, %dot_general3A_114 : vector<2400x64xf32>
    %slice3A_116 = vector.extract_strided_slice %concatenate3A {offsets = [1, 0, 128], sizes = [12, 200, 64], strides = [1, 1, 1]} : vector<14x200x256xf32> to vector<12x200x64xf32>
    %reshape3A_117 = vector.shape_cast %slice3A_116 : vector<12x200x64xf32> to vector<2400x64xf32>
    %get3A_118 = arith.constant 1 : index
    %get3A_119 = arith.constant 0 : index
    %get3A_120 = arith.constant 0 : index
    %get3A_121 = vector.load %arg3[%get3A_118, %get3A_119, %get3A_120] : memref<3x64x64xf32, #tpu.memory_space<vmem>>, vector<1x64x64xf32>
    %get3A_122 = vector.shape_cast %get3A_121 : vector<1x64x64xf32> to vector<64x64xf32>
    %dot_general3A_123 = arith.constant dense<0.000000e+00> : vector<2400x64xf32>
    %dot_general3A_124 = tpu.matmul %reshape3A_117, %get3A_122, %dot_general3A_123 {dimension_numbers = #tpu.dot_dimension_numbers<[1], [0], [0], [1], [0, 0, 1, 1], [], []>, transpose_lhs_hint = false} : vector<2400x64xf32>, vector<64x64xf32>, vector<2400x64xf32> -> vector<2400x64xf32>
    %add3A_125 = arith.addf %add3A_115, %dot_general3A_124 : vector<2400x64xf32>
    %slice3A_126 = vector.extract_strided_slice %concatenate3A {offsets = [2, 0, 128], sizes = [12, 200, 64], strides = [1, 1, 1]} : vector<14x200x256xf32> to vector<12x200x64xf32>
    %reshape3A_127 = vector.shape_cast %slice3A_126 : vector<12x200x64xf32> to vector<2400x64xf32>
    %get3A_128 = arith.constant 2 : index
    %get3A_129 = arith.constant 0 : index
    %get3A_130 = arith.constant 0 : index
    %get3A_131 = vector.load %arg3[%get3A_128, %get3A_129, %get3A_130] : memref<3x64x64xf32, #tpu.memory_space<vmem>>, vector<1x64x64xf32>
    %get3A_132 = vector.shape_cast %get3A_131 : vector<1x64x64xf32> to vector<64x64xf32>
    %dot_general3A_133 = arith.constant dense<0.000000e+00> : vector<2400x64xf32>
    %dot_general3A_134 = tpu.matmul %reshape3A_127, %get3A_132, %dot_general3A_133 {dimension_numbers = #tpu.dot_dimension_numbers<[1], [0], [0], [1], [0, 0, 1, 1], [], []>, transpose_lhs_hint = false} : vector<2400x64xf32>, vector<64x64xf32>, vector<2400x64xf32> -> vector<2400x64xf32>
    %add3A_135 = arith.addf %add3A_125, %dot_general3A_134 : vector<2400x64xf32>
    %reshape3A_136 = vector.shape_cast %add3A_135 : vector<2400x64xf32> to vector<12x200x64xf32>
    %swap3A_137 = arith.constant 0 : index
    %swap3A_138 = arith.constant 0 : index
    %swap3A_139 = arith.constant 128 : index
    %swap3A_140 = vector.load %arg4[%swap3A_137, %swap3A_138, %swap3A_139] : memref<12x200x256xf32, #tpu.memory_space<vmem>>, vector<12x200x64xf32>
    tpu.vector_store %arg4[%swap3A_137, %swap3A_138, %swap3A_139], %reshape3A_136 {strides = array<i32>} : memref<12x200x256xf32, #tpu.memory_space<vmem>>, vector<12x200x64xf32>,
    %reduce_sum3A_141 = arith.constant dense<0.000000e+00> : vector<64xf32>
    %reduce_sum3A_142 = vector.multi_reduction <add>, %reshape3A_136, %reduce_sum3A_141 [0, 1] : vector<12x200x64xf32> to vector<64xf32>
    %mul3A_143 = arith.mulf %reshape3A_136, %reshape3A_136 : vector<12x200x64xf32>
    %reduce_sum3A_144 = arith.constant dense<0.000000e+00> : vector<64xf32>
    %reduce_sum3A_145 = vector.multi_reduction <add>, %mul3A_143, %reduce_sum3A_144 [0, 1] : vector<12x200x64xf32> to vector<64xf32>
    %broadcast_in_dim3A_146 = arith.constant 0.000000e+00 : f32
    %broadcast_in_dim3A_147 = vector.broadcast %broadcast_in_dim3A_146 : f32 to vector<2400x64xf32>
    %slice3A_148 = vector.extract_strided_slice %concatenate3A {offsets = [0, 0, 192], sizes = [12, 200, 64], strides = [1, 1, 1]} : vector<14x200x256xf32> to vector<12x200x64xf32>
    %reshape3A_149 = vector.shape_cast %slice3A_148 : vector<12x200x64xf32> to vector<2400x64xf32>
    %get3A_150 = arith.constant 0 : index
    %get3A_151 = arith.constant 0 : index
    %get3A_152 = arith.constant 0 : index
    %get3A_153 = vector.load %arg3[%get3A_150, %get3A_151, %get3A_152] : memref<3x64x64xf32, #tpu.memory_space<vmem>>, vector<1x64x64xf32>
    %get3A_154 = vector.shape_cast %get3A_153 : vector<1x64x64xf32> to vector<64x64xf32>
    %dot_general3A_155 = arith.constant dense<0.000000e+00> : vector<2400x64xf32>
    %dot_general3A_156 = tpu.matmul %reshape3A_149, %get3A_154, %dot_general3A_155 {dimension_numbers = #tpu.dot_dimension_numbers<[1], [0], [0], [1], [0, 0, 1, 1], [], []>, transpose_lhs_hint = false} : vector<2400x64xf32>, vector<64x64xf32>, vector<2400x64xf32> -> vector<2400x64xf32>
    %add3A_157 = arith.addf %broadcast_in_dim3A_147, %dot_general3A_156 : vector<2400x64xf32>
    %slice3A_158 = vector.extract_strided_slice %concatenate3A {offsets = [1, 0, 192], sizes = [12, 200, 64], strides = [1, 1, 1]} : vector<14x200x256xf32> to vector<12x200x64xf32>
    %reshape3A_159 = vector.shape_cast %slice3A_158 : vector<12x200x64xf32> to vector<2400x64xf32>
    %get3A_160 = arith.constant 1 : index
    %get3A_161 = arith.constant 0 : index
    %get3A_162 = arith.constant 0 : index
    %get3A_163 = vector.load %arg3[%get3A_160, %get3A_161, %get3A_162] : memref<3x64x64xf32, #tpu.memory_space<vmem>>, vector<1x64x64xf32>
    %get3A_164 = vector.shape_cast %get3A_163 : vector<1x64x64xf32> to vector<64x64xf32>
    %dot_general3A_165 = arith.constant dense<0.000000e+00> : vector<2400x64xf32>
    %dot_general3A_166 = tpu.matmul %reshape3A_159, %get3A_164, %dot_general3A_165 {dimension_numbers = #tpu.dot_dimension_numbers<[1], [0], [0], [1], [0, 0, 1, 1], [], []>, transpose_lhs_hint = false} : vector<2400x64xf32>, vector<64x64xf32>, vector<2400x64xf32> -> vector<2400x64xf32>
    %add3A_167 = arith.addf %add3A_157, %dot_general3A_166 : vector<2400x64xf32>
    %slice3A_168 = vector.extract_strided_slice %concatenate3A {offsets = [2, 0, 192], sizes = [12, 200, 64], strides = [1, 1, 1]} : vector<14x200x256xf32> to vector<12x200x64xf32>
    %reshape3A_169 = vector.shape_cast %slice3A_168 : vector<12x200x64xf32> to vector<2400x64xf32>
    %get3A_170 = arith.constant 2 : index
    %get3A_171 = arith.constant 0 : index
    %get3A_172 = arith.constant 0 : index
    %get3A_173 = vector.load %arg3[%get3A_170, %get3A_171, %get3A_172] : memref<3x64x64xf32, #tpu.memory_space<vmem>>, vector<1x64x64xf32>
    %get3A_174 = vector.shape_cast %get3A_173 : vector<1x64x64xf32> to vector<64x64xf32>
    %dot_general3A_175 = arith.constant dense<0.000000e+00> : vector<2400x64xf32>
    %dot_general3A_176 = tpu.matmul %reshape3A_169, %get3A_174, %dot_general3A_175 {dimension_numbers = #tpu.dot_dimension_numbers<[1], [0], [0], [1], [0, 0, 1, 1], [], []>, transpose_lhs_hint = false} : vector<2400x64xf32>, vector<64x64xf32>, vector<2400x64xf32> -> vector<2400x64xf32>
    %add3A_177 = arith.addf %add3A_167, %dot_general3A_176 : vector<2400x64xf32>
    %reshape3A_178 = vector.shape_cast %add3A_177 : vector<2400x64xf32> to vector<12x200x64xf32>
    %swap3A_179 = arith.constant 0 : index
    %swap3A_180 = arith.constant 0 : index
    %swap3A_181 = arith.constant 192 : index
    %swap3A_182 = vector.load %arg4[%swap3A_179, %swap3A_180, %swap3A_181] : memref<12x200x256xf32, #tpu.memory_space<vmem>>, vector<12x200x64xf32>
    tpu.vector_store %arg4[%swap3A_179, %swap3A_180, %swap3A_181], %reshape3A_178 {strides = array<i32>} : memref<12x200x256xf32, #tpu.memory_space<vmem>>, vector<12x200x64xf32>,
    %reduce_sum3A_183 = arith.constant dense<0.000000e+00> : vector<64xf32>
    %reduce_sum3A_184 = vector.multi_reduction <add>, %reshape3A_178, %reduce_sum3A_183 [0, 1] : vector<12x200x64xf32> to vector<64xf32>
    %mul3A_185 = arith.mulf %reshape3A_178, %reshape3A_178 : vector<12x200x64xf32>
    %reduce_sum3A_186 = arith.constant dense<0.000000e+00> : vector<64xf32>
    %reduce_sum3A_187 = vector.multi_reduction <add>, %mul3A_185, %reduce_sum3A_186 [0, 1] : vector<12x200x64xf32> to vector<64xf32>
    %concatenate3A_188 = tpu.concatenate %reduce_sum3A_58, %reduce_sum3A_100, %reduce_sum3A_142, %reduce_sum3A_184 in 0 : vector<64xf32>, vector<64xf32>, vector<64xf32>, vector<64xf32> -> vector<256xf32>
    %concatenate3A_189 = tpu.concatenate %reduce_sum3A_61, %reduce_sum3A_103, %reduce_sum3A_145, %reduce_sum3A_187 in 0 : vector<64xf32>, vector<64xf32>, vector<64xf32>, vector<64xf32> -> vector<256xf32>
    %eq3A = arith.constant 0 : i32
    %eq3A_190 = arith.cmpi eq, %arg0, %eq3A : i32
    %convert_element_type3A = arith.extui %eq3A_190 : i1 to i32
    %cond3A = arith.constant 0 : i32
    %cond3A_191 = arith.cmpi ne, %convert_element_type3A, %cond3A : i32
    scf.if %cond3A_191 {
      %broadcast_in_dim3A_201 = arith.constant 0.000000e+00 : f32
      %broadcast_in_dim3A_202 = vector.broadcast %broadcast_in_dim3A_201 : f32 to vector<2x256xf32>
      %swap3A_203 = arith.constant 0 : index
      %swap3A_204 = arith.constant 0 : index
      %swap3A_205 = vector.load %arg5[%swap3A_203, %swap3A_204] : memref<2x256xf32, #tpu.memory_space<vmem>>, vector<2x256xf32>
      tpu.vector_store %arg5[%swap3A_203, %swap3A_204], %broadcast_in_dim3A_202 {strides = array<i32>} : memref<2x256xf32, #tpu.memory_space<vmem>>, vector<2x256xf32>,
    } else {
    }
    %get3A_192 = arith.constant 0 : index
    %get3A_193 = arith.constant 0 : index
    %get3A_194 = vector.load %arg5[%get3A_192, %get3A_193] : memref<2x256xf32, #tpu.memory_space<vmem>>, vector<2x256xf32>
    %stack3A = vector.shape_cast %concatenate3A_188 : vector<256xf32> to vector<1x256xf32>
    %stack3A_195 = vector.shape_cast %concatenate3A_189 : vector<256xf32> to vector<1x256xf32>
    %stack3A_196 = tpu.concatenate %stack3A, %stack3A_195 in 0 : vector<1x256xf32>, vector<1x256xf32> -> vector<2x256xf32>
    %add3A_197 = arith.addf %get3A_194, %stack3A_196 : vector<2x256xf32>
    %swap3A_198 = arith.constant 0 : index
    %swap3A_199 = arith.constant 0 : index
    %swap3A_200 = vector.load %arg5[%swap3A_198, %swap3A_199] : memref<2x256xf32, #tpu.memory_space<vmem>>, vector<2x256xf32>
    tpu.vector_store %arg5[%swap3A_198, %swap3A_199], %add3A_197 {strides = array<i32>} : memref<2x256xf32, #tpu.memory_space<vmem>>, vector<2x256xf32>,
    return
  }
  func.func @transform_0(%arg0: i32) -> (i32, i32, i32) {
    %c0_i32 = arith.constant 0 : i32
    %c0_i32_0 = arith.constant 0 : i32
    %c0_i32_1 = arith.constant 0 : i32
    return %c0_i32, %arg0, %c0_i32_0 : i32, i32, i32
  }
  func.func @transform_1(%arg0: i32) -> (i32, i32) {
    %c0_i32 = arith.constant 0 : i32
    %c0_i32_0 = arith.constant 0 : i32
    %c0_i32_1 = arith.constant 0 : i32
    return %c0_i32, %c0_i32_0 : i32, i32
  }
  func.func @transform_2(%arg0: i32) -> (i32, i32, i32) {
    %c0_i32 = arith.constant 0 : i32
    %c0_i32_0 = arith.constant 0 : i32
    %c0_i32_1 = arith.constant 0 : i32
    %c0_i32_2 = arith.constant 0 : i32
    return %c0_i32, %c0_i32_0, %c0_i32_1 : i32, i32, i32
  }
  func.func @transform_3(%arg0: i32) -> (i32, i32, i32) {
    %c0_i32 = arith.constant 0 : i32
    %c0_i32_0 = arith.constant 0 : i32
    %c0_i32_1 = arith.constant 0 : i32
    return %c0_i32, %arg0, %c0_i32_0 : i32, i32, i32
  }
  func.func @transform_4(%arg0: i32) -> (i32, i32) {
    %c0_i32 = arith.constant 0 : i32
    %c0_i32_0 = arith.constant 0 : i32
    %c0_i32_1 = arith.constant 0 : i32
    return %c0_i32, %c0_i32_0 : i32, i32
  }
}

module attributes {stable_mosaic.version = 14 : i64} {
  func.func @_tc4_body(%arg0: i32, %arg1: memref<12x40x256xf32, #tpu.memory_space<vmem>>, %arg2: memref<2x256xf32, #tpu.memory_space<vmem>>, %arg3: memref<4x64x40x12xf32, #tpu.memory_space<vmem>>, %arg4: memref<4x64x40x12xf32, #tpu.memory_space<vmem>>) attributes {dimension_semantics = [#tpu.dimension_semantics<arbitrary>], iteration_bounds = array<i64: 250>, scalar_prefetch = 0 : i64, scratch_operands = 0 : i64, tpu.core_type = #tpu.core_type<tc>, window_params = [{transform_indices = @transform_0, window_bounds = array<i64: 12, 40, 256>}, {pipeline_mode = #tpu.pipeline_mode<synchronous>, transform_indices = @transform_1, window_bounds = array<i64: 2, 256>}, {transform_indices = @transform_2, window_bounds = array<i64: 4, 64, 40, 12>}, {transform_indices = @transform_3, window_bounds = array<i64: 4, 64, 40, 12>}]} {
    %get3A = arith.constant 0 : index
    %get3A_0 = arith.constant 0 : index
    %get3A_1 = vector.load %arg2[%get3A, %get3A_0] : memref<2x256xf32, #tpu.memory_space<vmem>>, vector<2x256xf32>
    %slice3A = vector.extract_strided_slice %get3A_1 {offsets = [0, 0], sizes = [1, 256], strides = [1, 1]} : vector<2x256xf32> to vector<1x256xf32>
    %squeeze3A = vector.shape_cast %slice3A : vector<1x256xf32> to vector<256xf32>
    %div3A = arith.constant 1.200000e+05 : f32
    %div3A_2 = vector.broadcast %div3A : f32 to vector<256xf32>
    %div3A_3 = arith.divf %squeeze3A, %div3A_2 : vector<256xf32>
    %slice3A_4 = vector.extract_strided_slice %get3A_1 {offsets = [1, 0], sizes = [1, 256], strides = [1, 1]} : vector<2x256xf32> to vector<1x256xf32>
    %squeeze3A_5 = vector.shape_cast %slice3A_4 : vector<1x256xf32> to vector<256xf32>
    %div3A_6 = arith.constant 1.200000e+05 : f32
    %div3A_7 = vector.broadcast %div3A_6 : f32 to vector<256xf32>
    %div3A_8 = arith.divf %squeeze3A_5, %div3A_7 : vector<256xf32>
    %mul3A = arith.mulf %div3A_3, %div3A_3 : vector<256xf32>
    %sub3A = arith.subf %div3A_8, %mul3A : vector<256xf32>
    %add3A = arith.constant 9.99999974E-6 : f32
    %add3A_9 = vector.broadcast %add3A : f32 to vector<256xf32>
    %add3A_10 = arith.addf %sub3A, %add3A_9 : vector<256xf32>
    %rsqrt3A = math.rsqrt %add3A_10 : vector<256xf32>
    %get3A_11 = arith.constant 0 : index
    %get3A_12 = arith.constant 0 : index
    %get3A_13 = arith.constant 0 : index
    %get3A_14 = vector.load %arg1[%get3A_11, %get3A_12, %get3A_13] : memref<12x40x256xf32, #tpu.memory_space<vmem>>, vector<12x40x256xf32>
    %broadcast_in_dim3A = vector.shape_cast %div3A_3 : vector<256xf32> to vector<1x1x256xf32>
    %sub3A_15 = vector.broadcast %broadcast_in_dim3A : vector<1x1x256xf32> to vector<12x40x256xf32>
    %sub3A_16 = arith.subf %get3A_14, %sub3A_15 : vector<12x40x256xf32>
    %broadcast_in_dim3A_17 = vector.shape_cast %rsqrt3A : vector<256xf32> to vector<1x1x256xf32>
    %mul3A_18 = vector.broadcast %broadcast_in_dim3A_17 : vector<1x1x256xf32> to vector<12x40x256xf32>
    %mul3A_19 = arith.mulf %sub3A_16, %mul3A_18 : vector<12x40x256xf32>
    %max3A = arith.constant 0.000000e+00 : f32
    %max3A_20 = vector.broadcast %max3A : f32 to vector<12x40x256xf32>
    %max3A_21 = arith.maximumf %mul3A_19, %max3A_20 : vector<12x40x256xf32>
    %slice3A_22 = vector.extract_strided_slice %max3A_21 {offsets = [0, 0, 0], sizes = [12, 40, 64], strides = [1, 1, 1]} : vector<12x40x256xf32> to vector<12x40x64xf32>
    %transpose3A = tpu.transpose %slice3A_22, [2, 1, 0] : vector<12x40x64xf32> -> vector<64x40x12xf32>
    %get3A_23 = arith.constant 0 : index
    %get3A_24 = arith.constant 0 : index
    %get3A_25 = arith.constant 0 : index
    %get3A_26 = arith.constant 0 : index
    %get3A_27 = vector.load %arg3[%get3A_23, %get3A_24, %get3A_25, %get3A_26] : memref<4x64x40x12xf32, #tpu.memory_space<vmem>>, vector<1x64x40x12xf32>
    %get3A_28 = vector.shape_cast %get3A_27 : vector<1x64x40x12xf32> to vector<64x40x12xf32>
    %add3A_29 = arith.addf %transpose3A, %get3A_28 : vector<64x40x12xf32>
    %max3A_30 = arith.constant 0.000000e+00 : f32
    %max3A_31 = vector.broadcast %max3A_30 : f32 to vector<64x40x12xf32>
    %max3A_32 = arith.maximumf %add3A_29, %max3A_31 : vector<64x40x12xf32>
    %swap3A = arith.constant 0 : index
    %swap3A_33 = arith.constant 0 : index
    %swap3A_34 = arith.constant 0 : index
    %swap3A_35 = arith.constant 0 : index
    %swap3A_36 = vector.load %arg4[%swap3A, %swap3A_33, %swap3A_34, %swap3A_35] : memref<4x64x40x12xf32, #tpu.memory_space<vmem>>, vector<1x64x40x12xf32>
    %swap3A_37 = vector.shape_cast %swap3A_36 : vector<1x64x40x12xf32> to vector<64x40x12xf32>
    %swap3A_38 = vector.shape_cast %max3A_32 : vector<64x40x12xf32> to vector<1x64x40x12xf32>
    tpu.vector_store %arg4[%swap3A, %swap3A_33, %swap3A_34, %swap3A_35], %swap3A_38 {strides = array<i32>} : memref<4x64x40x12xf32, #tpu.memory_space<vmem>>, vector<1x64x40x12xf32>,
    %slice3A_39 = vector.extract_strided_slice %max3A_21 {offsets = [0, 0, 64], sizes = [12, 40, 64], strides = [1, 1, 1]} : vector<12x40x256xf32> to vector<12x40x64xf32>
    %transpose3A_40 = tpu.transpose %slice3A_39, [2, 1, 0] : vector<12x40x64xf32> -> vector<64x40x12xf32>
    %get3A_41 = arith.constant 1 : index
    %get3A_42 = arith.constant 0 : index
    %get3A_43 = arith.constant 0 : index
    %get3A_44 = arith.constant 0 : index
    %get3A_45 = vector.load %arg3[%get3A_41, %get3A_42, %get3A_43, %get3A_44] : memref<4x64x40x12xf32, #tpu.memory_space<vmem>>, vector<1x64x40x12xf32>
    %get3A_46 = vector.shape_cast %get3A_45 : vector<1x64x40x12xf32> to vector<64x40x12xf32>
    %add3A_47 = arith.addf %transpose3A_40, %get3A_46 : vector<64x40x12xf32>
    %max3A_48 = arith.constant 0.000000e+00 : f32
    %max3A_49 = vector.broadcast %max3A_48 : f32 to vector<64x40x12xf32>
    %max3A_50 = arith.maximumf %add3A_47, %max3A_49 : vector<64x40x12xf32>
    %swap3A_51 = arith.constant 1 : index
    %swap3A_52 = arith.constant 0 : index
    %swap3A_53 = arith.constant 0 : index
    %swap3A_54 = arith.constant 0 : index
    %swap3A_55 = vector.load %arg4[%swap3A_51, %swap3A_52, %swap3A_53, %swap3A_54] : memref<4x64x40x12xf32, #tpu.memory_space<vmem>>, vector<1x64x40x12xf32>
    %swap3A_56 = vector.shape_cast %swap3A_55 : vector<1x64x40x12xf32> to vector<64x40x12xf32>
    %swap3A_57 = vector.shape_cast %max3A_50 : vector<64x40x12xf32> to vector<1x64x40x12xf32>
    tpu.vector_store %arg4[%swap3A_51, %swap3A_52, %swap3A_53, %swap3A_54], %swap3A_57 {strides = array<i32>} : memref<4x64x40x12xf32, #tpu.memory_space<vmem>>, vector<1x64x40x12xf32>,
    %slice3A_58 = vector.extract_strided_slice %max3A_21 {offsets = [0, 0, 128], sizes = [12, 40, 64], strides = [1, 1, 1]} : vector<12x40x256xf32> to vector<12x40x64xf32>
    %transpose3A_59 = tpu.transpose %slice3A_58, [2, 1, 0] : vector<12x40x64xf32> -> vector<64x40x12xf32>
    %get3A_60 = arith.constant 2 : index
    %get3A_61 = arith.constant 0 : index
    %get3A_62 = arith.constant 0 : index
    %get3A_63 = arith.constant 0 : index
    %get3A_64 = vector.load %arg3[%get3A_60, %get3A_61, %get3A_62, %get3A_63] : memref<4x64x40x12xf32, #tpu.memory_space<vmem>>, vector<1x64x40x12xf32>
    %get3A_65 = vector.shape_cast %get3A_64 : vector<1x64x40x12xf32> to vector<64x40x12xf32>
    %add3A_66 = arith.addf %transpose3A_59, %get3A_65 : vector<64x40x12xf32>
    %max3A_67 = arith.constant 0.000000e+00 : f32
    %max3A_68 = vector.broadcast %max3A_67 : f32 to vector<64x40x12xf32>
    %max3A_69 = arith.maximumf %add3A_66, %max3A_68 : vector<64x40x12xf32>
    %swap3A_70 = arith.constant 2 : index
    %swap3A_71 = arith.constant 0 : index
    %swap3A_72 = arith.constant 0 : index
    %swap3A_73 = arith.constant 0 : index
    %swap3A_74 = vector.load %arg4[%swap3A_70, %swap3A_71, %swap3A_72, %swap3A_73] : memref<4x64x40x12xf32, #tpu.memory_space<vmem>>, vector<1x64x40x12xf32>
    %swap3A_75 = vector.shape_cast %swap3A_74 : vector<1x64x40x12xf32> to vector<64x40x12xf32>
    %swap3A_76 = vector.shape_cast %max3A_69 : vector<64x40x12xf32> to vector<1x64x40x12xf32>
    tpu.vector_store %arg4[%swap3A_70, %swap3A_71, %swap3A_72, %swap3A_73], %swap3A_76 {strides = array<i32>} : memref<4x64x40x12xf32, #tpu.memory_space<vmem>>, vector<1x64x40x12xf32>,
    %slice3A_77 = vector.extract_strided_slice %max3A_21 {offsets = [0, 0, 192], sizes = [12, 40, 64], strides = [1, 1, 1]} : vector<12x40x256xf32> to vector<12x40x64xf32>
    %transpose3A_78 = tpu.transpose %slice3A_77, [2, 1, 0] : vector<12x40x64xf32> -> vector<64x40x12xf32>
    %get3A_79 = arith.constant 3 : index
    %get3A_80 = arith.constant 0 : index
    %get3A_81 = arith.constant 0 : index
    %get3A_82 = arith.constant 0 : index
    %get3A_83 = vector.load %arg3[%get3A_79, %get3A_80, %get3A_81, %get3A_82] : memref<4x64x40x12xf32, #tpu.memory_space<vmem>>, vector<1x64x40x12xf32>
    %get3A_84 = vector.shape_cast %get3A_83 : vector<1x64x40x12xf32> to vector<64x40x12xf32>
    %add3A_85 = arith.addf %transpose3A_78, %get3A_84 : vector<64x40x12xf32>
    %max3A_86 = arith.constant 0.000000e+00 : f32
    %max3A_87 = vector.broadcast %max3A_86 : f32 to vector<64x40x12xf32>
    %max3A_88 = arith.maximumf %add3A_85, %max3A_87 : vector<64x40x12xf32>
    %swap3A_89 = arith.constant 3 : index
    %swap3A_90 = arith.constant 0 : index
    %swap3A_91 = arith.constant 0 : index
    %swap3A_92 = arith.constant 0 : index
    %swap3A_93 = vector.load %arg4[%swap3A_89, %swap3A_90, %swap3A_91, %swap3A_92] : memref<4x64x40x12xf32, #tpu.memory_space<vmem>>, vector<1x64x40x12xf32>
    %swap3A_94 = vector.shape_cast %swap3A_93 : vector<1x64x40x12xf32> to vector<64x40x12xf32>
    %swap3A_95 = vector.shape_cast %max3A_88 : vector<64x40x12xf32> to vector<1x64x40x12xf32>
    tpu.vector_store %arg4[%swap3A_89, %swap3A_90, %swap3A_91, %swap3A_92], %swap3A_95 {strides = array<i32>} : memref<4x64x40x12xf32, #tpu.memory_space<vmem>>, vector<1x64x40x12xf32>,
    return
  }
  func.func @transform_0(%arg0: i32) -> (i32, i32, i32) {
    %c0_i32 = arith.constant 0 : i32
    %c0_i32_0 = arith.constant 0 : i32
    %c0_i32_1 = arith.constant 0 : i32
    return %c0_i32, %arg0, %c0_i32_0 : i32, i32, i32
  }
  func.func @transform_1(%arg0: i32) -> (i32, i32) {
    %c0_i32 = arith.constant 0 : i32
    %c0_i32_0 = arith.constant 0 : i32
    %c0_i32_1 = arith.constant 0 : i32
    return %c0_i32, %c0_i32_0 : i32, i32
  }
  func.func @transform_2(%arg0: i32) -> (i32, i32, i32, i32) {
    %c0_i32 = arith.constant 0 : i32
    %c0_i32_0 = arith.constant 0 : i32
    %c0_i32_1 = arith.constant 0 : i32
    %c0_i32_2 = arith.constant 0 : i32
    return %c0_i32, %c0_i32_0, %arg0, %c0_i32_1 : i32, i32, i32, i32
  }
  func.func @transform_3(%arg0: i32) -> (i32, i32, i32, i32) {
    %c0_i32 = arith.constant 0 : i32
    %c0_i32_0 = arith.constant 0 : i32
    %c0_i32_1 = arith.constant 0 : i32
    %c0_i32_2 = arith.constant 0 : i32
    return %c0_i32, %c0_i32_0, %arg0, %c0_i32_1 : i32, i32, i32, i32
  }
}

</mosaic_0001>

<sc_bundles>
// kernel: kernel.11.cloned.1.call-start
scs
__scs_entry_jumppad:
0x0: {  	(pc) =	sbr.rel $0x88, $3  }
0x1: {  	(tag) =	ssettag $0x0;
	lr =	simm.s32 $0x1  }
0x2: {  	[smem:$0x3F9C] =	sst lr;
	_ =	strace $0xD0000000  }
0x3: {  	_ = 	snop  }
0x4: {  	_ = 	snop  }
0x5: {  	_ = 	snop  }
0x6: {  	_ = 	snop  }
0x7: {  	_ = 	snop  }
__scs_overlays_trampoline_lowered:
0x8: {  	[smem:$0x3FAB] =	sst s0  }
0x9: {  	[smem:$0x3FAC] =	sst s1  }
0xa: {  	[smem:$0x3FAD] =	sst s2  }
0xb: {  	[smem:$0x3FAE] =	sst s3  }
0xc: {  	[smem:$0x3FAF] =	sst s4  }
0xd: {  	[smem:$0x3FB0] =	sst s5  }
0xe: {  	[smem:$0x3FB1] =	sst s6  }
0xf: {  	[smem:$0x3FB2] =	sst s7  }
0x10: {  	[smem:$0x3FB3] =	sst s8  }
0x11: {  	[smem:$0x3FB4] =	sst s9;
	s0 =	simm.s32 @!p0 $0x0  }
0x12: {  	s1 =	sld [smem:$0x3F9A];
	s0 =	simm.s32 @p0 $0x1  }
0x13: {  	[smem:$0x3FB5] =	sst s0;
	s0 =	simm.s32 @!p1 $0x0  }
0x14: {  	s2 =	sld [smem:$0x3F99];
	s0 =	simm.s32 @p1 $0x1  }
0x15: {  	[smem:$0x3FB6] =	sst s0;
	s0 =	simm.s32 @!p2 $0x0  }
0x16: {  	s3 =	sld [smem:$0x3FDB];
	s0 =	simm.s32 @p2 $0x1  }
0x17: {  	s4 =	simm.s32 $0x1BF5;
	[smem:$0x3FB8] =	sst s0  }
0x18: {  	s0 =	sld [smem:$0x3F9B];
	_ =	swait.ge [sflag:s4], $0x0  }
0x19: {  	s7 =	sld [smem:$0x3F9C]  }
0x1a: {  	s8 =	sadd.s32 $0xFFFFE003, lr  }
0x1b: {  	s9 =	sadd.s32 $0xFFFFFEF7, lr;
	s5 =	simm.s32 $0xFFFFFFFF;
	p2 =	slt.u32 s8, $0xFFFFF086  }
0x1c: {  	p1 =	slt.u32 s9, $0xF7A;
	s5 =	simm.s32 @!p2 $0x0  }
0x1d: {  	s5 =	simm.s32 @p1 $0x1;
	p0 =	seq.s32 s7, s2  }
0x1e: {  	s7 =	smul.u32 @!p0 $0xF7A, s2;
	p2 =	seq.s32 @!p0 s5, $0x0  }
0x1f: {  	s9 =	smul.u32 $0xF7A, s1;
	s8 =	simm.s32 @!p0 $0x1BF5;
	p2 =	por !p2, p0  }
0x20: {  	[sflag:s8] =	ssyncset.s32 @!p0 $0xFFFFF086;
	s6 =	sadd.s32 @!p0 s3, s7;
	s7 =	simm.s32 @!p0 $0x108  }
0x21: {  	s3 =	sadd.s32 s3, s9;
	s6 =	sadd.s32 @!p0 $0x88, s6;
	s7 =	simm.s32 @p2 $0x1082  }
0x22: {  	[simem:s7], [sflag:s8] =	dma.local @!p0 [hbm:s6], $0xF7A  }
0x23: {  	s9 =	sor.u32 $0xD0000000, s2;
	s6 =	simm.s32 $0x108;
	_ =	swait.ge @!p0 [sflag:s8], $0x0  }
0x24: {  	s3 =	sadd.s32 $0x88, s3;
	s6 =	simm.s32 @!p1 $0x1082;
	[sflag:s4] =	ssyncset.s32 $0xFFFFF086  }
0x25: {  	[simem:s6], [sflag:s4] =	dma.local [hbm:s3], $0xF7A  }
0x26: {  	[smem:$0x3F9C] =	sst s1;
	(tag) =	ssettag s2;
	_ =	strace s9  }
0x27: {  	s1 =	sld [smem:$0x3FAC]  }
0x28: {  	s2 =	sld [smem:$0x3FAD]  }
0x29: {  	s4 =	sld [smem:$0x3FAF]  }
0x2a: {  	p0 =	seq.s32 s5, $0x0;
	s5 =	sld [smem:$0x3FB0]  }
0x2b: {  	s6 =	sld [smem:$0x3FB1]  }
0x2c: {  	s7 =	sld [smem:$0x3FB2]  }
0x2d: {  	s3 =	simm.s32 $0x108;
	s8 =	sld [smem:$0x3FB3]  }
0x2e: {  	s3 =	simm.s32 @!p0 $0x1082;
	s9 =	sld [smem:$0x3FB4]  }
0x2f: {  	lr =	sadd.s32 s0, s3;
	s0 =	sld [smem:$0x3FAB]  }
0x30: {  	s3 =	sld [smem:$0x3FAE]  }
0x31: {  	[smem:$0x3FB7] =	sst s10  }
0x32: {  	s10 =	sld [smem:$0x3FB5];
	_ =	sdelay $0x3  }
0x33: {  	p0 =	seq.s32 s10, $0x1;
	s10 =	sld [smem:$0x3FB7];
	_ =	sdelay $0x3  }
0x34: {  	[smem:$0x3FB7] =	sst s10  }
0x35: {  	s10 =	sld [smem:$0x3FB6];
	_ =	sdelay $0x3  }
0x36: {  	p1 =	seq.s32 s10, $0x1;
	s10 =	sld [smem:$0x3FB7];
	_ =	sdelay $0x3  }
0x37: {  	[smem:$0x3FB7] =	sst s10  }
0x38: {  	s10 =	sld [smem:$0x3FB8]  }
0x39: {  	_ = 	snop;
	(pc) =	sbr.ind lr, $3  }
0x3a: {  	_ = 	snop  }
0x3b: {  	_ = 	snop  }
0x3c: {  	p2 =	seq.s32 s10, $0x1;
	s10 =	sld [smem:$0x3FB7]  }
0x3d: {  	_ =	shalt  }
0x3e: {  	_ =	shalt  }
0x3f: {  	_ =	shalt  }
0x40: {  	_ =	shalt  }
0x41: {  	_ =	shalt  }
0x42: {  	_ =	shalt  }
0x43: {  	_ =	shalt  }
0x44: {  	_ =	shalt  }
0x45: {  	_ =	shalt  }
0x46: {  	_ =	shalt  }
0x47: {  	_ =	shalt  }
0x48: {  	_ =	shalt  }
0x49: {  	_ =	shalt  }
0x4a: {  	_ =	shalt  }
0x4b: {  	_ =	shalt  }
0x4c: {  	_ =	shalt  }
0x4d: {  	_ =	shalt  }
0x4e: {  	_ =	shalt  }
0x4f: {  	_ =	shalt  }
0x50: {  	_ =	shalt  }
0x51: {  	_ =	shalt  }
0x52: {  	_ =	shalt  }
0x53: {  	_ =	shalt  }
0x54: {  	_ =	shalt  }
0x55: {  	_ =	shalt  }
0x56: {  	_ =	shalt  }
0x57: {  	_ =	shalt  }
0x58: {  	_ =	shalt  }
0x59: {  	_ =	shalt  }
0x5a: {  	_ =	shalt  }
0x5b: {  	_ =	shalt  }
0x5c: {  	_ =	shalt  }
0x5d: {  	_ =	shalt  }
0x5e: {  	_ =	shalt  }
0x5f: {  	_ =	shalt  }
0x60: {  	_ =	shalt  }
0x61: {  	_ =	shalt  }
0x62: {  	_ =	shalt  }
0x63: {  	_ =	shalt  }
0x64: {  	_ =	shalt  }
0x65: {  	_ =	shalt  }
0x66: {  	_ =	shalt  }
0x67: {  	_ =	shalt  }
0x68: {  	_ =	shalt  }
0x69: {  	_ =	shalt  }
0x6a: {  	_ =	shalt  }
0x6b: {  	_ =	shalt  }
0x6c: {  	_ =	shalt  }
0x6d: {  	_ =	shalt  }
0x6e: {  	_ =	shalt  }
0x6f: {  	_ =	shalt  }
0x70: {  	_ =	shalt  }
0x71: {  	_ =	shalt  }
0x72: {  	_ =	shalt  }
0x73: {  	_ =	shalt  }
0x74: {  	_ =	shalt  }
0x75: {  	_ =	shalt  }
0x76: {  	_ =	shalt  }
0x77: {  	_ =	shalt  }
0x78: {  	_ =	shalt  }
0x79: {  	_ =	shalt  }
0x7a: {  	_ =	shalt  }
0x7b: {  	_ =	shalt  }
0x7c: {  	_ =	shalt  }
0x7d: {  	_ =	shalt  }
0x7e: {  	_ =	shalt  }
0x7f: {  	_ =	shalt  }
0x80: {  	_ =	shalt  }
0x81: {  	_ =	shalt  }
0x82: {  	_ =	shalt  }
0x83: {  	_ =	shalt  }
0x84: {  	_ =	shalt  }
0x85: {  	_ =	shalt  }
0x86: {  	_ =	shalt  }
0x87: {  	_ =	shalt  }
.Lfunc_end0:
.L_simem_size_0:
called_computation.1_lowered:
.L_overlay_start_0:
0x88: {  	s2 =	sld [smem:$0x3FD9]  }
0x89: {  	s3 =	sld [smem:$0x3FFE];
	_ =	sdelay $0x1  }
0x8a: {  	s1 =	srdreg.scid  }
0x8b: {  	s0 =	sand.u32 $0x1, s1  }
0x8c: {  	s17 =	sshll.u32 s0, $0xA;
	s2 =	sadd.s32 s3, s2  }
0x8d: {  	s2 =	sadd.s32 s2, s17  }
0x8e: {  	[smem:$0x3FC3] =	sst s2  }
0x8f: {  	_ = 	snop  }
0x90: {  	s2 =	sld [smem:$0x3FC7]  }
0x91: {  	s18 =	sld [smem:$0x3FD0];
	(tm) =	ssettm $0x1  }
0x92: {  	s4 =	sld [smem:$0x3FFB];
	_ =	sdelay $0x3  }
0x93: {  	_ =	strace s4  }
0x94: {  	s4 =	sld [smem:$0x3FFC];
	_ =	sdelay $0x3  }
0x95: {  	_ =	strace s4  }
0x96: {  	s4 =	sld [smem:$0x3FFD];
	_ =	sdelay $0x3  }
0x97: {  	_ =	strace s4  }
0x98: {  	_ =	strace $0x8FFFFFFF  }
0x99: {  	s19 =	sld [smem:$0x3FDB];
	_ =	sdelay $0x1  }
0x9a: {  	s5 =	simm.s32 $_scs_section_size  }
0x9b: {  	s6 =	simm.s32 $_size__tile_overlayer_lowered;
	s7 =	simm.s32 $_tile_overlayer_lowered  }
0x9c: {  	s22 =	simm.s32 $0x1BFF;
	s21 =	sshll.u32 s7, $0x1;
	s4 =	sadd.s32 s5, s19  }
0x9d: {  	s8 =	simm.s32 $0x0;
	s20 =	sshll.u32 s6, $0x1;
	s6 =	sadd.s32 s21, s4  }
0x9e: {  	[timem:s8], [sflag:s22] =	dma.local [hbm:s6], s20  }
0x9f: {  	_ =	swait.ge [sflag:s22], s20  }
0xa0: {  	s5 =	ssub.s32 $0x0, s20;
	[sflag:s22] =	ssyncset.done $0x0  }
0xa1: {  	[sflag:s22] =	ssyncadd.s32 s5;
	_ =	sdelay $0x1  }
0xa2: {  	s23 =	simm.s32 $0x1B8B  }
0xa3: {  	_ =	swait.ge [sflag:s23], $0x1  }
0xa4: {  	[sflag:s23] =	ssyncset.done $0x0  }
0xa5: {  	s25 =	simm.s32 $0x1B8E;
	s24 =	sld [smem:$0x3FFE];
	[sflag:s23] =	ssyncadd.s32 $0xFFFFFFFF  }
0xa6: {  	s26 =	simm.s32 $execute0_lowered;
	[smem:$0x3FD2] =	sst s25  }
0xa7: {  	s6 =	sshll.u32 s26, $0x1;
	_ =	strace $0x80000049;
	[dreg:$0x1] =	wrdreg $0xFFFFFFFF  }
0xa8: {  	s28 =	simm.s32 $_size_execute0_lowered;
	s4 =	sadd.s32 s4, s6;
	[dreg:$0x0] =	wrdreg $0x0  }
0xa9: {  	s6 =	sshll.u32 s28, $0x1;
	[dreg:$0x2] =	wrdreg s4  }
0xaa: {  	[dreg:$0x3] =	wrdreg s6  }
0xab: {  	[dreg:$0x4] =	wrdreg $0xC0  }
0xac: {  	_ =	task [dreg:s8], $0x5FFFF  }
0xad: {  	[dreg:$0x1] =	wrdreg $0xFFFFFFFF  }
0xae: {  	[dreg:$0x0] =	wrdreg $0x60  }
0xaf: {  	[dreg:$0x2] =	wrdreg s24  }
0xb0: {  	[dreg:$0x3] =	wrdreg s18  }
0xb1: {  	[dreg:$0x4] =	wrdreg s2  }
0xb2: {  	[dreg:$0x5] =	wrdreg $0x9  }
0xb3: {  	_ =	task.clear_ibuf [dreg:s8], $0x6FFFF;
	_ =	strace $0x90000049  }
0xb4: {  	s29 =	simm.s32 $0x9;
	_ =	strace $0x8000004B  }
0xb5: {  	_ =	swait.ge [sflag:s29], $0x1  }
0xb6: {  	[sflag:s29] =	ssyncadd.s32 $0xFFFFFFFF  }
0xb7: {  	_ =	strace $0x9000004B  }
0xb8: {  	_ =	sfence  }
0xb9: {  	s30 =	sld [smem:$0x0];
	_ =	sdelay $0x2  }
0xba: {  	s31 =	sshll.u32 s1, $0xD;
	s1 =	sshrl.u32 s1, $0x2  }
0xbb: {  	s3 =	sand.u32 $0x4000, s31;
	s1 =	sadd.s32 s1, s30  }
0xbc: {  	s0 =	sor.u32 s3, s0;
	s1 =	sshll.u32 s1, $0x11  }
0xbd: {  	s0 =	sor.u32 s1, s0  }
0xbe: {  	s0 =	sadd.s32 $0x8F2B, s0  }
0xbf: {  	[sflag:s0] =	ssyncadd.remote.s32 $0x1  }
0xc0: {  	_ =	sfence.sel $0xFFFF  }
0xc1: {  	[dreg:$0x0] =	wrdreg $0xFFFFFFFF;
	(pc) =	sbr.abs _section_cstart, $3  }
0xc2: {  	[dreg:$0x1] =	wrdreg $0xFFFFFFFF  }
0xc3: {  	_ =	task.clear_ibuf [dreg:s8], $0x2FFFF;
	_ =	strace $0x9FFFFFFF  }
0xc4: {  	(tm) =	ssettm $0x7FFFFFFF  }
0xc5: {  	_ =	shalt  }
tec
execute0_lowered:
.L_overlay_start_1:
0x0: {  	(tag) =	ssettag $0x1  }
0x1: {  	s0 =	rddreg [dreg:$0x0];
	s1 =	srdreg.scid  }
0x2: {  	s7 =	stileid.u32;
	s4 =	simm.s32 $0x0;
	s12 =	simm.s32 $0x17180  }
0x3: {  	s13 =	simm.s32 $0x2;
	s16 =	simm.s32 $0x15000;
	s17 =	simm.s32 $0x1  }
0x4: {  	s18 =	simm.s32 $0x19980;
	s19 =	simm.s32 $0x1A180;
	s20 =	simm.s32 $0x1A980  }
0x5: {  	s21 =	simm.s32 $0x1B180;
	s22 =	simm.s32 $0x1B980;
	s23 =	simm.s32 $0x1C180  }
0x6: {  	v2 =	vimm.f32 $0.0e+00;
	s24 =	simm.s32 $0x1C980;
	s25 =	simm.s32 $0x1D180;
	s26 =	simm.s32 $0x16900  }
0x7: {  	v3 =	vlaneseq.u32;
	v4 =	vimm.s32 $0x0;
	vm0 =	vmmov $0xffff;
	s28 =	simm.s32 $0x16080;
	s1 =	sand.u32 $0x1, s1;
	s2 =	sshll.u32 s7, $0x1  }
0x8: {  	[smem:$0x7FF] =	sst s4;
	s6 =	sadd.s32 $0xC00, s0;
	s7 =	smul.u32 $0x280, s7;
	v5 =	vand.u32 $0x7, v3;
	v6 =	vshrl.u32 v3, $0x3;
	v7 =	vor.u32 $0x8, v3  }
0x9: {  	s8 =	sadd.s32 $0x3400, s0;
	v8 =	vor.u32 $0x10, v3;
	v9 =	vor.u32 $0x20, v3;
	v10 =	vor.u32 $0x30, v3;
	s2 =	sor.u32 s1, s2;
	_ =	strace $0x8000004A  }
0xa: {  	v11 =	vor.u32 $0x40, v3;
	v12 =	vor.u32 $0x50, v3;
	v13 =	vor.u32 $0x60, v3;
	s30 =	ssub.s32 $0x2, s1;
	[dreg:$0x5] =	wrdreg s8;
	s8 =	sadd.s32 $0x2713A00, s0  }
0xb: {  	v14 =	vor.u32 $0x70, v3;
	v15 =	vor.u32 $0x400, v3;
	v16 =	vor.u32 $0x410, v3;
	s0 =	sadd.s32 $0x2AD3A00, s0;
	s5 =	smul.u32 $0x140, s2;
	s3 =	sshrl.u32 s30, $0x1  }
0xc: {  	v17 =	vor.u32 $0x420, v3;
	v18 =	vor.u32 $0x430, v3;
	v19 =	vor.u32 $0x440, v3;
	s1 =	smul.u32 $0x140, s1;
	[dreg:$0x6] =	wrdreg s0;
	s2 =	ssub.s32 s30, s3  }
0xd: {  	v20 =	vor.u32 $0x450, v3;
	v21 =	vor.u32 $0x460, v3;
	v0 =	vmov s5;
	[dreg:$0x4] =	wrdreg s5;
	s5 =	sadd.s32 $0x140, s5;
	s31 =	smax.u32 s2, $0x1  }
0xe: {  	v22 =	vor.u32 $0x470, v3;
	v6 =	vmul.u32 $0x8, v6;
	s11 =	sadd.s32 s1, s7;
	s1 =	simm.s32 $0x0;
	v1 =	vmov s5;
	[dreg:$0x7] =	wrdreg s31  }
.LBB2_1:
0xf: {  	[dreg:$0x8] =	wrdreg s1  }
0x10: {  	s0 =	rddreg [dreg:$0x5]  }
0x11: {  	[tilespmem:s12], [sflag:$0x2] =	stream.linear.gather [hbm4b:s0+s4], $0x2800, $0x38;
	[tilespmem:$0x1DA00] =	vst v63  }
0x12: {  	_ =	swait.ge [sflag:s13], $0x2800  }
0x13: {  	[sflag:s13] =	ssyncset.done $0x0  }
0x14: {  	s7 =	simm.s32 $0x0;
	[sflag:s13] =	ssyncadd.s32 $0xFFFFD800  }
.LBB2_2:
0x15: {  	s0 =	simm.s32 $0x0  }
0x16: {  	s1 =	sand.u32 $0x1F800, s0;
	s0 =	sand.u32 $0x380, s0  }
0x17: {  	s0 =	sor.u32 s0, s1  }
0x18: {  	[tilespmem:s0+$0x470] =	vst v2  }
0x19: {  	[tilespmem:s0+$0x0] =	vst v2  }
0x1a: {  	[tilespmem:s0+$0x10] =	vst v2  }
0x1b: {  	[tilespmem:s0+$0x20] =	vst v2  }
0x1c: {  	[tilespmem:s0+$0x30] =	vst v2  }
0x1d: {  	[tilespmem:s0+$0x40] =	vst v2  }
0x1e: {  	[tilespmem:s0+$0x50] =	vst v2  }
0x1f: {  	[tilespmem:s0+$0x60] =	vst v2  }
0x20: {  	[tilespmem:s0+$0x70] =	vst v2  }
0x21: {  	[tilespmem:s0+$0x400] =	vst v2  }
0x22: {  	[tilespmem:s0+$0x410] =	vst v2  }
0x23: {  	[tilespmem:s0+$0x420] =	vst v2  }
0x24: {  	[tilespmem:s0+$0x430] =	vst v2  }
0x25: {  	s2 =	simm.s32 $0x100;
	s1 =	simm.s32 $0x80;
	[tilespmem:s0+$0x440] =	vst v2  }
0x26: {  	s3 =	sand.u32 $0x1F800, s2;
	s2 =	simm.s32 $0x200;
	s5 =	sand.u32 $0x380, s1;
	[tilespmem:s0+$0x450] =	vst v2  }
.LBB2_3:
0x27: {  	p0 =	seq.s32 s2, $0x13F00;
	[tilespmem:s0+$0x460] =	vst v2;
	s0 =	sor.u32 s5, s3  }
0x28: {  	[tilespmem:s0+$0x470] =	vst v2  }
0x29: {  	[tilespmem:s0+$0x0] =	vst v2  }
0x2a: {  	[tilespmem:s0+$0x10] =	vst v2  }
0x2b: {  	[tilespmem:s0+$0x20] =	vst v2  }
0x2c: {  	[tilespmem:s0+$0x30] =	vst v2  }
0x2d: {  	[tilespmem:s0+$0x40] =	vst v2  }
0x2e: {  	[tilespmem:s0+$0x50] =	vst v2  }
0x2f: {  	[tilespmem:s0+$0x60] =	vst v2  }
0x30: {  	[tilespmem:s0+$0x70] =	vst v2  }
0x31: {  	[tilespmem:s0+$0x400] =	vst v2  }
.Ltmp0:
0x32: {  	[tilespmem:s0+$0x410] =	vst v2;
	(pc) =	sbr.rel @!p0 .LBB2_3-.Ltmp0, $4  }
0x33: {  	[tilespmem:s0+$0x420] =	vst v2  }
0x34: {  	[tilespmem:s0+$0x430] =	vst v2  }
0x35: {  	s1 =	sadd.s32 $0x80, s1;
	[tilespmem:s0+$0x440] =	vst v2  }
0x36: {  	s3 =	sand.u32 $0x1F800, s2;
	s2 =	sadd.s32 $0x100, s2;
	s5 =	sand.u32 $0x380, s1;
	[tilespmem:s0+$0x450] =	vst v2  }
0x37: {  	s1 =	sor.u32 s5, s3;
	[tilespmem:s0+$0x460] =	vst v2  }
0x38: {  	[tilespmem:s1+$0x470] =	vst v2  }
0x39: {  	[tilespmem:s1+$0x0] =	vst v2  }
0x3a: {  	[tilespmem:s1+$0x10] =	vst v2  }
0x3b: {  	[tilespmem:s1+$0x20] =	vst v2  }
0x3c: {  	[tilespmem:s1+$0x30] =	vst v2  }
0x3d: {  	[tilespmem:s1+$0x40] =	vst v2  }
0x3e: {  	[tilespmem:s1+$0x50] =	vst v2  }
0x3f: {  	[tilespmem:s1+$0x60] =	vst v2  }
0x40: {  	[tilespmem:s1+$0x70] =	vst v2  }
0x41: {  	[tilespmem:s1+$0x400] =	vst v2  }
0x42: {  	[tilespmem:s1+$0x410] =	vst v2  }
.Ltmp1:
0x43: {  	[tilespmem:s1+$0x420] =	vst v2;
	(pc) =	sbr.rel .LBB2_5-.Ltmp1, $4  }
0x44: {  	[tilespmem:s1+$0x430] =	vst v2  }
0x45: {  	s31 =	smul.u32 $0x2800, s7;
	[tilespmem:s1+$0x440] =	vst v2  }
0x46: {  	[dreg:$0x9] =	wrdreg s7;
	[tilespmem:s1+$0x450] =	vst v2  }
0x47: {  	s0 =	simm.s32 $0x0;
	[tilespmem:s1+$0x460] =	vst v2;
	s1 =	simm.s32 $0x0;
	[dreg:$0xa] =	wrdreg s31;
	v23 =	vmov s31  }
.LBB2_11:
0x48: {  	s0 =	sadd.s32 $0x1, s0  }
0x49: {  	p0 =	sne.s32 s0, $0x28  }
.Ltmp2:
0x4a: {  	_ = 	snop;
	(pc) =	sbr.rel @!p0 .LBB2_12-.Ltmp2, $1  }
0x4b: {  	_ =	sdelay $0x3  }
.LBB2_5:
0x4c: {  	s2 =	smul.u32 $0xFA, s0  }
0x4d: {  	s3 =	rddreg [dreg:$0x1]  }
0x4e: {  	s5 =	simm.s32 $0x14000;
	s3 =	sadd.s32 s3, s2  }
0x4f: {  	[tilespmem:s5], [sflag:$0x2] =	stream.linear.gather [hbm4b:s3+s1], $0x7D0, $0x38;
	[tilespmem:$0x1DA00] =	vst v63  }
0x50: {  	_ =	swait.ge [sflag:s13], $0x7D0  }
0x51: {  	[sflag:s13] =	ssyncset.done $0x0  }
0x52: {  	s15 =	simm.s32 $0x14800;
	s14 =	sadd.s32 s6, s2;
	[sflag:s13] =	ssyncadd.s32 $0xFFFFF830  }
0x53: {  	[tilespmem:s15], [sflag:$0x2] =	stream.linear.gather [hbm4b:s14+s1], $0x7D0, $0x38;
	[tilespmem:$0x1DA00] =	vst v63  }
0x54: {  	_ =	swait.ge [sflag:s13], $0x7D0  }
0x55: {  	[sflag:s13] =	ssyncset.done $0x0  }
0x56: {  	[sflag:s13] =	ssyncadd.s32 $0xFFFFF830  }
0x57: {  	s29 =	rddreg [dreg:$0x2]  }
0x58: {  	s2 =	sadd.s32 s29, s2  }
0x59: {  	[tilespmem:s16], [sflag:$0x2] =	stream.linear.gather [hbm4b:s2+s1], $0x7D0, $0x38;
	[tilespmem:$0x1DA00] =	vst v63  }
0x5a: {  	_ =	swait.ge [sflag:s13], $0x7D0  }
0x5b: {  	[sflag:s13] =	ssyncset.done $0x0  }
0x5c: {  	s30 =	simm.s32 $0x0;
	[sflag:s13] =	ssyncadd.s32 $0xFFFFF830  }
0x5d: {  	v24 =	vld [tilespmem:s30+$0x14800];
	_ =	sdelay $0x1  }
0x5e: {  	v25 =	vld [tilespmem:s30+$0x14000];
	_ =	sdelay $0x4  }
0x5f: {  	v27 =	vld [tilespmem:s30+$0x15000]  }
0x60: {  	v26 =	vld.idx.msk [tilespmem:v24+s12+$0x0], $0xffff;
	_ =	sdelay $0x1  }
0x61: {  	v28 =	vld.idx.msk [tilespmem:v25+s12+$0x0], $0xffff;
	_ =	sdelay $0x2  }
0x62: {  	vm1 =	vge.s32 v25, v0;
	vm2 =	vlt.s32 v25, v1;
	v26 =	vmul.f32 v26, v27  }
0x63: {  	vm1 =	vmand vm1, vm2  }
0x64: {  	[tilespmem:s1+$0x15800] =	vst.msk vm1, v24;
	v24 =	vsub.s32 v25, v0;
	v25 =	vmul.f32 v28, v26;
	v26 =	vsel vm1, $0x1, v4  }
0x65: {  	(xrf0) =	vadd.scan.msk.s32 $0xffff, v26;
	_ =	sdelay $0x5  }
0x66: {  	v27, _, _ =	vpop (xrf0)  }
0x67: {  	(v2sf) =	vpush v27, $0xF  }
0x68: {  	[tilespmem:s1+$0x16080] =	vst.msk vm1, v24  }
0x69: {  	s31 =	simm.s32 $0x10;
	[tilespmem:s1+$0x16900] =	vst.msk vm1, v25  }
0x6a: {  	v24 =	vld [tilespmem:s31+$0x14800]  }
0x6b: {  	v25 =	vld [tilespmem:s31+$0x14000];
	_ =	sdelay $0x4  }
0x6c: {  	vm1 =	vge.s32 v25, v0;
	vm2 =	vlt.s32 v25, v1  }
0x6d: {  	vm1 =	vmand vm1, vm2  }
0x6e: {  	v28 =	vld [tilespmem:s31+$0x15000];
	v29 =	vsel vm1, $0x1, v4  }
0x6f: {  	v26 =	vld.idx.msk [tilespmem:v24+s12+$0x0], $0xffff;
	(xrf0) =	vadd.scan.msk.s32 $0xffff, v29  }
0x70: {  	s3 =	simm.s32 $0x80;
	s2 =	simm.s32 $0x0;
	v27 =	vld.idx.msk [tilespmem:v25+s12+$0x0], $0xffff  }
.LBB2_6:
0x71: {  	p0 =	seq.s32 s3, $0x1F00  }
0x72: {  	s7 =	smov.u32 s3;
	s3 =	sadd.s32 $0x40, s3;
	s5 =	spop (v2sf)  }
0x73: {  	s2 =	sadd.s32 s2, s5  }
0x74: {  	v25 =	vsub.s32 v25, v0;
	v26 =	vmul.f32 v26, v28;
	[tilespmem:s2+$0x15800] =	vst.msk vm1, v24  }
0x75: {  	[tilespmem:s2+$0x16080] =	vst.msk vm1, v25;
	v24, _, _ =	vpop (xrf0)  }
0x76: {  	v25 =	vmul.f32 v27, v26;
	(v2sf) =	vpush v24, $0xF;
	_ =	sdelay $0x1  }
0x77: {  	s5 =	sshra.s32 s7, $0x2;
	[tilespmem:s2+$0x16900] =	vst.msk vm1, v25  }
0x78: {  	v24 =	vld [tilespmem:s5+$0x14800]  }
0x79: {  	v25 =	vld [tilespmem:s5+$0x14000];
	_ =	sdelay $0x4  }
.Ltmp3:
0x7a: {  	vm1 =	vge.s32 v25, v0;
	vm2 =	vlt.s32 v25, v1;
	(pc) =	sbr.rel @!p0 .LBB2_6-.Ltmp3, $4  }
0x7b: {  	vm1 =	vmand vm1, vm2  }
0x7c: {  	v26 =	vld.idx.msk [tilespmem:v24+s12+$0x0], $0xffff;
	v27 =	vsel vm1, $0x1, v4  }
0x7d: {  	v28 =	vld [tilespmem:s5+$0x15000];
	(xrf0) =	vadd.scan.msk.s32 $0xffff, v27  }
0x7e: {  	v27 =	vld.idx.msk [tilespmem:v25+s12+$0x0], $0xffff  }
0x7f: {  	_ =	sdelay $0x3  }
0x80: {  	v29, _, _ =	vpop (xrf0)  }
0x81: {  	(v2sf) =	vpush v29, $0xF;
	_ =	sdelay $0xb  }
0x82: {  	s3 =	spop (v2sf);
	v26 =	vmul.f32 v26, v28  }
0x83: {  	s2 =	sadd.s32 s2, s3  }
0x84: {  	v62 =	vsub.s32 v25, v0;
	[tilespmem:s2+$0x15800] =	vst.msk vm1, v24;
	v63 =	vmul.f32 v27, v26  }
0x85: {  	[tilespmem:s2+$0x16080] =	vst.msk vm1, v62;
	s30 =	spop (v2sf)  }
0x86: {  	[tilespmem:s2+$0x16900] =	vst.msk vm1, v63;
	s2 =	sadd.s32 s2, s30  }
0x87: {  	s3 =	sadd.s32 $0x3F, s2  }
0x88: {  	[tilespmem:s2+$0x15800] =	vst v4;
	s5 =	sand.u32 $0x3F, s3  }
0x89: {  	[tilespmem:s2+$0x16080] =	vst v4;
	s7 =	sshra.s32 s3, $0x1F;
	p0 =	slt.s32 s3, $0x1;
	p1 =	sne.s32 s5, $0x0  }
0x8a: {  	[tilespmem:s2+$0x16900] =	vst v2;
	s31 =	sshrl.u32 s7, $0x1A;
	p0 =	por !p0, !p1  }
0x8b: {  	[tilespmem:s2+$0x15810] =	vst v4;
	s5 =	simm.s32 $0x1;
	s3 =	sadd.s32 s31, s3;
	p0 =	por !p0, !p0  }
0x8c: {  	[tilespmem:s2+$0x16090] =	vst v4;
	s3 =	sshra.s32 s3, $0x6;
	s5 =	simm.s32 @!p0 $0x0  }
0x8d: {  	[tilespmem:s2+$0x16910] =	vst v2;
	s7 =	ssub.s32 s3, s5  }
0x8e: {  	[tilespmem:s2+$0x15820] =	vst v4;
	p0 =	sgt.s32 s7, $0x0  }
.Ltmp4:
0x8f: {  	[tilespmem:s2+$0x160A0] =	vst v4;
	(pc) =	sbr.rel @!p0 .LBB2_11-.Ltmp4, $4  }
0x90: {  	[tilespmem:s2+$0x16920] =	vst v2  }
0x91: {  	[tilespmem:s2+$0x15830] =	vst v4  }
0x92: {  	[tilespmem:s2+$0x160B0] =	vst v4  }
0x93: {  	s10 =	simm.s32 $0x0;
	s29 =	simm.s32 $0x0;
	[tilespmem:s2+$0x16930] =	vst v2;
	s5 =	simm.s32 $0x0  }
.LBB2_8:
0x94: {  	s2 =	sshll.u32 s5, $0x6  }
0x95: {  	v24 =	vld [tilespmem:s2+$0x15800];
	_ =	sdelay $0x4  }
0x96: {  	v25 =	vadd.s32 v23, v24  }
0x97: {  	[tilespmem:$0x1D980] =	vst v25  }
0x98: {  	v26 =	vld [tilespmem:s2+$0x15810];
	_ =	sdelay $0x4  }
0x99: {  	v26 =	vadd.s32 v23, v26  }
0x9a: {  	[tilespmem:$0x1D990] =	vst v26  }
0x9b: {  	v26 =	vld [tilespmem:s2+$0x15820];
	_ =	sdelay $0x3  }
0x9c: {  	v25 =	vshll.u32 v25, $0x1  }
0x9d: {  	v24 =	vand.u32 $0x7, v24;
	v25 =	vand.u32 $0xFFFFFFF0, v25;
	v26 =	vadd.s32 v23, v26  }
0x9e: {  	v24 =	vor.u32 v24, v25;
	[tilespmem:$0x1D9A0] =	vst v26  }
0x9f: {  	v26 =	vperm.xlane v24, v5;
	v25 =	vld [tilespmem:s2+$0x15830];
	_ =	sdelay $0x1  }
0xa0: {  	v24 =	vperm.xlane v24, v7;
	v26 =	vadd.s32 v6, v26;
	_ =	sdelay $0x1  }
0xa1: {  	v24 =	vadd.s32 v6, v24  }
0xa2: {  	v25 =	vadd.s32 v23, v25  }
0xa3: {  	[tilespmem:$0x1D9B0] =	vst v25  }
0xa4: {  	[tilespmem:s18], [sflag:$0x1] =	stream.indirect_vreg.gather [hbm4b:s8+s10], $0x80, v26, vm0, $0xb8;
	[tilespmem:$0x1DA00] =	vst v63  }
0xa5: {  	_ = 	snop  }
0xa6: {  	[tilespmem:s19], [sflag:$0x1] =	stream.indirect_vreg.gather [hbm4b:s8+s10], $0x80, v24, vm0, $0xb8;
	[tilespmem:$0x1DA00] =	vst v63  }
0xa7: {  	v24 =	vld [tilespmem:$0x1D990];
	_ =	sdelay $0x4  }
0xa8: {  	v25 =	vshll.u32 v24, $0x1  }
0xa9: {  	v24 =	vand.u32 $0x7, v24;
	v25 =	vand.u32 $0xFFFFFFF0, v25  }
0xaa: {  	v24 =	vor.u32 v24, v25  }
0xab: {  	v25 =	vperm.xlane v24, v5;
	_ =	sdelay $0x1  }
0xac: {  	v24 =	vperm.xlane v24, v7;
	v25 =	vadd.s32 v6, v25;
	_ =	sdelay $0x1  }
0xad: {  	v24 =	vadd.s32 v6, v24;
	_ =	sdelay $0x2  }
0xae: {  	[tilespmem:s20], [sflag:$0x1] =	stream.indirect_vreg.gather [hbm4b:s8+s10], $0x80, v25, vm0, $0xb8;
	[tilespmem:$0x1DA00] =	vst v63  }
0xaf: {  	_ = 	snop  }
0xb0: {  	[tilespmem:s21], [sflag:$0x1] =	stream.indirect_vreg.gather [hbm4b:s8+s10], $0x80, v24, vm0, $0xb8;
	[tilespmem:$0x1DA00] =	vst v63  }
0xb1: {  	v24 =	vld [tilespmem:$0x1D9A0];
	_ =	sdelay $0x4  }
0xb2: {  	v25 =	vshll.u32 v24, $0x1  }
0xb3: {  	v24 =	vand.u32 $0x7, v24;
	v25 =	vand.u32 $0xFFFFFFF0, v25  }
0xb4: {  	v24 =	vor.u32 v24, v25  }
0xb5: {  	v25 =	vperm.xlane v24, v5;
	_ =	sdelay $0x1  }
0xb6: {  	v24 =	vperm.xlane v24, v7;
	v25 =	vadd.s32 v6, v25;
	_ =	sdelay $0x1  }
0xb7: {  	v24 =	vadd.s32 v6, v24;
	_ =	sdelay $0x2  }
0xb8: {  	[tilespmem:s22], [sflag:$0x1] =	stream.indirect_vreg.gather [hbm4b:s8+s10], $0x80, v25, vm0, $0xb8;
	[tilespmem:$0x1DA00] =	vst v63  }
0xb9: {  	_ = 	snop  }
0xba: {  	[tilespmem:s23], [sflag:$0x1] =	stream.indirect_vreg.gather [hbm4b:s8+s10], $0x80, v24, vm0, $0xb8;
	[tilespmem:$0x1DA00] =	vst v63  }
0xbb: {  	v24 =	vld [tilespmem:$0x1D9B0];
	_ =	sdelay $0x4  }
0xbc: {  	v25 =	vshll.u32 v24, $0x1  }
0xbd: {  	v24 =	vand.u32 $0x7, v24;
	v25 =	vand.u32 $0xFFFFFFF0, v25  }
0xbe: {  	v24 =	vor.u32 v24, v25  }
0xbf: {  	v25 =	vperm.xlane v24, v5;
	_ =	sdelay $0x1  }
0xc0: {  	v24 =	vperm.xlane v24, v7;
	v25 =	vadd.s32 v6, v25;
	_ =	sdelay $0x1  }
0xc1: {  	v24 =	vadd.s32 v6, v24;
	_ =	sdelay $0x2  }
0xc2: {  	[tilespmem:s24], [sflag:$0x1] =	stream.indirect_vreg.gather [hbm4b:s8+s10], $0x80, v25, vm0, $0xb8;
	[tilespmem:$0x1DA00] =	vst v63  }
0xc3: {  	v25 =	vmov s29  }
0xc4: {  	[tilespmem:s25], [sflag:$0x1] =	stream.indirect_vreg.gather [hbm4b:s8+s10], $0x80, v24, vm0, $0xb8;
	[tilespmem:$0x1DA00] =	vst v63  }
0xc5: {  	_ =	swait.ge [sflag:s17], $0x4000  }
0xc6: {  	[sflag:s17] =	ssyncset.done $0x0  }
0xc7: {  	[sflag:s17] =	ssyncadd.s32 $0xFFFFC000  }
0xc8: {  	v24 =	vld.idx.msk [tilespmem:v25+s28+$0x0], $0xffff;
	_ =	sdelay $0x3  }
0xc9: {  	s15 =	sand.u32 $0x3800, s10;
	s3 =	sand.u32 $0x380, s10  }
0xca: {  	s2 =	sor.u32 s3, s15;
	v27 =	vld.idx.msk [tilespmem:v25+s26+$0x0], $0xffff;
	v25 =	vshll.u32 v24, $0x8;
	v24 =	vshll.u32 v24, $0x7  }
0xcb: {  	v26 =	vld [tilespmem:s2+$0x19980];
	v25 =	vand.u32 $0xFFFFF800, v25;
	v24 =	vand.u32 $0x380, v24  }
0xcc: {  	v24 =	vor.u32 v24, v25  }
0xcd: {  	v25 =	vor.u32 v3, v24;
	_ =	sdelay $0x2  }
0xce: {  	v26 =	vmul.f32 v26, v27;
	_ =	sdelay $0x1  }
0xcf: {  	s2 =	sadd.s32 $0x19980, s2;
	[tilespmem:v25+s4+$0x0] =	vst.idx.add.f32.msk $0xffff, v26  }
0xd0: {  	v25 =	vld [tilespmem:s2+$0x10];
	_ =	sdelay $0x1  }
0xd1: {  	v26 =	vor.u32 v8, v24;
	_ =	sdelay $0x2  }
0xd2: {  	v25 =	vmul.f32 v25, v27;
	_ =	sdelay $0x1  }
0xd3: {  	[tilespmem:v26+s4+$0x0] =	vst.idx.add.f32.msk $0xffff, v25  }
0xd4: {  	v25 =	vld [tilespmem:s2+$0x20];
	_ =	sdelay $0x1  }
0xd5: {  	v26 =	vor.u32 v9, v24;
	_ =	sdelay $0x2  }
0xd6: {  	v25 =	vmul.f32 v25, v27;
	_ =	sdelay $0x1  }
0xd7: {  	[tilespmem:v26+s4+$0x0] =	vst.idx.add.f32.msk $0xffff, v25  }
0xd8: {  	v25 =	vld [tilespmem:s2+$0x30];
	_ =	sdelay $0x1  }
0xd9: {  	v26 =	vor.u32 v10, v24;
	_ =	sdelay $0x2  }
0xda: {  	v25 =	vmul.f32 v25, v27;
	_ =	sdelay $0x1  }
0xdb: {  	[tilespmem:v26+s4+$0x0] =	vst.idx.add.f32.msk $0xffff, v25  }
0xdc: {  	v25 =	vld [tilespmem:s2+$0x40];
	_ =	sdelay $0x1  }
0xdd: {  	v26 =	vor.u32 v11, v24;
	_ =	sdelay $0x2  }
0xde: {  	v25 =	vmul.f32 v25, v27;
	_ =	sdelay $0x1  }
0xdf: {  	[tilespmem:v26+s4+$0x0] =	vst.idx.add.f32.msk $0xffff, v25  }
0xe0: {  	v25 =	vld [tilespmem:s2+$0x50];
	_ =	sdelay $0x1  }
0xe1: {  	v26 =	vor.u32 v12, v24;
	_ =	sdelay $0x2  }
0xe2: {  	v25 =	vmul.f32 v25, v27;
	_ =	sdelay $0x1  }
0xe3: {  	[tilespmem:v26+s4+$0x0] =	vst.idx.add.f32.msk $0xffff, v25  }
0xe4: {  	v25 =	vld [tilespmem:s2+$0x60];
	_ =	sdelay $0x1  }
0xe5: {  	v26 =	vor.u32 v13, v24;
	_ =	sdelay $0x2  }
0xe6: {  	v25 =	vmul.f32 v25, v27;
	_ =	sdelay $0x1  }
0xe7: {  	[tilespmem:v26+s4+$0x0] =	vst.idx.add.f32.msk $0xffff, v25  }
0xe8: {  	v25 =	vld [tilespmem:s2+$0x70];
	_ =	sdelay $0x1  }
0xe9: {  	v26 =	vor.u32 v14, v24;
	_ =	sdelay $0x2  }
0xea: {  	v25 =	vmul.f32 v25, v27;
	_ =	sdelay $0x1  }
0xeb: {  	[tilespmem:v26+s4+$0x0] =	vst.idx.add.f32.msk $0xffff, v25  }
0xec: {  	v25 =	vld [tilespmem:s2+$0x400];
	_ =	sdelay $0x1  }
0xed: {  	v26 =	vor.u32 v15, v24;
	_ =	sdelay $0x2  }
0xee: {  	v25 =	vmul.f32 v25, v27;
	_ =	sdelay $0x1  }
0xef: {  	[tilespmem:v26+s4+$0x0] =	vst.idx.add.f32.msk $0xffff, v25  }
0xf0: {  	v25 =	vld [tilespmem:s2+$0x410];
	_ =	sdelay $0x1  }
0xf1: {  	v26 =	vor.u32 v16, v24;
	_ =	sdelay $0x2  }
0xf2: {  	v25 =	vmul.f32 v25, v27;
	_ =	sdelay $0x1  }
0xf3: {  	[tilespmem:v26+s4+$0x0] =	vst.idx.add.f32.msk $0xffff, v25  }
0xf4: {  	v25 =	vld [tilespmem:s2+$0x420];
	_ =	sdelay $0x1  }
0xf5: {  	v26 =	vor.u32 v17, v24;
	_ =	sdelay $0x2  }
0xf6: {  	v25 =	vmul.f32 v25, v27;
	_ =	sdelay $0x1  }
0xf7: {  	[tilespmem:v26+s4+$0x0] =	vst.idx.add.f32.msk $0xffff, v25  }
0xf8: {  	v25 =	vld [tilespmem:s2+$0x430];
	_ =	sdelay $0x1  }
0xf9: {  	v26 =	vor.u32 v18, v24;
	_ =	sdelay $0x2  }
0xfa: {  	v25 =	vmul.f32 v25, v27;
	_ =	sdelay $0x1  }
0xfb: {  	[tilespmem:v26+s4+$0x0] =	vst.idx.add.f32.msk $0xffff, v25  }
0xfc: {  	v25 =	vld [tilespmem:s2+$0x440];
	_ =	sdelay $0x1  }
0xfd: {  	v26 =	vor.u32 v19, v24;
	_ =	sdelay $0x2  }
0xfe: {  	v25 =	vmul.f32 v25, v27;
	_ =	sdelay $0x1  }
0xff: {  	[tilespmem:v26+s4+$0x0] =	vst.idx.add.f32.msk $0xffff, v25  }
0x100: {  	v25 =	vld [tilespmem:s2+$0x450];
	_ =	sdelay $0x1  }
0x101: {  	v26 =	vor.u32 v20, v24;
	_ =	sdelay $0x2  }
0x102: {  	v25 =	vmul.f32 v25, v27;
	_ =	sdelay $0x1  }
0x103: {  	[tilespmem:v26+s4+$0x0] =	vst.idx.add.f32.msk $0xffff, v25  }
0x104: {  	v25 =	vld [tilespmem:s2+$0x460];
	_ =	sdelay $0x1  }
0x105: {  	v26 =	vor.u32 v21, v24;
	_ =	sdelay $0x2  }
0x106: {  	v25 =	vmul.f32 v25, v27;
	_ =	sdelay $0x1  }
0x107: {  	[tilespmem:v26+s4+$0x0] =	vst.idx.add.f32.msk $0xffff, v25  }
0x108: {  	v28 =	vld [tilespmem:s2+$0x470];
	_ =	sdelay $0x1  }
0x109: {  	s31 =	sadd.s32 $0x1, s29;
	v26 =	vor.u32 v22, v24  }
0x10a: {  	v25 =	vmov s31;
	_ =	sdelay $0x1  }
0x10b: {  	s9 =	simm.s32 $0x100;
	s30 =	simm.s32 $0x200;
	s2 =	simm.s32 $0x0;
	v24 =	vmul.f32 v28, v27  }
.LBB2_9:
0x10c: {  	p0 =	sne.s32 s30, $0x3F00  }
0x10d: {  	s2 =	sadd.s32 $0x80, s2;
	s3 =	smov.u32 s30;
	s30 =	sadd.s32 $0x100, s30;
	[tilespmem:v26+s4+$0x0] =	vst.idx.add.f32.msk $0xffff, v24  }
0x10e: {  	v26 =	vld.idx.msk [tilespmem:v25+s28+$0x0], $0xffff;
	_ =	sdelay $0x4  }
0x10f: {  	s14 =	sand.u32 $0x3800, s9;
	s15 =	sand.u32 $0x380, s2;
	s9 =	smov.u32 s3  }
0x110: {  	s3 =	sor.u32 s15, s14;
	v24 =	vld.idx.msk [tilespmem:v25+s26+$0x0], $0xffff;
	v25 =	vshll.u32 v26, $0x8;
	v26 =	vshll.u32 v26, $0x7  }
0x111: {  	v27 =	vld [tilespmem:s3+$0x19980];
	v25 =	vand.u32 $0xFFFFF800, v25;
	v26 =	vand.u32 $0x380, v26  }
0x112: {  	v25 =	vor.u32 v26, v25  }
0x113: {  	v26 =	vor.u32 v3, v25;
	_ =	sdelay $0x2  }
0x114: {  	v27 =	vmul.f32 v27, v24;
	_ =	sdelay $0x1  }
0x115: {  	s3 =	sadd.s32 $0x19980, s3;
	[tilespmem:v26+s4+$0x0] =	vst.idx.add.f32.msk $0xffff, v27  }
0x116: {  	v26 =	vld [tilespmem:s3+$0x10];
	_ =	sdelay $0x1  }
0x117: {  	v27 =	vor.u32 v8, v25;
	_ =	sdelay $0x2  }
0x118: {  	v26 =	vmul.f32 v26, v24;
	_ =	sdelay $0x1  }
0x119: {  	[tilespmem:v27+s4+$0x0] =	vst.idx.add.f32.msk $0xffff, v26  }
0x11a: {  	v26 =	vld [tilespmem:s3+$0x20];
	_ =	sdelay $0x1  }
0x11b: {  	v27 =	vor.u32 v9, v25;
	_ =	sdelay $0x2  }
0x11c: {  	v26 =	vmul.f32 v26, v24;
	_ =	sdelay $0x1  }
0x11d: {  	[tilespmem:v27+s4+$0x0] =	vst.idx.add.f32.msk $0xffff, v26  }
0x11e: {  	v26 =	vld [tilespmem:s3+$0x30];
	_ =	sdelay $0x1  }
0x11f: {  	v27 =	vor.u32 v10, v25;
	_ =	sdelay $0x2  }
0x120: {  	v26 =	vmul.f32 v26, v24;
	_ =	sdelay $0x1  }
0x121: {  	[tilespmem:v27+s4+$0x0] =	vst.idx.add.f32.msk $0xffff, v26  }
0x122: {  	v26 =	vld [tilespmem:s3+$0x40];
	_ =	sdelay $0x1  }
0x123: {  	v27 =	vor.u32 v11, v25;
	_ =	sdelay $0x2  }
0x124: {  	v26 =	vmul.f32 v26, v24;
	_ =	sdelay $0x1  }
0x125: {  	[tilespmem:v27+s4+$0x0] =	vst.idx.add.f32.msk $0xffff, v26  }
0x126: {  	v26 =	vld [tilespmem:s3+$0x50];
	_ =	sdelay $0x1  }
0x127: {  	v27 =	vor.u32 v12, v25;
	_ =	sdelay $0x2  }
0x128: {  	v26 =	vmul.f32 v26, v24;
	_ =	sdelay $0x1  }
0x129: {  	[tilespmem:v27+s4+$0x0] =	vst.idx.add.f32.msk $0xffff, v26  }
0x12a: {  	v26 =	vld [tilespmem:s3+$0x60];
	_ =	sdelay $0x1  }
0x12b: {  	v27 =	vor.u32 v13, v25;
	_ =	sdelay $0x2  }
0x12c: {  	v26 =	vmul.f32 v26, v24;
	_ =	sdelay $0x1  }
0x12d: {  	[tilespmem:v27+s4+$0x0] =	vst.idx.add.f32.msk $0xffff, v26  }
0x12e: {  	v26 =	vld [tilespmem:s3+$0x70];
	_ =	sdelay $0x1  }
0x12f: {  	v27 =	vor.u32 v14, v25;
	_ =	sdelay $0x2  }
0x130: {  	v26 =	vmul.f32 v26, v24;
	_ =	sdelay $0x1  }
0x131: {  	[tilespmem:v27+s4+$0x0] =	vst.idx.add.f32.msk $0xffff, v26  }
0x132: {  	v26 =	vld [tilespmem:s3+$0x400];
	_ =	sdelay $0x1  }
0x133: {  	v27 =	vor.u32 v15, v25;
	_ =	sdelay $0x2  }
0x134: {  	v26 =	vmul.f32 v26, v24;
	_ =	sdelay $0x1  }
0x135: {  	[tilespmem:v27+s4+$0x0] =	vst.idx.add.f32.msk $0xffff, v26  }
0x136: {  	v26 =	vld [tilespmem:s3+$0x410];
	_ =	sdelay $0x1  }
0x137: {  	v27 =	vor.u32 v16, v25;
	_ =	sdelay $0x2  }
0x138: {  	v26 =	vmul.f32 v26, v24;
	_ =	sdelay $0x1  }
0x139: {  	[tilespmem:v27+s4+$0x0] =	vst.idx.add.f32.msk $0xffff, v26  }
0x13a: {  	v26 =	vld [tilespmem:s3+$0x420];
	_ =	sdelay $0x1  }
0x13b: {  	v27 =	vor.u32 v17, v25;
	_ =	sdelay $0x2  }
0x13c: {  	v26 =	vmul.f32 v26, v24;
	_ =	sdelay $0x1  }
0x13d: {  	[tilespmem:v27+s4+$0x0] =	vst.idx.add.f32.msk $0xffff, v26  }
0x13e: {  	v26 =	vld [tilespmem:s3+$0x430];
	_ =	sdelay $0x1  }
0x13f: {  	v27 =	vor.u32 v18, v25;
	_ =	sdelay $0x2  }
0x140: {  	v26 =	vmul.f32 v26, v24;
	_ =	sdelay $0x1  }
0x141: {  	[tilespmem:v27+s4+$0x0] =	vst.idx.add.f32.msk $0xffff, v26  }
0x142: {  	v26 =	vld [tilespmem:s3+$0x440];
	_ =	sdelay $0x1  }
0x143: {  	v27 =	vor.u32 v19, v25;
	_ =	sdelay $0x2  }
0x144: {  	v26 =	vmul.f32 v26, v24;
	_ =	sdelay $0x1  }
0x145: {  	[tilespmem:v27+s4+$0x0] =	vst.idx.add.f32.msk $0xffff, v26  }
0x146: {  	v26 =	vld [tilespmem:s3+$0x450];
	_ =	sdelay $0x1  }
0x147: {  	v27 =	vor.u32 v20, v25;
	_ =	sdelay $0x2  }
0x148: {  	v26 =	vmul.f32 v26, v24;
	_ =	sdelay $0x1  }
0x149: {  	[tilespmem:v27+s4+$0x0] =	vst.idx.add.f32.msk $0xffff, v26  }
0x14a: {  	v26 =	vld [tilespmem:s3+$0x460];
	_ =	sdelay $0x1  }
0x14b: {  	v27 =	vor.u32 v21, v25;
	_ =	sdelay $0x2  }
0x14c: {  	v26 =	vmul.f32 v26, v24;
	_ =	sdelay $0x1  }
0x14d: {  	[tilespmem:v27+s4+$0x0] =	vst.idx.add.f32.msk $0xffff, v26  }
0x14e: {  	v27 =	vld [tilespmem:s3+$0x470]  }
.Ltmp5:
0x14f: {  	(pc) =	sbr.rel @p0 .LBB2_9-.Ltmp5, $3  }
0x150: {  	s31 =	sadd.s32 $0x1, s31;
	v26 =	vor.u32 v22, v25  }
0x151: {  	v25 =	vmov s31;
	_ =	sdelay $0x1  }
0x152: {  	v24 =	vmul.f32 v27, v24  }
0x153: {  	_ =	sdelay $0x3  }
0x154: {  	[tilespmem:v26+s4+$0x0] =	vst.idx.add.f32.msk $0xffff, v24  }
0x155: {  	v24 =	vld.idx.msk [tilespmem:v25+s28+$0x0], $0xffff;
	_ =	sdelay $0x2  }
0x156: {  	s2 =	sadd.s32 $0x80, s2  }
0x157: {  	s3 =	sand.u32 $0x3800, s9;
	s2 =	sand.u32 $0x380, s2  }
0x158: {  	v48 =	vld.idx.msk [tilespmem:v25+s26+$0x0], $0xffff;
	s2 =	sor.u32 s2, s3;
	v49 =	vshll.u32 v24, $0x8;
	v24 =	vshll.u32 v24, $0x7  }
0x159: {  	v27 =	vld [tilespmem:s2+$0x19980];
	v26 =	vand.u32 $0xFFFFF800, v49;
	v24 =	vand.u32 $0x380, v24  }
0x15a: {  	v24 =	vor.u32 v24, v26  }
0x15b: {  	v26 =	vor.u32 v3, v24;
	_ =	sdelay $0x2  }
0x15c: {  	v27 =	vmul.f32 v27, v48;
	_ =	sdelay $0x1  }
0x15d: {  	s2 =	sadd.s32 $0x19980, s2;
	[tilespmem:v26+s4+$0x0] =	vst.idx.add.f32.msk $0xffff, v27  }
0x15e: {  	v26 =	vld [tilespmem:s2+$0x10];
	_ =	sdelay $0x1  }
0x15f: {  	v50 =	vor.u32 v8, v24;
	_ =	sdelay $0x2  }
0x160: {  	v26 =	vmul.f32 v26, v48;
	_ =	sdelay $0x1  }
0x161: {  	[tilespmem:v50+s4+$0x0] =	vst.idx.add.f32.msk $0xffff, v26  }
0x162: {  	v26 =	vld [tilespmem:s2+$0x20];
	_ =	sdelay $0x1  }
0x163: {  	v51 =	vor.u32 v9, v24;
	_ =	sdelay $0x2  }
0x164: {  	v26 =	vmul.f32 v26, v48;
	_ =	sdelay $0x1  }
0x165: {  	[tilespmem:v51+s4+$0x0] =	vst.idx.add.f32.msk $0xffff, v26  }
0x166: {  	v26 =	vld [tilespmem:s2+$0x30];
	_ =	sdelay $0x1  }
0x167: {  	v52 =	vor.u32 v10, v24;
	_ =	sdelay $0x2  }
0x168: {  	v26 =	vmul.f32 v26, v48;
	_ =	sdelay $0x1  }
0x169: {  	[tilespmem:v52+s4+$0x0] =	vst.idx.add.f32.msk $0xffff, v26  }
0x16a: {  	v26 =	vld [tilespmem:s2+$0x40];
	_ =	sdelay $0x1  }
0x16b: {  	v53 =	vor.u32 v11, v24;
	_ =	sdelay $0x2  }
0x16c: {  	v26 =	vmul.f32 v26, v48;
	_ =	sdelay $0x1  }
0x16d: {  	[tilespmem:v53+s4+$0x0] =	vst.idx.add.f32.msk $0xffff, v26  }
0x16e: {  	v26 =	vld [tilespmem:s2+$0x50];
	_ =	sdelay $0x1  }
0x16f: {  	v54 =	vor.u32 v12, v24;
	_ =	sdelay $0x2  }
0x170: {  	v26 =	vmul.f32 v26, v48;
	_ =	sdelay $0x1  }
0x171: {  	[tilespmem:v54+s4+$0x0] =	vst.idx.add.f32.msk $0xffff, v26  }
0x172: {  	v26 =	vld [tilespmem:s2+$0x60];
	_ =	sdelay $0x1  }
0x173: {  	v55 =	vor.u32 v13, v24;
	_ =	sdelay $0x2  }
0x174: {  	v26 =	vmul.f32 v26, v48;
	_ =	sdelay $0x1  }
0x175: {  	[tilespmem:v55+s4+$0x0] =	vst.idx.add.f32.msk $0xffff, v26  }
0x176: {  	v26 =	vld [tilespmem:s2+$0x70];
	_ =	sdelay $0x1  }
0x177: {  	v56 =	vor.u32 v14, v24;
	_ =	sdelay $0x2  }
0x178: {  	v26 =	vmul.f32 v26, v48;
	_ =	sdelay $0x1  }
0x179: {  	[tilespmem:v56+s4+$0x0] =	vst.idx.add.f32.msk $0xffff, v26  }
0x17a: {  	v26 =	vld [tilespmem:s2+$0x400];
	_ =	sdelay $0x1  }
0x17b: {  	v57 =	vor.u32 v15, v24;
	_ =	sdelay $0x2  }
0x17c: {  	v26 =	vmul.f32 v26, v48;
	_ =	sdelay $0x1  }
0x17d: {  	[tilespmem:v57+s4+$0x0] =	vst.idx.add.f32.msk $0xffff, v26  }
0x17e: {  	v26 =	vld [tilespmem:s2+$0x410];
	_ =	sdelay $0x1  }
0x17f: {  	v58 =	vor.u32 v16, v24;
	_ =	sdelay $0x2  }
0x180: {  	v26 =	vmul.f32 v26, v48;
	_ =	sdelay $0x1  }
0x181: {  	[tilespmem:v58+s4+$0x0] =	vst.idx.add.f32.msk $0xffff, v26  }
0x182: {  	v26 =	vld [tilespmem:s2+$0x420];
	_ =	sdelay $0x1  }
0x183: {  	v59 =	vor.u32 v17, v24;
	_ =	sdelay $0x2  }
0x184: {  	v26 =	vmul.f32 v26, v48;
	_ =	sdelay $0x1  }
0x185: {  	[tilespmem:v59+s4+$0x0] =	vst.idx.add.f32.msk $0xffff, v26  }
0x186: {  	v26 =	vld [tilespmem:s2+$0x430];
	_ =	sdelay $0x1  }
0x187: {  	v60 =	vor.u32 v18, v24;
	_ =	sdelay $0x2  }
0x188: {  	v26 =	vmul.f32 v26, v48;
	_ =	sdelay $0x1  }
0x189: {  	[tilespmem:v60+s4+$0x0] =	vst.idx.add.f32.msk $0xffff, v26  }
0x18a: {  	v26 =	vld [tilespmem:s2+$0x440];
	_ =	sdelay $0x1  }
0x18b: {  	v61 =	vor.u32 v19, v24;
	_ =	sdelay $0x2  }
0x18c: {  	v26 =	vmul.f32 v26, v48;
	_ =	sdelay $0x1  }
0x18d: {  	[tilespmem:v61+s4+$0x0] =	vst.idx.add.f32.msk $0xffff, v26  }
0x18e: {  	v26 =	vld [tilespmem:s2+$0x450];
	_ =	sdelay $0x1  }
0x18f: {  	v62 =	vor.u32 v20, v24;
	_ =	sdelay $0x2  }
0x190: {  	v26 =	vmul.f32 v26, v48;
	_ =	sdelay $0x1  }
0x191: {  	[tilespmem:v62+s4+$0x0] =	vst.idx.add.f32.msk $0xffff, v26  }
0x192: {  	v26 =	vld [tilespmem:s2+$0x460];
	_ =	sdelay $0x1  }
0x193: {  	v63 =	vor.u32 v21, v24;
	_ =	sdelay $0x2  }
0x194: {  	v26 =	vmul.f32 v26, v48;
	_ =	sdelay $0x1  }
0x195: {  	[tilespmem:v63+s4+$0x0] =	vst.idx.add.f32.msk $0xffff, v26  }
0x196: {  	v26 =	vld [tilespmem:s2+$0x470]  }
0x197: {  	s5 =	sadd.s32 $0x1, s5  }
0x198: {  	p0 =	sne.s32 s5, s7;
	v24 =	vor.u32 v22, v24  }
.Ltmp6:
0x199: {  	_ = 	snop;
	(pc) =	sbr.rel @p0 .LBB2_8-.Ltmp6, $4  }
.Ltmp7:
0x19a: {  	_ = 	snop;
	(pc) =	sbr.rel @!p0 .LBB2_11-.Ltmp7, $4  }
0x19b: {  	v25 =	vmul.f32 v26, v48  }
0x19c: {  	_ = 	snop  }
0x19d: {  	s29 =	sadd.s32 $0x40, s29;
	[tilespmem:v24+s4+$0x0] =	vst.idx.add.f32.msk $0xffff, v25  }
0x19e: {  	_ = 	snop  }
.LBB2_12:
0x19f: {  	s0 =	sadd.s32 $0x0, s11  }
0x1a0: {  	v25 =	vor.u32 s0, v3;
	_ =	sdelay $0x4  }
0x1a1: {  	v26 =	vld.idx.msk [tilespmem:v25+s12+$0x0], $0xffff;
	_ =	sdelay $0x1  }
0x1a2: {  	s31 =	sadd.s32 $0x10, s11  }
0x1a3: {  	v24 =	vor.u32 s31, v3  }
0x1a4: {  	s1 =	simm.s32 $0x0;
	s3 =	simm.s32 $0x15800  }
0x1a5: {  	s0 =	simm.s32 $0x16080;
	[tilespmem:s3+$0x0] =	vst v25;
	v25 =	vor.u32 s1, v3;
	v26 =	vmul.f32 v26, v26  }
0x1a6: {  	s2 =	simm.s32 $0x16900;
	[tilespmem:s0+$0x0] =	vst v25  }
0x1a7: {  	[tilespmem:s2+$0x0] =	vst v26  }
0x1a8: {  	v25 =	vld.idx.msk [tilespmem:v24+s12+$0x0], $0xffff  }
0x1a9: {  	s5 =	simm.s32 $0x10  }
0x1aa: {  	s9 =	sadd.s32 $0x20, s11;
	s7 =	simm.s32 $0x30;
	s1 =	simm.s32 $0x20  }
.LBB2_13:
0x1ab: {  	p0 =	sne.s32 s7, $0x130;
	v26 =	vor.u32 s9, v3  }
0x1ac: {  	s3 =	sadd.s32 $0x10, s3  }
0x1ad: {  	v27 =	vor.u32 s5, v3;
	s0 =	sadd.s32 $0x10, s0;
	s5 =	smov.u32 s1;
	s1 =	smov.u32 s7;
	v25 =	vmul.f32 v25, v25;
	[tilespmem:s3+$0x0] =	vst v24;
	v24 =	vmov v26  }
0x1ae: {  	s2 =	sadd.s32 $0x10, s2;
	[tilespmem:s0+$0x0] =	vst v27  }
.Ltmp8:
0x1af: {  	[tilespmem:s2+$0x0] =	vst v25;
	(pc) =	sbr.rel @p0 .LBB2_13-.Ltmp8, $2  }
0x1b0: {  	v25 =	vld.idx.msk [tilespmem:v26+s12+$0x0], $0xffff;
	_ =	sdelay $0x2  }
0x1b1: {  	s7 =	sadd.s32 $0x10, s7;
	s9 =	sadd.s32 s1, s11  }
0x1b2: {  	v26 =	vor.u32 s9, v3  }
0x1b3: {  	s3 =	sadd.s32 $0x10, s3  }
0x1b4: {  	v62 =	vor.u32 s5, v3;
	s0 =	sadd.s32 $0x10, s0;
	[tilespmem:s3+$0x0] =	vst v24;
	v25 =	vmul.f32 v25, v25  }
0x1b5: {  	s2 =	sadd.s32 $0x10, s2;
	[tilespmem:s0+$0x0] =	vst v62  }
0x1b6: {  	[tilespmem:s2+$0x0] =	vst v25  }
0x1b7: {  	v24 =	vld.idx.msk [tilespmem:v26+s12+$0x0], $0xffff;
	_ =	sdelay $0x3  }
0x1b8: {  	s3 =	sadd.s32 $0x10, s3  }
0x1b9: {  	v63 =	vor.u32 s1, v3;
	s0 =	sadd.s32 $0x10, s0;
	[tilespmem:s3+$0x0] =	vst v26;
	v24 =	vmul.f32 v24, v24  }
0x1ba: {  	s31 =	sadd.s32 $0x10, s2;
	[tilespmem:s0+$0x0] =	vst v63  }
0x1bb: {  	[tilespmem:s31+$0x0] =	vst v24  }
0x1bc: {  	[tilespmem:$0x15940] =	vst v4  }
0x1bd: {  	[tilespmem:$0x161C0] =	vst v4  }
0x1be: {  	[tilespmem:$0x16A40] =	vst v2  }
0x1bf: {  	[tilespmem:$0x15950] =	vst v4  }
0x1c0: {  	[tilespmem:$0x161D0] =	vst v4  }
0x1c1: {  	[tilespmem:$0x16A50] =	vst v2  }
0x1c2: {  	[tilespmem:$0x15960] =	vst v4  }
0x1c3: {  	[tilespmem:$0x161E0] =	vst v4  }
0x1c4: {  	[tilespmem:$0x16A60] =	vst v2  }
0x1c5: {  	[tilespmem:$0x15970] =	vst v4  }
0x1c6: {  	[tilespmem:$0x161F0] =	vst v4  }
0x1c7: {  	s1 =	simm.s32 $0x0;
	s5 =	simm.s32 $0x0;
	s0 =	simm.s32 $0x0;
	[tilespmem:$0x16A70] =	vst v2  }
.LBB2_15:
0x1c8: {  	s2 =	sshll.u32 s5, $0x6  }
0x1c9: {  	v24 =	vld [tilespmem:s2+$0x15800];
	_ =	sdelay $0x4  }
0x1ca: {  	v25 =	vadd.s32 v23, v24  }
0x1cb: {  	[tilespmem:$0x1D980] =	vst v25  }
0x1cc: {  	v26 =	vld [tilespmem:s2+$0x15810];
	_ =	sdelay $0x4  }
0x1cd: {  	v26 =	vadd.s32 v23, v26  }
0x1ce: {  	[tilespmem:$0x1D990] =	vst v26  }
0x1cf: {  	v26 =	vld [tilespmem:s2+$0x15820];
	_ =	sdelay $0x3  }
0x1d0: {  	v25 =	vshll.u32 v25, $0x1  }
0x1d1: {  	v24 =	vand.u32 $0x7, v24;
	v25 =	vand.u32 $0xFFFFFFF0, v25;
	v26 =	vadd.s32 v23, v26  }
0x1d2: {  	v24 =	vor.u32 v24, v25;
	[tilespmem:$0x1D9A0] =	vst v26  }
0x1d3: {  	v26 =	vperm.xlane v24, v5;
	v25 =	vld [tilespmem:s2+$0x15830];
	_ =	sdelay $0x1  }
0x1d4: {  	v24 =	vperm.xlane v24, v7;
	v26 =	vadd.s32 v6, v26;
	_ =	sdelay $0x1  }
0x1d5: {  	v24 =	vadd.s32 v6, v24  }
0x1d6: {  	v25 =	vadd.s32 v23, v25  }
0x1d7: {  	[tilespmem:$0x1D9B0] =	vst v25  }
0x1d8: {  	[tilespmem:s18], [sflag:$0x1] =	stream.indirect_vreg.gather [hbm4b:s8+s0], $0x80, v26, vm0, $0xb8;
	[tilespmem:$0x1DA00] =	vst v63  }
0x1d9: {  	_ = 	snop  }
0x1da: {  	[tilespmem:s19], [sflag:$0x1] =	stream.indirect_vreg.gather [hbm4b:s8+s0], $0x80, v24, vm0, $0xb8;
	[tilespmem:$0x1DA00] =	vst v63  }
0x1db: {  	v24 =	vld [tilespmem:$0x1D990];
	_ =	sdelay $0x4  }
0x1dc: {  	v25 =	vshll.u32 v24, $0x1  }
0x1dd: {  	v24 =	vand.u32 $0x7, v24;
	v25 =	vand.u32 $0xFFFFFFF0, v25  }
0x1de: {  	v24 =	vor.u32 v24, v25  }
0x1df: {  	v25 =	vperm.xlane v24, v5;
	_ =	sdelay $0x1  }
0x1e0: {  	v24 =	vperm.xlane v24, v7;
	v25 =	vadd.s32 v6, v25;
	_ =	sdelay $0x1  }
0x1e1: {  	v24 =	vadd.s32 v6, v24;
	_ =	sdelay $0x2  }
0x1e2: {  	[tilespmem:s20], [sflag:$0x1] =	stream.indirect_vreg.gather [hbm4b:s8+s0], $0x80, v25, vm0, $0xb8;
	[tilespmem:$0x1DA00] =	vst v63  }
0x1e3: {  	_ = 	snop  }
0x1e4: {  	[tilespmem:s21], [sflag:$0x1] =	stream.indirect_vreg.gather [hbm4b:s8+s0], $0x80, v24, vm0, $0xb8;
	[tilespmem:$0x1DA00] =	vst v63  }
0x1e5: {  	v24 =	vld [tilespmem:$0x1D9A0];
	_ =	sdelay $0x4  }
0x1e6: {  	v25 =	vshll.u32 v24, $0x1  }
0x1e7: {  	v24 =	vand.u32 $0x7, v24;
	v25 =	vand.u32 $0xFFFFFFF0, v25  }
0x1e8: {  	v24 =	vor.u32 v24, v25  }
0x1e9: {  	v25 =	vperm.xlane v24, v5;
	_ =	sdelay $0x1  }
0x1ea: {  	v24 =	vperm.xlane v24, v7;
	v25 =	vadd.s32 v6, v25;
	_ =	sdelay $0x1  }
0x1eb: {  	v24 =	vadd.s32 v6, v24;
	_ =	sdelay $0x2  }
0x1ec: {  	[tilespmem:s22], [sflag:$0x1] =	stream.indirect_vreg.gather [hbm4b:s8+s0], $0x80, v25, vm0, $0xb8;
	[tilespmem:$0x1DA00] =	vst v63  }
0x1ed: {  	_ = 	snop  }
0x1ee: {  	[tilespmem:s23], [sflag:$0x1] =	stream.indirect_vreg.gather [hbm4b:s8+s0], $0x80, v24, vm0, $0xb8;
	[tilespmem:$0x1DA00] =	vst v63  }
0x1ef: {  	v24 =	vld [tilespmem:$0x1D9B0];
	_ =	sdelay $0x4  }
0x1f0: {  	v25 =	vshll.u32 v24, $0x1  }
0x1f1: {  	v24 =	vand.u32 $0x7, v24;
	v25 =	vand.u32 $0xFFFFFFF0, v25  }
0x1f2: {  	v24 =	vor.u32 v24, v25  }
0x1f3: {  	v25 =	vperm.xlane v24, v5;
	_ =	sdelay $0x1  }
0x1f4: {  	v24 =	vperm.xlane v24, v7;
	v25 =	vadd.s32 v6, v25;
	_ =	sdelay $0x1  }
0x1f5: {  	v24 =	vadd.s32 v6, v24;
	_ =	sdelay $0x2  }
0x1f6: {  	[tilespmem:s24], [sflag:$0x1] =	stream.indirect_vreg.gather [hbm4b:s8+s0], $0x80, v25, vm0, $0xb8;
	[tilespmem:$0x1DA00] =	vst v63  }
0x1f7: {  	v25 =	vmov s1  }
0x1f8: {  	[tilespmem:s25], [sflag:$0x1] =	stream.indirect_vreg.gather [hbm4b:s8+s0], $0x80, v24, vm0, $0xb8;
	[tilespmem:$0x1DA00] =	vst v63  }
0x1f9: {  	_ =	swait.ge [sflag:s17], $0x4000  }
0x1fa: {  	[sflag:s17] =	ssyncset.done $0x0  }
0x1fb: {  	[sflag:s17] =	ssyncadd.s32 $0xFFFFC000  }
0x1fc: {  	v24 =	vld.idx.msk [tilespmem:v25+s28+$0x0], $0xffff;
	_ =	sdelay $0x3  }
0x1fd: {  	s31 =	sand.u32 $0x3800, s0;
	s3 =	sand.u32 $0x380, s0  }
0x1fe: {  	s2 =	sor.u32 s3, s31;
	v27 =	vld.idx.msk [tilespmem:v25+s26+$0x0], $0xffff;
	v25 =	vshll.u32 v24, $0x8;
	v24 =	vshll.u32 v24, $0x7  }
0x1ff: {  	v26 =	vld [tilespmem:s2+$0x19980];
	v25 =	vand.u32 $0xFFFFF800, v25;
	v24 =	vand.u32 $0x380, v24  }
0x200: {  	v24 =	vor.u32 v24, v25  }
0x201: {  	v25 =	vor.u32 v3, v24;
	_ =	sdelay $0x2  }
0x202: {  	v26 =	vmul.f32 v26, v27;
	_ =	sdelay $0x1  }
0x203: {  	s2 =	sadd.s32 $0x19980, s2;
	[tilespmem:v25+s4+$0x0] =	vst.idx.add.f32.msk $0xffff, v26  }
0x204: {  	v25 =	vld [tilespmem:s2+$0x10];
	_ =	sdelay $0x1  }
0x205: {  	v26 =	vor.u32 v8, v24;
	_ =	sdelay $0x2  }
0x206: {  	v25 =	vmul.f32 v25, v27;
	_ =	sdelay $0x1  }
0x207: {  	[tilespmem:v26+s4+$0x0] =	vst.idx.add.f32.msk $0xffff, v25  }
0x208: {  	v25 =	vld [tilespmem:s2+$0x20];
	_ =	sdelay $0x1  }
0x209: {  	v26 =	vor.u32 v9, v24;
	_ =	sdelay $0x2  }
0x20a: {  	v25 =	vmul.f32 v25, v27;
	_ =	sdelay $0x1  }
0x20b: {  	[tilespmem:v26+s4+$0x0] =	vst.idx.add.f32.msk $0xffff, v25  }
0x20c: {  	v25 =	vld [tilespmem:s2+$0x30];
	_ =	sdelay $0x1  }
0x20d: {  	v26 =	vor.u32 v10, v24;
	_ =	sdelay $0x2  }
0x20e: {  	v25 =	vmul.f32 v25, v27;
	_ =	sdelay $0x1  }
0x20f: {  	[tilespmem:v26+s4+$0x0] =	vst.idx.add.f32.msk $0xffff, v25  }
0x210: {  	v25 =	vld [tilespmem:s2+$0x40];
	_ =	sdelay $0x1  }
0x211: {  	v26 =	vor.u32 v11, v24;
	_ =	sdelay $0x2  }
0x212: {  	v25 =	vmul.f32 v25, v27;
	_ =	sdelay $0x1  }
0x213: {  	[tilespmem:v26+s4+$0x0] =	vst.idx.add.f32.msk $0xffff, v25  }
0x214: {  	v25 =	vld [tilespmem:s2+$0x50];
	_ =	sdelay $0x1  }
0x215: {  	v26 =	vor.u32 v12, v24;
	_ =	sdelay $0x2  }
0x216: {  	v25 =	vmul.f32 v25, v27;
	_ =	sdelay $0x1  }
0x217: {  	[tilespmem:v26+s4+$0x0] =	vst.idx.add.f32.msk $0xffff, v25  }
0x218: {  	v25 =	vld [tilespmem:s2+$0x60];
	_ =	sdelay $0x1  }
0x219: {  	v26 =	vor.u32 v13, v24;
	_ =	sdelay $0x2  }
0x21a: {  	v25 =	vmul.f32 v25, v27;
	_ =	sdelay $0x1  }
0x21b: {  	[tilespmem:v26+s4+$0x0] =	vst.idx.add.f32.msk $0xffff, v25  }
0x21c: {  	v25 =	vld [tilespmem:s2+$0x70];
	_ =	sdelay $0x1  }
0x21d: {  	v26 =	vor.u32 v14, v24;
	_ =	sdelay $0x2  }
0x21e: {  	v25 =	vmul.f32 v25, v27;
	_ =	sdelay $0x1  }
0x21f: {  	[tilespmem:v26+s4+$0x0] =	vst.idx.add.f32.msk $0xffff, v25  }
0x220: {  	v25 =	vld [tilespmem:s2+$0x400];
	_ =	sdelay $0x1  }
0x221: {  	v26 =	vor.u32 v15, v24;
	_ =	sdelay $0x2  }
0x222: {  	v25 =	vmul.f32 v25, v27;
	_ =	sdelay $0x1  }
0x223: {  	[tilespmem:v26+s4+$0x0] =	vst.idx.add.f32.msk $0xffff, v25  }
0x224: {  	v25 =	vld [tilespmem:s2+$0x410];
	_ =	sdelay $0x1  }
0x225: {  	v26 =	vor.u32 v16, v24;
	_ =	sdelay $0x2  }
0x226: {  	v25 =	vmul.f32 v25, v27;
	_ =	sdelay $0x1  }
0x227: {  	[tilespmem:v26+s4+$0x0] =	vst.idx.add.f32.msk $0xffff, v25  }
0x228: {  	v25 =	vld [tilespmem:s2+$0x420];
	_ =	sdelay $0x1  }
0x229: {  	v26 =	vor.u32 v17, v24;
	_ =	sdelay $0x2  }
0x22a: {  	v25 =	vmul.f32 v25, v27;
	_ =	sdelay $0x1  }
0x22b: {  	[tilespmem:v26+s4+$0x0] =	vst.idx.add.f32.msk $0xffff, v25  }
0x22c: {  	v25 =	vld [tilespmem:s2+$0x430];
	_ =	sdelay $0x1  }
0x22d: {  	v26 =	vor.u32 v18, v24;
	_ =	sdelay $0x2  }
0x22e: {  	v25 =	vmul.f32 v25, v27;
	_ =	sdelay $0x1  }
0x22f: {  	[tilespmem:v26+s4+$0x0] =	vst.idx.add.f32.msk $0xffff, v25  }
0x230: {  	v25 =	vld [tilespmem:s2+$0x440];
	_ =	sdelay $0x1  }
0x231: {  	v26 =	vor.u32 v19, v24;
	_ =	sdelay $0x2  }
0x232: {  	v25 =	vmul.f32 v25, v27;
	_ =	sdelay $0x1  }
0x233: {  	[tilespmem:v26+s4+$0x0] =	vst.idx.add.f32.msk $0xffff, v25  }
0x234: {  	v25 =	vld [tilespmem:s2+$0x450];
	_ =	sdelay $0x1  }
0x235: {  	v26 =	vor.u32 v20, v24;
	_ =	sdelay $0x2  }
0x236: {  	v25 =	vmul.f32 v25, v27;
	_ =	sdelay $0x1  }
0x237: {  	[tilespmem:v26+s4+$0x0] =	vst.idx.add.f32.msk $0xffff, v25  }
0x238: {  	v25 =	vld [tilespmem:s2+$0x460];
	_ =	sdelay $0x1  }
0x239: {  	v26 =	vor.u32 v21, v24;
	_ =	sdelay $0x2  }
0x23a: {  	v25 =	vmul.f32 v25, v27;
	_ =	sdelay $0x1  }
0x23b: {  	[tilespmem:v26+s4+$0x0] =	vst.idx.add.f32.msk $0xffff, v25  }
0x23c: {  	v28 =	vld [tilespmem:s2+$0x470];
	_ =	sdelay $0x1  }
0x23d: {  	s9 =	sadd.s32 $0x1, s1;
	v26 =	vor.u32 v22, v24  }
0x23e: {  	v25 =	vmov s9;
	_ =	sdelay $0x1  }
0x23f: {  	s7 =	simm.s32 $0x100;
	s10 =	simm.s32 $0x200;
	s2 =	simm.s32 $0x0;
	v24 =	vmul.f32 v28, v27  }
.LBB2_16:
0x240: {  	p0 =	sne.s32 s10, $0x3F00  }
0x241: {  	s2 =	sadd.s32 $0x80, s2;
	s3 =	smov.u32 s10;
	s10 =	sadd.s32 $0x100, s10;
	[tilespmem:v26+s4+$0x0] =	vst.idx.add.f32.msk $0xffff, v24  }
0x242: {  	v26 =	vld.idx.msk [tilespmem:v25+s28+$0x0], $0xffff;
	_ =	sdelay $0x4  }
0x243: {  	s14 =	sand.u32 $0x3800, s7;
	s15 =	sand.u32 $0x380, s2;
	s7 =	smov.u32 s3  }
0x244: {  	s3 =	sor.u32 s15, s14;
	v24 =	vld.idx.msk [tilespmem:v25+s26+$0x0], $0xffff;
	v25 =	vshll.u32 v26, $0x8;
	v26 =	vshll.u32 v26, $0x7  }
0x245: {  	v27 =	vld [tilespmem:s3+$0x19980];
	v25 =	vand.u32 $0xFFFFF800, v25;
	v26 =	vand.u32 $0x380, v26  }
0x246: {  	v25 =	vor.u32 v26, v25  }
0x247: {  	v26 =	vor.u32 v3, v25;
	_ =	sdelay $0x2  }
0x248: {  	v27 =	vmul.f32 v27, v24;
	_ =	sdelay $0x1  }
0x249: {  	s3 =	sadd.s32 $0x19980, s3;
	[tilespmem:v26+s4+$0x0] =	vst.idx.add.f32.msk $0xffff, v27  }
0x24a: {  	v26 =	vld [tilespmem:s3+$0x10];
	_ =	sdelay $0x1  }
0x24b: {  	v27 =	vor.u32 v8, v25;
	_ =	sdelay $0x2  }
0x24c: {  	v26 =	vmul.f32 v26, v24;
	_ =	sdelay $0x1  }
0x24d: {  	[tilespmem:v27+s4+$0x0] =	vst.idx.add.f32.msk $0xffff, v26  }
0x24e: {  	v26 =	vld [tilespmem:s3+$0x20];
	_ =	sdelay $0x1  }
0x24f: {  	v27 =	vor.u32 v9, v25;
	_ =	sdelay $0x2  }
0x250: {  	v26 =	vmul.f32 v26, v24;
	_ =	sdelay $0x1  }
0x251: {  	[tilespmem:v27+s4+$0x0] =	vst.idx.add.f32.msk $0xffff, v26  }
0x252: {  	v26 =	vld [tilespmem:s3+$0x30];
	_ =	sdelay $0x1  }
0x253: {  	v27 =	vor.u32 v10, v25;
	_ =	sdelay $0x2  }
0x254: {  	v26 =	vmul.f32 v26, v24;
	_ =	sdelay $0x1  }
0x255: {  	[tilespmem:v27+s4+$0x0] =	vst.idx.add.f32.msk $0xffff, v26  }
0x256: {  	v26 =	vld [tilespmem:s3+$0x40];
	_ =	sdelay $0x1  }
0x257: {  	v27 =	vor.u32 v11, v25;
	_ =	sdelay $0x2  }
0x258: {  	v26 =	vmul.f32 v26, v24;
	_ =	sdelay $0x1  }
0x259: {  	[tilespmem:v27+s4+$0x0] =	vst.idx.add.f32.msk $0xffff, v26  }
0x25a: {  	v26 =	vld [tilespmem:s3+$0x50];
	_ =	sdelay $0x1  }
0x25b: {  	v27 =	vor.u32 v12, v25;
	_ =	sdelay $0x2  }
0x25c: {  	v26 =	vmul.f32 v26, v24;
	_ =	sdelay $0x1  }
0x25d: {  	[tilespmem:v27+s4+$0x0] =	vst.idx.add.f32.msk $0xffff, v26  }
0x25e: {  	v26 =	vld [tilespmem:s3+$0x60];
	_ =	sdelay $0x1  }
0x25f: {  	v27 =	vor.u32 v13, v25;
	_ =	sdelay $0x2  }
0x260: {  	v26 =	vmul.f32 v26, v24;
	_ =	sdelay $0x1  }
0x261: {  	[tilespmem:v27+s4+$0x0] =	vst.idx.add.f32.msk $0xffff, v26  }
0x262: {  	v26 =	vld [tilespmem:s3+$0x70];
	_ =	sdelay $0x1  }
0x263: {  	v27 =	vor.u32 v14, v25;
	_ =	sdelay $0x2  }
0x264: {  	v26 =	vmul.f32 v26, v24;
	_ =	sdelay $0x1  }
0x265: {  	[tilespmem:v27+s4+$0x0] =	vst.idx.add.f32.msk $0xffff, v26  }
0x266: {  	v26 =	vld [tilespmem:s3+$0x400];
	_ =	sdelay $0x1  }
0x267: {  	v27 =	vor.u32 v15, v25;
	_ =	sdelay $0x2  }
0x268: {  	v26 =	vmul.f32 v26, v24;
	_ =	sdelay $0x1  }
0x269: {  	[tilespmem:v27+s4+$0x0] =	vst.idx.add.f32.msk $0xffff, v26  }
0x26a: {  	v26 =	vld [tilespmem:s3+$0x410];
	_ =	sdelay $0x1  }
0x26b: {  	v27 =	vor.u32 v16, v25;
	_ =	sdelay $0x2  }
0x26c: {  	v26 =	vmul.f32 v26, v24;
	_ =	sdelay $0x1  }
0x26d: {  	[tilespmem:v27+s4+$0x0] =	vst.idx.add.f32.msk $0xffff, v26  }
0x26e: {  	v26 =	vld [tilespmem:s3+$0x420];
	_ =	sdelay $0x1  }
0x26f: {  	v27 =	vor.u32 v17, v25;
	_ =	sdelay $0x2  }
0x270: {  	v26 =	vmul.f32 v26, v24;
	_ =	sdelay $0x1  }
0x271: {  	[tilespmem:v27+s4+$0x0] =	vst.idx.add.f32.msk $0xffff, v26  }
0x272: {  	v26 =	vld [tilespmem:s3+$0x430];
	_ =	sdelay $0x1  }
0x273: {  	v27 =	vor.u32 v18, v25;
	_ =	sdelay $0x2  }
0x274: {  	v26 =	vmul.f32 v26, v24;
	_ =	sdelay $0x1  }
0x275: {  	[tilespmem:v27+s4+$0x0] =	vst.idx.add.f32.msk $0xffff, v26  }
0x276: {  	v26 =	vld [tilespmem:s3+$0x440];
	_ =	sdelay $0x1  }
0x277: {  	v27 =	vor.u32 v19, v25;
	_ =	sdelay $0x2  }
0x278: {  	v26 =	vmul.f32 v26, v24;
	_ =	sdelay $0x1  }
0x279: {  	[tilespmem:v27+s4+$0x0] =	vst.idx.add.f32.msk $0xffff, v26  }
0x27a: {  	v26 =	vld [tilespmem:s3+$0x450];
	_ =	sdelay $0x1  }
0x27b: {  	v27 =	vor.u32 v20, v25;
	_ =	sdelay $0x2  }
0x27c: {  	v26 =	vmul.f32 v26, v24;
	_ =	sdelay $0x1  }
0x27d: {  	[tilespmem:v27+s4+$0x0] =	vst.idx.add.f32.msk $0xffff, v26  }
0x27e: {  	v26 =	vld [tilespmem:s3+$0x460];
	_ =	sdelay $0x1  }
0x27f: {  	v27 =	vor.u32 v21, v25;
	_ =	sdelay $0x2  }
0x280: {  	v26 =	vmul.f32 v26, v24;
	_ =	sdelay $0x1  }
0x281: {  	[tilespmem:v27+s4+$0x0] =	vst.idx.add.f32.msk $0xffff, v26  }
0x282: {  	v27 =	vld [tilespmem:s3+$0x470]  }
.Ltmp9:
0x283: {  	(pc) =	sbr.rel @p0 .LBB2_16-.Ltmp9, $3  }
0x284: {  	s9 =	sadd.s32 $0x1, s9;
	v26 =	vor.u32 v22, v25  }
0x285: {  	v25 =	vmov s9;
	_ =	sdelay $0x1  }
0x286: {  	v24 =	vmul.f32 v27, v24  }
0x287: {  	_ =	sdelay $0x3  }
0x288: {  	[tilespmem:v26+s4+$0x0] =	vst.idx.add.f32.msk $0xffff, v24  }
0x289: {  	v24 =	vld.idx.msk [tilespmem:v25+s28+$0x0], $0xffff;
	_ =	sdelay $0x2  }
0x28a: {  	s2 =	sadd.s32 $0x80, s2  }
0x28b: {  	s3 =	sand.u32 $0x3800, s7;
	s2 =	sand.u32 $0x380, s2  }
0x28c: {  	v48 =	vld.idx.msk [tilespmem:v25+s26+$0x0], $0xffff;
	s2 =	sor.u32 s2, s3;
	v49 =	vshll.u32 v24, $0x8;
	v24 =	vshll.u32 v24, $0x7  }
0x28d: {  	v27 =	vld [tilespmem:s2+$0x19980];
	v26 =	vand.u32 $0xFFFFF800, v49;
	v24 =	vand.u32 $0x380, v24  }
0x28e: {  	v24 =	vor.u32 v24, v26  }
0x28f: {  	v26 =	vor.u32 v3, v24;
	_ =	sdelay $0x2  }
0x290: {  	v27 =	vmul.f32 v27, v48;
	_ =	sdelay $0x1  }
0x291: {  	s2 =	sadd.s32 $0x19980, s2;
	[tilespmem:v26+s4+$0x0] =	vst.idx.add.f32.msk $0xffff, v27  }
0x292: {  	v26 =	vld [tilespmem:s2+$0x10];
	_ =	sdelay $0x1  }
0x293: {  	v50 =	vor.u32 v8, v24;
	_ =	sdelay $0x2  }
0x294: {  	v26 =	vmul.f32 v26, v48;
	_ =	sdelay $0x1  }
0x295: {  	[tilespmem:v50+s4+$0x0] =	vst.idx.add.f32.msk $0xffff, v26  }
0x296: {  	v26 =	vld [tilespmem:s2+$0x20];
	_ =	sdelay $0x1  }
0x297: {  	v51 =	vor.u32 v9, v24;
	_ =	sdelay $0x2  }
0x298: {  	v26 =	vmul.f32 v26, v48;
	_ =	sdelay $0x1  }
0x299: {  	[tilespmem:v51+s4+$0x0] =	vst.idx.add.f32.msk $0xffff, v26  }
0x29a: {  	v26 =	vld [tilespmem:s2+$0x30];
	_ =	sdelay $0x1  }
0x29b: {  	v52 =	vor.u32 v10, v24;
	_ =	sdelay $0x2  }
0x29c: {  	v26 =	vmul.f32 v26, v48;
	_ =	sdelay $0x1  }
0x29d: {  	[tilespmem:v52+s4+$0x0] =	vst.idx.add.f32.msk $0xffff, v26  }
0x29e: {  	v26 =	vld [tilespmem:s2+$0x40];
	_ =	sdelay $0x1  }
0x29f: {  	v53 =	vor.u32 v11, v24;
	_ =	sdelay $0x2  }
0x2a0: {  	v26 =	vmul.f32 v26, v48;
	_ =	sdelay $0x1  }
0x2a1: {  	[tilespmem:v53+s4+$0x0] =	vst.idx.add.f32.msk $0xffff, v26  }
0x2a2: {  	v26 =	vld [tilespmem:s2+$0x50];
	_ =	sdelay $0x1  }
0x2a3: {  	v54 =	vor.u32 v12, v24;
	_ =	sdelay $0x2  }
0x2a4: {  	v26 =	vmul.f32 v26, v48;
	_ =	sdelay $0x1  }
0x2a5: {  	[tilespmem:v54+s4+$0x0] =	vst.idx.add.f32.msk $0xffff, v26  }
0x2a6: {  	v26 =	vld [tilespmem:s2+$0x60];
	_ =	sdelay $0x1  }
0x2a7: {  	v55 =	vor.u32 v13, v24;
	_ =	sdelay $0x2  }
0x2a8: {  	v26 =	vmul.f32 v26, v48;
	_ =	sdelay $0x1  }
0x2a9: {  	[tilespmem:v55+s4+$0x0] =	vst.idx.add.f32.msk $0xffff, v26  }
0x2aa: {  	v26 =	vld [tilespmem:s2+$0x70];
	_ =	sdelay $0x1  }
0x2ab: {  	v56 =	vor.u32 v14, v24;
	_ =	sdelay $0x2  }
0x2ac: {  	v26 =	vmul.f32 v26, v48;
	_ =	sdelay $0x1  }
0x2ad: {  	[tilespmem:v56+s4+$0x0] =	vst.idx.add.f32.msk $0xffff, v26  }
0x2ae: {  	v26 =	vld [tilespmem:s2+$0x400];
	_ =	sdelay $0x1  }
0x2af: {  	v57 =	vor.u32 v15, v24;
	_ =	sdelay $0x2  }
0x2b0: {  	v26 =	vmul.f32 v26, v48;
	_ =	sdelay $0x1  }
0x2b1: {  	[tilespmem:v57+s4+$0x0] =	vst.idx.add.f32.msk $0xffff, v26  }
0x2b2: {  	v26 =	vld [tilespmem:s2+$0x410];
	_ =	sdelay $0x1  }
0x2b3: {  	v58 =	vor.u32 v16, v24;
	_ =	sdelay $0x2  }
0x2b4: {  	v26 =	vmul.f32 v26, v48;
	_ =	sdelay $0x1  }
0x2b5: {  	[tilespmem:v58+s4+$0x0] =	vst.idx.add.f32.msk $0xffff, v26  }
0x2b6: {  	v26 =	vld [tilespmem:s2+$0x420];
	_ =	sdelay $0x1  }
0x2b7: {  	v59 =	vor.u32 v17, v24;
	_ =	sdelay $0x2  }
0x2b8: {  	v26 =	vmul.f32 v26, v48;
	_ =	sdelay $0x1  }
0x2b9: {  	[tilespmem:v59+s4+$0x0] =	vst.idx.add.f32.msk $0xffff, v26  }
0x2ba: {  	v26 =	vld [tilespmem:s2+$0x430];
	_ =	sdelay $0x1  }
0x2bb: {  	v60 =	vor.u32 v18, v24;
	_ =	sdelay $0x2  }
0x2bc: {  	v26 =	vmul.f32 v26, v48;
	_ =	sdelay $0x1  }
0x2bd: {  	[tilespmem:v60+s4+$0x0] =	vst.idx.add.f32.msk $0xffff, v26  }
0x2be: {  	v26 =	vld [tilespmem:s2+$0x440];
	_ =	sdelay $0x1  }
0x2bf: {  	v61 =	vor.u32 v19, v24;
	_ =	sdelay $0x2  }
0x2c0: {  	v26 =	vmul.f32 v26, v48;
	_ =	sdelay $0x1  }
0x2c1: {  	[tilespmem:v61+s4+$0x0] =	vst.idx.add.f32.msk $0xffff, v26  }
0x2c2: {  	v26 =	vld [tilespmem:s2+$0x450];
	_ =	sdelay $0x1  }
0x2c3: {  	v62 =	vor.u32 v20, v24;
	_ =	sdelay $0x2  }
0x2c4: {  	v26 =	vmul.f32 v26, v48;
	_ =	sdelay $0x1  }
0x2c5: {  	[tilespmem:v62+s4+$0x0] =	vst.idx.add.f32.msk $0xffff, v26  }
0x2c6: {  	v26 =	vld [tilespmem:s2+$0x460];
	_ =	sdelay $0x1  }
0x2c7: {  	v63 =	vor.u32 v21, v24;
	_ =	sdelay $0x2  }
0x2c8: {  	v26 =	vmul.f32 v26, v48;
	_ =	sdelay $0x1  }
0x2c9: {  	[tilespmem:v63+s4+$0x0] =	vst.idx.add.f32.msk $0xffff, v26  }
0x2ca: {  	v26 =	vld [tilespmem:s2+$0x470]  }
0x2cb: {  	s5 =	sadd.s32 $0x1, s5  }
0x2cc: {  	p0 =	sne.s32 s5, $0x5;
	v24 =	vor.u32 v22, v24  }
.Ltmp10:
0x2cd: {  	_ = 	snop;
	(pc) =	sbr.rel @p0 .LBB2_15-.Ltmp10, $3  }
0x2ce: {  	_ = 	snop  }
0x2cf: {  	v25 =	vmul.f32 v26, v48;
	_ =	sdelay $0x1  }
0x2d0: {  	s1 =	sadd.s32 $0x40, s1;
	[tilespmem:v24+s4+$0x0] =	vst.idx.add.f32.msk $0xffff, v25  }
0x2d1: {  	s0 =	rddreg [dreg:$0x4]  }
0x2d2: {  	s1 =	rddreg [dreg:$0xa]  }
0x2d3: {  	s0 =	sadd.s32 s0, s1  }
0x2d4: {  	s31 =	rddreg [dreg:$0x6];
	s0 =	sshll.u32 s0, $0x5  }
0x2d5: {  	s0 =	sadd.s32 s31, s0  }
0x2d6: {  	[hbm4b:s0+s4] =	stream.linear.scatter [tilespmem:s4], [sflag:$0x2], $0x14000, $0x38;
	[tilespmem:$0x1DA00] =	vst v63  }
0x2d7: {  	_ =	swait.ge [sflag:s13], $0x14000  }
0x2d8: {  	s7 =	rddreg [dreg:$0x9]  }
0x2d9: {  	s7 =	sadd.s32 $0x1, s7  }
0x2da: {  	p0 =	sne.s32 s7, $0xC  }
.Ltmp11:
0x2db: {  	_ = 	snop;
	(pc) =	sbr.rel @p0 .LBB2_2-.Ltmp11, $3  }
0x2dc: {  	_ =	sdelay $0x1  }
0x2dd: {  	[sflag:s13] =	ssyncset.done $0x0  }
0x2de: {  	[sflag:s13] =	ssyncadd.s32 $0xFFFEC000  }
0x2df: {  	s1 =	rddreg [dreg:$0x8]  }
0x2e0: {  	s0 =	rddreg [dreg:$0x7];
	s1 =	sadd.s32 $0x1, s1  }
0x2e1: {  	p0 =	sne.s32 s1, s0  }
.Ltmp12:
0x2e2: {  	_ = 	snop;
	(pc) =	sbr.rel @p0 .LBB2_1-.Ltmp12, $1  }
0x2e3: {  	_ =	sdelay $0x3  }
0x2e4: {  	_ =	sfence.sel $0x180000  }
0x2e5: {  	[bflag:$0x0] =	sbarrier.arrive $0xFFFF  }
0x2e6: {  	_ =	strace $0x9000004A  }
0x2e7: {  	s0 =	stileid.u32;
	[bflag:$0x2] =	sbarrier.arrive $0xFFFF  }
0x2e8: {  	p0 =	sne.s32 s0, $0x0;
	s0 =	rddreg [dreg:$0x3]  }
0x2e9: {  	s0 =	sadd.s32 @!p0 $0x100000, s0  }
0x2ea: {  	[sflag:s0] =	ssyncadd.tile.s32 @!p0 $0x1;
	_ =	shalt  }
.Lfunc_end2:
_tile_overlayer_lowered:
.L_overlay_start_2:
0x2eb: {  	(tag) =	ssettag $0x2  }
0x2ec: {  	s0 =	rddreg [dreg:$0x0];
	s2 =	stileid.u32  }
0x2ed: {  	s1 =	rddreg [dreg:$0x1];
	p0 =	sne.s32 s2, $0x0  }
0x2ee: {  	s3 =	rddreg [dreg:$0x2];
	[bflag:$0x3] =	sbarrier.arrive $0xFFFF;
	s2 =	simm.s32 @!p0 $0x1C02  }
0x2ef: {  	[timem:s3], [sflag:s2] =	dma.local @!p0 [hbm:s0], s1  }
0x2f0: {  	s0 =	simm.s32 @!p0 $0x2  }
0x2f1: {  	_ =	swait.ge @!p0 [sflag:s0], s1  }
0x2f2: {  	s1 =	ssub.s32 @!p0 $0x0, s1;
	[sflag:s0] =	ssyncset.done @!p0 $0x0  }
0x2f3: {  	[sflag:s0] =	ssyncadd.s32 @!p0 s1  }
0x2f4: {  	[bflag:$0x3] =	sbarrier.arrive $0xFFFF  }
0x2f5: {  	_ =	shalt  }

// kernel: kernel.8.cloned.1.call-start
scs
__scs_entry_jumppad:
0x0: {  	(pc) =	sbr.rel $0x88, $3  }
0x1: {  	(tag) =	ssettag $0x0;
	lr =	simm.s32 $0x1  }
0x2: {  	[smem:$0x3F9C] =	sst lr;
	_ =	strace $0xD0000000  }
0x3: {  	_ = 	snop  }
0x4: {  	_ = 	snop  }
0x5: {  	_ = 	snop  }
0x6: {  	_ = 	snop  }
0x7: {  	_ = 	snop  }
__scs_overlays_trampoline_lowered:
0x8: {  	[smem:$0x3FAB] =	sst s0  }
0x9: {  	[smem:$0x3FAC] =	sst s1  }
0xa: {  	[smem:$0x3FAD] =	sst s2  }
0xb: {  	[smem:$0x3FAE] =	sst s3  }
0xc: {  	[smem:$0x3FAF] =	sst s4  }
0xd: {  	[smem:$0x3FB0] =	sst s5  }
0xe: {  	[smem:$0x3FB1] =	sst s6  }
0xf: {  	[smem:$0x3FB2] =	sst s7  }
0x10: {  	[smem:$0x3FB3] =	sst s8  }
0x11: {  	[smem:$0x3FB4] =	sst s9;
	s0 =	simm.s32 @!p0 $0x0  }
0x12: {  	s1 =	sld [smem:$0x3F9A];
	s0 =	simm.s32 @p0 $0x1  }
0x13: {  	[smem:$0x3FB5] =	sst s0;
	s0 =	simm.s32 @!p1 $0x0  }
0x14: {  	s2 =	sld [smem:$0x3F99];
	s0 =	simm.s32 @p1 $0x1  }
0x15: {  	[smem:$0x3FB6] =	sst s0;
	s0 =	simm.s32 @!p2 $0x0  }
0x16: {  	s3 =	sld [smem:$0x3FDB];
	s0 =	simm.s32 @p2 $0x1  }
0x17: {  	s4 =	simm.s32 $0x1BF5;
	[smem:$0x3FB8] =	sst s0  }
0x18: {  	s0 =	sld [smem:$0x3F9B];
	_ =	swait.ge [sflag:s4], $0x0  }
0x19: {  	s7 =	sld [smem:$0x3F9C]  }
0x1a: {  	s8 =	sadd.s32 $0xFFFFE003, lr  }
0x1b: {  	s9 =	sadd.s32 $0xFFFFFEF7, lr;
	s5 =	simm.s32 $0xFFFFFFFF;
	p2 =	slt.u32 s8, $0xFFFFF086  }
0x1c: {  	p1 =	slt.u32 s9, $0xF7A;
	s5 =	simm.s32 @!p2 $0x0  }
0x1d: {  	s5 =	simm.s32 @p1 $0x1;
	p0 =	seq.s32 s7, s2  }
0x1e: {  	s7 =	smul.u32 @!p0 $0xF7A, s2;
	p2 =	seq.s32 @!p0 s5, $0x0  }
0x1f: {  	s9 =	smul.u32 $0xF7A, s1;
	s8 =	simm.s32 @!p0 $0x1BF5;
	p2 =	por !p2, p0  }
0x20: {  	[sflag:s8] =	ssyncset.s32 @!p0 $0xFFFFF086;
	s6 =	sadd.s32 @!p0 s3, s7;
	s7 =	simm.s32 @!p0 $0x108  }
0x21: {  	s3 =	sadd.s32 s3, s9;
	s6 =	sadd.s32 @!p0 $0x88, s6;
	s7 =	simm.s32 @p2 $0x1082  }
0x22: {  	[simem:s7], [sflag:s8] =	dma.local @!p0 [hbm:s6], $0xF7A  }
0x23: {  	s9 =	sor.u32 $0xD0000000, s2;
	s6 =	simm.s32 $0x108;
	_ =	swait.ge @!p0 [sflag:s8], $0x0  }
0x24: {  	s3 =	sadd.s32 $0x88, s3;
	s6 =	simm.s32 @!p1 $0x1082;
	[sflag:s4] =	ssyncset.s32 $0xFFFFF086  }
0x25: {  	[simem:s6], [sflag:s4] =	dma.local [hbm:s3], $0xF7A  }
0x26: {  	[smem:$0x3F9C] =	sst s1;
	(tag) =	ssettag s2;
	_ =	strace s9  }
0x27: {  	s1 =	sld [smem:$0x3FAC]  }
0x28: {  	s2 =	sld [smem:$0x3FAD]  }
0x29: {  	s4 =	sld [smem:$0x3FAF]  }
0x2a: {  	p0 =	seq.s32 s5, $0x0;
	s5 =	sld [smem:$0x3FB0]  }
0x2b: {  	s6 =	sld [smem:$0x3FB1]  }
0x2c: {  	s7 =	sld [smem:$0x3FB2]  }
0x2d: {  	s3 =	simm.s32 $0x108;
	s8 =	sld [smem:$0x3FB3]  }
0x2e: {  	s3 =	simm.s32 @!p0 $0x1082;
	s9 =	sld [smem:$0x3FB4]  }
0x2f: {  	lr =	sadd.s32 s0, s3;
	s0 =	sld [smem:$0x3FAB]  }
0x30: {  	s3 =	sld [smem:$0x3FAE]  }
0x31: {  	[smem:$0x3FB7] =	sst s10  }
0x32: {  	s10 =	sld [smem:$0x3FB5];
	_ =	sdelay $0x3  }
0x33: {  	p0 =	seq.s32 s10, $0x1;
	s10 =	sld [smem:$0x3FB7];
	_ =	sdelay $0x3  }
0x34: {  	[smem:$0x3FB7] =	sst s10  }
0x35: {  	s10 =	sld [smem:$0x3FB6];
	_ =	sdelay $0x3  }
0x36: {  	p1 =	seq.s32 s10, $0x1;
	s10 =	sld [smem:$0x3FB7];
	_ =	sdelay $0x3  }
0x37: {  	[smem:$0x3FB7] =	sst s10  }
0x38: {  	s10 =	sld [smem:$0x3FB8]  }
0x39: {  	_ = 	snop;
	(pc) =	sbr.ind lr, $3  }
0x3a: {  	_ = 	snop  }
0x3b: {  	_ = 	snop  }
0x3c: {  	p2 =	seq.s32 s10, $0x1;
	s10 =	sld [smem:$0x3FB7]  }
0x3d: {  	_ =	shalt  }
0x3e: {  	_ =	shalt  }
0x3f: {  	_ =	shalt  }
0x40: {  	_ =	shalt  }
0x41: {  	_ =	shalt  }
0x42: {  	_ =	shalt  }
0x43: {  	_ =	shalt  }
0x44: {  	_ =	shalt  }
0x45: {  	_ =	shalt  }
0x46: {  	_ =	shalt  }
0x47: {  	_ =	shalt  }
0x48: {  	_ =	shalt  }
0x49: {  	_ =	shalt  }
0x4a: {  	_ =	shalt  }
0x4b: {  	_ =	shalt  }
0x4c: {  	_ =	shalt  }
0x4d: {  	_ =	shalt  }
0x4e: {  	_ =	shalt  }
0x4f: {  	_ =	shalt  }
0x50: {  	_ =	shalt  }
0x51: {  	_ =	shalt  }
0x52: {  	_ =	shalt  }
0x53: {  	_ =	shalt  }
0x54: {  	_ =	shalt  }
0x55: {  	_ =	shalt  }
0x56: {  	_ =	shalt  }
0x57: {  	_ =	shalt  }
0x58: {  	_ =	shalt  }
0x59: {  	_ =	shalt  }
0x5a: {  	_ =	shalt  }
0x5b: {  	_ =	shalt  }
0x5c: {  	_ =	shalt  }
0x5d: {  	_ =	shalt  }
0x5e: {  	_ =	shalt  }
0x5f: {  	_ =	shalt  }
0x60: {  	_ =	shalt  }
0x61: {  	_ =	shalt  }
0x62: {  	_ =	shalt  }
0x63: {  	_ =	shalt  }
0x64: {  	_ =	shalt  }
0x65: {  	_ =	shalt  }
0x66: {  	_ =	shalt  }
0x67: {  	_ =	shalt  }
0x68: {  	_ =	shalt  }
0x69: {  	_ =	shalt  }
0x6a: {  	_ =	shalt  }
0x6b: {  	_ =	shalt  }
0x6c: {  	_ =	shalt  }
0x6d: {  	_ =	shalt  }
0x6e: {  	_ =	shalt  }
0x6f: {  	_ =	shalt  }
0x70: {  	_ =	shalt  }
0x71: {  	_ =	shalt  }
0x72: {  	_ =	shalt  }
0x73: {  	_ =	shalt  }
0x74: {  	_ =	shalt  }
0x75: {  	_ =	shalt  }
0x76: {  	_ =	shalt  }
0x77: {  	_ =	shalt  }
0x78: {  	_ =	shalt  }
0x79: {  	_ =	shalt  }
0x7a: {  	_ =	shalt  }
0x7b: {  	_ =	shalt  }
0x7c: {  	_ =	shalt  }
0x7d: {  	_ =	shalt  }
0x7e: {  	_ =	shalt  }
0x7f: {  	_ =	shalt  }
0x80: {  	_ =	shalt  }
0x81: {  	_ =	shalt  }
0x82: {  	_ =	shalt  }
0x83: {  	_ =	shalt  }
0x84: {  	_ =	shalt  }
0x85: {  	_ =	shalt  }
0x86: {  	_ =	shalt  }
0x87: {  	_ =	shalt  }
.Lfunc_end0:
.L_simem_size_0:
called_computation_lowered:
.L_overlay_start_0:
0x88: {  	s2 =	sld [smem:$0x3FD9]  }
0x89: {  	s3 =	sld [smem:$0x3FFE];
	_ =	sdelay $0x1  }
0x8a: {  	s1 =	srdreg.scid  }
0x8b: {  	s0 =	sand.u32 $0x1, s1  }
0x8c: {  	s17 =	sshll.u32 s0, $0xA;
	s2 =	sadd.s32 s3, s2  }
0x8d: {  	s2 =	sadd.s32 s2, s17  }
0x8e: {  	[smem:$0x3FC3] =	sst s2  }
0x8f: {  	_ = 	snop  }
0x90: {  	s2 =	sld [smem:$0x3FC7]  }
0x91: {  	s18 =	sld [smem:$0x3FD0];
	(tm) =	ssettm $0x1  }
0x92: {  	s4 =	sld [smem:$0x3FFB];
	_ =	sdelay $0x3  }
0x93: {  	_ =	strace s4  }
0x94: {  	s4 =	sld [smem:$0x3FFC];
	_ =	sdelay $0x3  }
0x95: {  	_ =	strace s4  }
0x96: {  	s4 =	sld [smem:$0x3FFD];
	_ =	sdelay $0x3  }
0x97: {  	_ =	strace s4  }
0x98: {  	_ =	strace $0x8FFFFFFF  }
0x99: {  	s19 =	sld [smem:$0x3FDB];
	_ =	sdelay $0x1  }
0x9a: {  	s5 =	simm.s32 $_scs_section_size  }
0x9b: {  	s6 =	simm.s32 $_size__tile_overlayer_lowered;
	s7 =	simm.s32 $_tile_overlayer_lowered  }
0x9c: {  	s22 =	simm.s32 $0x1BFF;
	s21 =	sshll.u32 s7, $0x1;
	s4 =	sadd.s32 s5, s19  }
0x9d: {  	s8 =	simm.s32 $0x0;
	s20 =	sshll.u32 s6, $0x1;
	s6 =	sadd.s32 s21, s4  }
0x9e: {  	[timem:s8], [sflag:s22] =	dma.local [hbm:s6], s20  }
0x9f: {  	_ =	swait.ge [sflag:s22], s20  }
0xa0: {  	s5 =	ssub.s32 $0x0, s20;
	[sflag:s22] =	ssyncset.done $0x0  }
0xa1: {  	[sflag:s22] =	ssyncadd.s32 s5;
	_ =	sdelay $0x1  }
0xa2: {  	s23 =	simm.s32 $0x1B8B  }
0xa3: {  	_ =	swait.ge [sflag:s23], $0x1  }
0xa4: {  	[sflag:s23] =	ssyncset.done $0x0  }
0xa5: {  	s25 =	simm.s32 $0x1B8E;
	s24 =	sld [smem:$0x3FFE];
	[sflag:s23] =	ssyncadd.s32 $0xFFFFFFFF  }
0xa6: {  	s26 =	simm.s32 $execute0_lowered;
	[smem:$0x3FD2] =	sst s25  }
0xa7: {  	s6 =	sshll.u32 s26, $0x1;
	_ =	strace $0x80000046;
	[dreg:$0x1] =	wrdreg $0xFFFFFFFF  }
0xa8: {  	s28 =	simm.s32 $_size_execute0_lowered;
	s4 =	sadd.s32 s4, s6;
	[dreg:$0x0] =	wrdreg $0x0  }
0xa9: {  	s6 =	sshll.u32 s28, $0x1;
	[dreg:$0x2] =	wrdreg s4  }
0xaa: {  	[dreg:$0x3] =	wrdreg s6  }
0xab: {  	[dreg:$0x4] =	wrdreg $0xC0  }
0xac: {  	_ =	task [dreg:s8], $0x5FFFF  }
0xad: {  	[dreg:$0x1] =	wrdreg $0xFFFFFFFF  }
0xae: {  	[dreg:$0x0] =	wrdreg $0x60  }
0xaf: {  	[dreg:$0x2] =	wrdreg s18  }
0xb0: {  	[dreg:$0x3] =	wrdreg s2  }
0xb1: {  	[dreg:$0x4] =	wrdreg s24  }
0xb2: {  	[dreg:$0x5] =	wrdreg $0x9  }
0xb3: {  	_ =	task.clear_ibuf [dreg:s8], $0x6FFFF;
	_ =	strace $0x90000046  }
0xb4: {  	s29 =	simm.s32 $0x9;
	_ =	strace $0x80000048  }
0xb5: {  	_ =	swait.ge [sflag:s29], $0x1  }
0xb6: {  	[sflag:s29] =	ssyncadd.s32 $0xFFFFFFFF  }
0xb7: {  	_ =	strace $0x90000048  }
0xb8: {  	_ =	sfence  }
0xb9: {  	s30 =	sld [smem:$0x0];
	_ =	sdelay $0x2  }
0xba: {  	s31 =	sshll.u32 s1, $0xD;
	s1 =	sshrl.u32 s1, $0x2  }
0xbb: {  	s3 =	sand.u32 $0x4000, s31;
	s1 =	sadd.s32 s1, s30  }
0xbc: {  	s0 =	sor.u32 s3, s0;
	s1 =	sshll.u32 s1, $0x11  }
0xbd: {  	s0 =	sor.u32 s1, s0  }
0xbe: {  	s0 =	sadd.s32 $0x8F2B, s0  }
0xbf: {  	[sflag:s0] =	ssyncadd.remote.s32 $0x1  }
0xc0: {  	_ =	sfence.sel $0xFFFF  }
0xc1: {  	[dreg:$0x0] =	wrdreg $0xFFFFFFFF;
	(pc) =	sbr.abs _section_cstart, $3  }
0xc2: {  	[dreg:$0x1] =	wrdreg $0xFFFFFFFF  }
0xc3: {  	_ =	task.clear_ibuf [dreg:s8], $0x2FFFF;
	_ =	strace $0x9FFFFFFF  }
0xc4: {  	(tm) =	ssettm $0x7FFFFFFF  }
0xc5: {  	_ =	shalt  }
tec
execute0_lowered:
.L_overlay_start_1:
0x0: {  	(tag) =	ssettag $0x1  }
0x1: {  	s1 =	rddreg [dreg:$0x0]  }
0x2: {  	s2 =	srdreg.scid;
	s3 =	rddreg [dreg:$0x1]  }
0x3: {  	s0 =	stileid.u32;
	s6 =	rddreg [dreg:$0x2]  }
0x4: {  	s4 =	simm.s32 $0x0;
	s5 =	sand.u32 $0x1, s2;
	s30 =	sshll.u32 s0, $0x1  }
0x5: {  	s10 =	simm.s32 $0x2400;
	s11 =	simm.s32 $0x0;
	s2 =	sor.u32 s5, s30  }
0x6: {  	[smem:$0x7FF] =	sst s4;
	s5 =	ssub.s32 $0x2, s5;
	s7 =	smul.u32 $0x140, s2  }
0x7: {  	s2 =	rddreg [dreg:$0x3];
	_ =	strace $0x80000047;
	s31 =	sshrl.u32 s5, $0x1  }
0x8: {  	s8 =	sshrl.u32 s7, $0x3;
	s9 =	sadd.s32 $0x140, s7;
	v0 =	vmov s7;
	s7 =	simm.s32 $0x1  }
0x9: {  	v1 =	vlaneseq.u32;
	s6 =	sadd.s32 s8, s6;
	s8 =	ssub.s32 s5, s31;
	v2 =	vmov s9;
	s9 =	simm.s32 $0x1000  }
0xa: {  	v3 =	vimm.f32 $0.0e+00;
	v4 =	vmul.u32 $0x10, v1;
	s5 =	sadd.s32 $0x3400, s6;
	s6 =	smax.u32 s8, $0x1;
	s8 =	simm.s32 $0x800  }
.LBB2_1:
0xb: {  	s12 =	simm.s32 $0x40;
	s13 =	simm.s32 $0x0  }
.LBB2_2:
0xc: {  	p0 =	sne.s32 s12, $0x4FC0;
	[tilespmem:s13+$0x1000] =	vst v3;
	s13 =	smov.u32 s12;
	s12 =	sadd.s32 $0x40, s12  }
.Ltmp0:
0xd: {  	(pc) =	sbr.rel @p0 .LBB2_2-.Ltmp0, $2  }
0xe: {  	_ =	sdelay $0x2  }
0xf: {  	s13 =	sshra.s32 s13, $0x2  }
0x10: {  	[tilespmem:s13+$0x1000] =	vst v3;
	s12 =	simm.s32 $0x0;
	s13 =	simm.s32 $0x0  }
.LBB2_4:
0x11: {  	s14 =	smul.u32 $0xFA, s13;
	_ =	sdelay $0x1  }
0x12: {  	s15 =	sadd.s32 s1, s14  }
0x13: {  	[tilespmem:s12], [sflag:$0x1] =	stream.linear.gather [hbm4b:s15+s12], $0x7D0, $0x38;
	[tilespmem:$0x2580] =	vst v63  }
0x14: {  	_ =	swait.ge [sflag:s7], $0x7D0  }
0x15: {  	[sflag:s7] =	ssyncset.done $0x0  }
0x16: {  	s14 =	sadd.s32 s3, s14;
	[sflag:s7] =	ssyncadd.s32 $0xFFFFF830  }
0x17: {  	[tilespmem:s8], [sflag:$0x1] =	stream.linear.gather [hbm4b:s14+s12], $0x7D0, $0x38;
	[tilespmem:$0x2580] =	vst v63  }
0x18: {  	_ =	swait.ge [sflag:s7], $0x7D0  }
0x19: {  	[sflag:s7] =	ssyncset.done $0x0  }
0x1a: {  	s15 =	simm.s32 $0x40;
	s14 =	simm.s32 $0x0;
	[sflag:s7] =	ssyncadd.s32 $0xFFFFF830  }
.LBB2_5:
0x1b: {  	p0 =	sne.s32 s15, $0x1F00;
	v5 =	vld [tilespmem:s14+$0x0];
	_ =	sdelay $0x4  }
0x1c: {  	v6 =	vsub.s32 v5, v0  }
0x1d: {  	vm0 =	vge.s32 v5, v0;
	vm1 =	vlt.s32 v5, v2;
	v5 =	vshll.u32 v6, $0x4  }
0x1e: {  	vm0 =	vmand vm0, vm1;
	v5 =	vor.u32 v1, v5  }
0x1f: {  	v6 =	vld [tilespmem:s14+$0x800];
	v5 =	vsel vm0, v5, v1  }
.Ltmp1:
0x20: {  	(pc) =	sbr.rel @p0 .LBB2_5-.Ltmp1, $2  }
0x21: {  	_ =	sdelay $0x2  }
0x22: {  	s14 =	sshra.s32 s15, $0x2;
	s15 =	sadd.s32 $0x40, s15;
	[tilespmem:v5+s9+$0x0] =	vst.idx.add.f32.msk vm0, v6  }
0x23: {  	v5 =	vld [tilespmem:s14+$0x0];
	_ =	sdelay $0x4  }
0x24: {  	v6 =	vsub.s32 v5, v0  }
0x25: {  	vm0 =	vge.s32 v5, v0;
	vm1 =	vlt.s32 v5, v2;
	v5 =	vshll.u32 v6, $0x4  }
0x26: {  	s13 =	sadd.s32 $0x1, s13;
	vm0 =	vmand vm0, vm1;
	v5 =	vor.u32 v1, v5  }
0x27: {  	p0 =	sne.s32 s13, $0x28;
	v6 =	vld [tilespmem:s14+$0x800];
	v5 =	vsel vm0, v5, v1  }
.Ltmp2:
0x28: {  	_ = 	snop;
	(pc) =	sbr.rel @p0 .LBB2_4-.Ltmp2, $2  }
0x29: {  	_ =	sdelay $0x2  }
0x2a: {  	[tilespmem:v5+s9+$0x0] =	vst.idx.add.f32.msk vm0, v6  }
0x2b: {  	s12 =	simm.s32 $0x0  }
0x2c: {  	v5 =	vmov s12  }
0x2d: {  	v5 =	vshll.u32 v5, $0x4  }
0x2e: {  	v5 =	vor.u32 v4, v5;
	_ =	sdelay $0x1  }
0x2f: {  	v6 =	vor.u32 $0x1, v5;
	_ =	sdelay $0x1  }
0x30: {  	v7 =	vor.u32 $0x2, v5  }
0x31: {  	v8 =	vld.idx.msk [tilespmem:v5+s9+$0x0], $0xffff  }
0x32: {  	v9 =	vor.u32 $0x3, v5  }
0x33: {  	v6 =	vld.idx.msk [tilespmem:v6+s9+$0x0], $0xffff  }
0x34: {  	v10 =	vor.u32 $0x4, v5  }
0x35: {  	v7 =	vld.idx.msk [tilespmem:v7+s9+$0x0], $0xffff  }
0x36: {  	v11 =	vor.u32 $0x5, v5;
	v8 =	vadd.f32 $0.0e+00, v8  }
0x37: {  	v9 =	vld.idx.msk [tilespmem:v9+s9+$0x0], $0xffff  }
0x38: {  	v12 =	vor.u32 $0x6, v5;
	v6 =	vadd.f32 v6, v8  }
0x39: {  	v8 =	vld.idx.msk [tilespmem:v10+s9+$0x0], $0xffff  }
0x3a: {  	v38 =	vor.u32 $0x7, v5;
	v6 =	vadd.f32 v7, v6  }
0x3b: {  	v7 =	vld.idx.msk [tilespmem:v11+s9+$0x0], $0xffff  }
0x3c: {  	v39 =	vor.u32 $0x8, v5;
	v6 =	vadd.f32 v9, v6  }
0x3d: {  	v40 =	vld.idx.msk [tilespmem:v12+s9+$0x0], $0xffff  }
0x3e: {  	v41 =	vor.u32 $0x9, v5;
	v6 =	vadd.f32 v8, v6  }
0x3f: {  	v8 =	vld.idx.msk [tilespmem:v38+s9+$0x0], $0xffff  }
0x40: {  	v42 =	vor.u32 $0xA, v5;
	v6 =	vadd.f32 v7, v6  }
0x41: {  	v7 =	vld.idx.msk [tilespmem:v39+s9+$0x0], $0xffff  }
0x42: {  	v43 =	vor.u32 $0xB, v5;
	v6 =	vadd.f32 v40, v6  }
0x43: {  	v44 =	vld.idx.msk [tilespmem:v41+s9+$0x0], $0xffff  }
0x44: {  	v45 =	vor.u32 $0xC, v5;
	v6 =	vadd.f32 v8, v6  }
0x45: {  	v8 =	vld.idx.msk [tilespmem:v42+s9+$0x0], $0xffff  }
0x46: {  	v46 =	vor.u32 $0xD, v5;
	v6 =	vadd.f32 v7, v6  }
0x47: {  	v7 =	vld.idx.msk [tilespmem:v43+s9+$0x0], $0xffff  }
0x48: {  	v47 =	vor.u32 $0xE, v5;
	v6 =	vadd.f32 v44, v6  }
0x49: {  	v48 =	vld.idx.msk [tilespmem:v45+s9+$0x0], $0xffff  }
0x4a: {  	v5 =	vor.u32 $0xF, v5;
	v6 =	vadd.f32 v8, v6  }
0x4b: {  	v8 =	vld.idx.msk [tilespmem:v46+s9+$0x0], $0xffff  }
0x4c: {  	v6 =	vadd.f32 v7, v6  }
0x4d: {  	v7 =	vld.idx.msk [tilespmem:v47+s9+$0x0], $0xffff  }
0x4e: {  	v6 =	vadd.f32 v48, v6  }
0x4f: {  	v5 =	vld.idx.msk [tilespmem:v5+s9+$0x0], $0xffff  }
0x50: {  	v6 =	vadd.f32 v8, v6  }
0x51: {  	s31 =	simm.s32 $0x10  }
0x52: {  	v8 =	vmov s31;
	v6 =	vadd.f32 v7, v6  }
0x53: {  	v7 =	vshll.u32 v8, $0x4  }
0x54: {  	v7 =	vor.u32 v4, v7;
	v5 =	vadd.f32 v5, v6;
	_ =	sdelay $0x1  }
0x55: {  	v6 =	vor.u32 $0x1, v7;
	v5 =	vadd.f32 $1.000000000e+00, v5  }
0x56: {  	s12 =	simm.s32 $0x2400  }
0x57: {  	v8 =	vor.u32 $0x2, v7;
	[tilespmem:s12+$0x0] =	vst v5  }
0x58: {  	v5 =	vld.idx.msk [tilespmem:v7+s9+$0x0], $0xffff  }
0x59: {  	v49 =	vor.u32 $0x3, v7  }
0x5a: {  	v6 =	vld.idx.msk [tilespmem:v6+s9+$0x0], $0xffff  }
0x5b: {  	v50 =	vor.u32 $0x4, v7  }
0x5c: {  	v8 =	vld.idx.msk [tilespmem:v8+s9+$0x0], $0xffff  }
0x5d: {  	v51 =	vor.u32 $0x5, v7;
	v5 =	vadd.f32 $0.0e+00, v5  }
0x5e: {  	v9 =	vld.idx.msk [tilespmem:v49+s9+$0x0], $0xffff  }
0x5f: {  	v52 =	vor.u32 $0x6, v7;
	v5 =	vadd.f32 v6, v5  }
0x60: {  	v6 =	vld.idx.msk [tilespmem:v50+s9+$0x0], $0xffff  }
0x61: {  	v53 =	vor.u32 $0x7, v7;
	v5 =	vadd.f32 v8, v5  }
0x62: {  	v8 =	vld.idx.msk [tilespmem:v51+s9+$0x0], $0xffff  }
0x63: {  	v54 =	vor.u32 $0x8, v7;
	v5 =	vadd.f32 v9, v5  }
0x64: {  	v55 =	vld.idx.msk [tilespmem:v52+s9+$0x0], $0xffff  }
0x65: {  	v56 =	vor.u32 $0x9, v7;
	v5 =	vadd.f32 v6, v5  }
0x66: {  	v6 =	vld.idx.msk [tilespmem:v53+s9+$0x0], $0xffff  }
0x67: {  	v57 =	vor.u32 $0xA, v7;
	v5 =	vadd.f32 v8, v5  }
0x68: {  	v8 =	vld.idx.msk [tilespmem:v54+s9+$0x0], $0xffff  }
0x69: {  	v58 =	vor.u32 $0xB, v7;
	v5 =	vadd.f32 v55, v5  }
0x6a: {  	v59 =	vld.idx.msk [tilespmem:v56+s9+$0x0], $0xffff  }
0x6b: {  	v60 =	vor.u32 $0xC, v7;
	v5 =	vadd.f32 v6, v5  }
0x6c: {  	v6 =	vld.idx.msk [tilespmem:v57+s9+$0x0], $0xffff  }
0x6d: {  	v61 =	vor.u32 $0xD, v7;
	v5 =	vadd.f32 v8, v5  }
0x6e: {  	v8 =	vld.idx.msk [tilespmem:v58+s9+$0x0], $0xffff  }
0x6f: {  	v5 =	vadd.f32 v59, v5  }
0x70: {  	v62 =	vor.u32 $0xE, v7;
	v63 =	vld.idx.msk [tilespmem:v60+s9+$0x0], $0xffff  }
0x71: {  	v5 =	vadd.f32 v6, v5  }
0x72: {  	v7 =	vor.u32 $0xF, v7;
	v6 =	vld.idx.msk [tilespmem:v61+s9+$0x0], $0xffff  }
0x73: {  	v5 =	vadd.f32 v8, v5;
	_ =	sdelay $0x1  }
0x74: {  	v8 =	vld.idx.msk [tilespmem:v62+s9+$0x0], $0xffff;
	v5 =	vadd.f32 v63, v5;
	_ =	sdelay $0x1  }
0x75: {  	v6 =	vadd.f32 v6, v5;
	v5 =	vld.idx.msk [tilespmem:v7+s9+$0x0], $0xffff;
	_ =	sdelay $0x1  }
0x76: {  	s13 =	simm.s32 $0x20  }
0x77: {  	v7 =	vmov s13;
	s13 =	simm.s32 $0x30;
	v6 =	vadd.f32 v8, v6  }
.LBB2_8:
0x78: {  	p0 =	sne.s32 s13, $0x130;
	v7 =	vshll.u32 v7, $0x4  }
0x79: {  	v7 =	vor.u32 v4, v7;
	v5 =	vadd.f32 v5, v6;
	_ =	sdelay $0x1  }
0x7a: {  	v6 =	vor.u32 $0x1, v7;
	v5 =	vadd.f32 $1.000000000e+00, v5  }
0x7b: {  	s12 =	sadd.s32 $0x10, s12  }
0x7c: {  	v8 =	vor.u32 $0x2, v7;
	[tilespmem:s12+$0x0] =	vst v5  }
0x7d: {  	v5 =	vld.idx.msk [tilespmem:v7+s9+$0x0], $0xffff  }
0x7e: {  	v9 =	vor.u32 $0x3, v7  }
0x7f: {  	v6 =	vld.idx.msk [tilespmem:v6+s9+$0x0], $0xffff  }
0x80: {  	v10 =	vor.u32 $0x4, v7  }
0x81: {  	v8 =	vld.idx.msk [tilespmem:v8+s9+$0x0], $0xffff  }
0x82: {  	v11 =	vor.u32 $0x5, v7  }
0x83: {  	v5 =	vadd.f32 $0.0e+00, v5;
	v9 =	vld.idx.msk [tilespmem:v9+s9+$0x0], $0xffff  }
0x84: {  	v12 =	vor.u32 $0x6, v7  }
0x85: {  	v5 =	vadd.f32 v6, v5;
	v6 =	vld.idx.msk [tilespmem:v10+s9+$0x0], $0xffff  }
0x86: {  	v10 =	vor.u32 $0x7, v7  }
0x87: {  	v5 =	vadd.f32 v8, v5;
	v8 =	vld.idx.msk [tilespmem:v11+s9+$0x0], $0xffff  }
0x88: {  	v11 =	vor.u32 $0x8, v7  }
0x89: {  	v5 =	vadd.f32 v9, v5;
	v9 =	vld.idx.msk [tilespmem:v12+s9+$0x0], $0xffff  }
0x8a: {  	v12 =	vor.u32 $0x9, v7  }
0x8b: {  	v5 =	vadd.f32 v6, v5;
	v6 =	vld.idx.msk [tilespmem:v10+s9+$0x0], $0xffff  }
0x8c: {  	v10 =	vor.u32 $0xA, v7  }
0x8d: {  	v5 =	vadd.f32 v8, v5;
	v8 =	vld.idx.msk [tilespmem:v11+s9+$0x0], $0xffff  }
0x8e: {  	v11 =	vor.u32 $0xB, v7  }
0x8f: {  	v5 =	vadd.f32 v9, v5;
	v9 =	vld.idx.msk [tilespmem:v12+s9+$0x0], $0xffff  }
0x90: {  	v12 =	vor.u32 $0xC, v7  }
0x91: {  	v5 =	vadd.f32 v6, v5;
	v6 =	vld.idx.msk [tilespmem:v10+s9+$0x0], $0xffff  }
0x92: {  	v10 =	vor.u32 $0xD, v7  }
0x93: {  	v5 =	vadd.f32 v8, v5;
	v8 =	vld.idx.msk [tilespmem:v11+s9+$0x0], $0xffff  }
0x94: {  	v11 =	vor.u32 $0xE, v7  }
0x95: {  	v5 =	vadd.f32 v9, v5;
	v9 =	vld.idx.msk [tilespmem:v12+s9+$0x0], $0xffff  }
0x96: {  	v7 =	vor.u32 $0xF, v7  }
0x97: {  	v5 =	vadd.f32 v6, v5;
	v6 =	vld.idx.msk [tilespmem:v10+s9+$0x0], $0xffff;
	_ =	sdelay $0x1  }
0x98: {  	v5 =	vadd.f32 v8, v5;
	v8 =	vld.idx.msk [tilespmem:v11+s9+$0x0], $0xffff;
	_ =	sdelay $0x1  }
.Ltmp3:
0x99: {  	v9 =	vadd.f32 v9, v5;
	v5 =	vld.idx.msk [tilespmem:v7+s9+$0x0], $0xffff;
	(pc) =	sbr.rel @p0 .LBB2_8-.Ltmp3, $3  }
0x9a: {  	_ = 	snop  }
0x9b: {  	v6 =	vadd.f32 v6, v9;
	_ =	sdelay $0x1  }
0x9c: {  	v7 =	vmov s13;
	s13 =	sadd.s32 $0x10, s13;
	v6 =	vadd.f32 v8, v6  }
0x9d: {  	v7 =	vshll.u32 v7, $0x4  }
0x9e: {  	v7 =	vor.u32 v4, v7;
	v5 =	vadd.f32 v5, v6;
	_ =	sdelay $0x1  }
0x9f: {  	v6 =	vor.u32 $0x1, v7;
	v5 =	vadd.f32 $1.000000000e+00, v5  }
0xa0: {  	s12 =	sadd.s32 $0x10, s12  }
0xa1: {  	v8 =	vor.u32 $0x2, v7;
	[tilespmem:s12+$0x0] =	vst v5  }
0xa2: {  	v5 =	vld.idx.msk [tilespmem:v7+s9+$0x0], $0xffff  }
0xa3: {  	v9 =	vor.u32 $0x3, v7  }
0xa4: {  	v6 =	vld.idx.msk [tilespmem:v6+s9+$0x0], $0xffff  }
0xa5: {  	v10 =	vor.u32 $0x4, v7  }
0xa6: {  	v8 =	vld.idx.msk [tilespmem:v8+s9+$0x0], $0xffff  }
0xa7: {  	v11 =	vor.u32 $0x5, v7;
	v5 =	vadd.f32 $0.0e+00, v5  }
0xa8: {  	v9 =	vld.idx.msk [tilespmem:v9+s9+$0x0], $0xffff  }
0xa9: {  	v12 =	vor.u32 $0x6, v7;
	v5 =	vadd.f32 v6, v5  }
0xaa: {  	v6 =	vld.idx.msk [tilespmem:v10+s9+$0x0], $0xffff  }
0xab: {  	v49 =	vor.u32 $0x7, v7;
	v5 =	vadd.f32 v8, v5  }
0xac: {  	v50 =	vld.idx.msk [tilespmem:v11+s9+$0x0], $0xffff  }
0xad: {  	v51 =	vor.u32 $0x8, v7;
	v5 =	vadd.f32 v9, v5  }
0xae: {  	v52 =	vld.idx.msk [tilespmem:v12+s9+$0x0], $0xffff  }
0xaf: {  	v53 =	vor.u32 $0x9, v7;
	v5 =	vadd.f32 v6, v5  }
0xb0: {  	v6 =	vld.idx.msk [tilespmem:v49+s9+$0x0], $0xffff  }
0xb1: {  	v54 =	vor.u32 $0xA, v7;
	v5 =	vadd.f32 v50, v5  }
0xb2: {  	v55 =	vld.idx.msk [tilespmem:v51+s9+$0x0], $0xffff  }
0xb3: {  	v56 =	vor.u32 $0xB, v7;
	v5 =	vadd.f32 v52, v5  }
0xb4: {  	v57 =	vld.idx.msk [tilespmem:v53+s9+$0x0], $0xffff  }
0xb5: {  	v58 =	vor.u32 $0xC, v7;
	v5 =	vadd.f32 v6, v5  }
0xb6: {  	v6 =	vld.idx.msk [tilespmem:v54+s9+$0x0], $0xffff  }
0xb7: {  	v59 =	vor.u32 $0xD, v7;
	v5 =	vadd.f32 v55, v5  }
0xb8: {  	v60 =	vld.idx.msk [tilespmem:v56+s9+$0x0], $0xffff  }
0xb9: {  	v61 =	vor.u32 $0xE, v7;
	v5 =	vadd.f32 v57, v5  }
0xba: {  	v62 =	vld.idx.msk [tilespmem:v58+s9+$0x0], $0xffff  }
0xbb: {  	v7 =	vor.u32 $0xF, v7;
	v5 =	vadd.f32 v6, v5  }
0xbc: {  	v6 =	vld.idx.msk [tilespmem:v59+s9+$0x0], $0xffff  }
0xbd: {  	v5 =	vadd.f32 v60, v5  }
0xbe: {  	v63 =	vld.idx.msk [tilespmem:v61+s9+$0x0], $0xffff  }
0xbf: {  	v5 =	vadd.f32 v62, v5  }
0xc0: {  	v7 =	vld.idx.msk [tilespmem:v7+s9+$0x0], $0xffff  }
0xc1: {  	v5 =	vadd.f32 v6, v5;
	_ =	sdelay $0x1  }
0xc2: {  	v5 =	vadd.f32 v63, v5;
	_ =	sdelay $0x1  }
0xc3: {  	v5 =	vadd.f32 v7, v5;
	_ =	sdelay $0x1  }
0xc4: {  	s11 =	sadd.s32 $0x1, s11;
	v5 =	vadd.f32 $1.000000000e+00, v5  }
0xc5: {  	p0 =	sne.s32 s11, s6;
	s12 =	sadd.s32 $0x10, s12  }
.Ltmp4:
0xc6: {  	[tilespmem:s12+$0x0] =	vst v5;
	(pc) =	sbr.rel @p0 .LBB2_1-.Ltmp4, $4  }
0xc7: {  	[hbm4b:s5+s4] =	stream.linear.scatter [tilespmem:s10], [sflag:$0x1], $0x140, $0x38;
	[tilespmem:$0x2580] =	vst v63  }
0xc8: {  	_ =	swait.ge [sflag:s7], $0x140  }
0xc9: {  	[sflag:s7] =	ssyncset.done $0x0  }
0xca: {  	[sflag:s7] =	ssyncadd.s32 $0xFFFFFEC0  }
0xcb: {  	_ =	sfence.sel $0x180000  }
0xcc: {  	[bflag:$0x0] =	sbarrier.arrive $0xFFFF  }
0xcd: {  	p0 =	sne.s32 s0, $0x0;
	_ =	strace $0x90000047  }
0xce: {  	s0 =	sadd.s32 @!p0 $0x100000, s2;
	[bflag:$0x2] =	sbarrier.arrive $0xFFFF  }
0xcf: {  	[sflag:s0] =	ssyncadd.tile.s32 @!p0 $0x1;
	_ =	shalt  }
.Lfunc_end2:
_tile_overlayer_lowered:
.L_overlay_start_2:
0xd0: {  	(tag) =	ssettag $0x2  }
0xd1: {  	s0 =	rddreg [dreg:$0x0];
	s2 =	stileid.u32  }
0xd2: {  	s1 =	rddreg [dreg:$0x1];
	p0 =	sne.s32 s2, $0x0  }
0xd3: {  	s3 =	rddreg [dreg:$0x2];
	[bflag:$0x3] =	sbarrier.arrive $0xFFFF;
	s2 =	simm.s32 @!p0 $0x1C01  }
0xd4: {  	[timem:s3], [sflag:s2] =	dma.local @!p0 [hbm:s0], s1  }
0xd5: {  	s0 =	simm.s32 @!p0 $0x1  }
0xd6: {  	_ =	swait.ge @!p0 [sflag:s0], s1  }
0xd7: {  	s1 =	ssub.s32 @!p0 $0x0, s1;
	[sflag:s0] =	ssyncset.done @!p0 $0x0  }
0xd8: {  	[sflag:s0] =	ssyncadd.s32 @!p0 s1  }
0xd9: {  	[bflag:$0x3] =	sbarrier.arrive $0xFFFF  }
0xda: {  	_ =	shalt  }

</sc_bundles>
